<compile_context>
chip_gen: v7x
topology: tpu7x:2x2x1
jax: 0.10.2.dev20260603
libtpu: 0.0.44.dev20260713+nightly
codegen_flags: <defaults>
</compile_context>

<pallas_src>
import functools

import jax
import jax.numpy as jnp
from jax import lax
from jax.experimental import pallas as pl
from jax.experimental.pallas import tpu as pltpu
from jax.experimental.pallas import tpu_sc as plsc

_L = 16


def _fast_rsqrt(x):
    i = lax.bitcast_convert_type(x, jnp.int32)
    i = jnp.int32(0x5F3759DF) - lax.shift_right_arithmetic(i, 1)
    y = lax.bitcast_convert_type(i, jnp.float32)
    for _ in range(2):
        y = y * (1.5 - 0.5 * x * y * y)
    return y


def _make_sc_kernel(B, T, C, K):
    assert C % _L == 0
    n_groups = T // _L
    c_chunks = C // _L
    mesh = plsc.VectorSubcoreMesh(
        core_axis_name="c", subcore_axis_name="s", num_cores=2, num_subcores=16
    )

    @functools.partial(
        pl.kernel,
        out_type=jax.ShapeDtypeStruct((B, C), jnp.float32),
        mesh=mesh,
        scratch_types=[
            pltpu.VMEM((T, C), jnp.float32),
            pltpu.VMEM((K, T), jnp.int32),
            pltpu.VMEM((T, _L), jnp.int32),
            pltpu.VMEM((T,), jnp.float32),
            pltpu.VMEM((T,), jnp.float32),
            pltpu.VMEM((K * _L, _L + 1), jnp.float32),
            pltpu.VMEM((K, _L + 1), jnp.float32),
            pltpu.VMEM((C,), jnp.float32),
        ],
        compiler_params=pltpu.CompilerParams(
            needs_layout_passes=False, use_tc_tiling_on_sc=False
        ),
    )
    def sc_kernel(
        x_hbm, idxt_hbm, idxp_hbm, out_hbm,
        x_v, idx_v, idxp_v, n2_v, w_v, red_v, sims_v, o_v,
    ):
        cid = lax.axis_index("c")
        sid = lax.axis_index("s")
        b = sid * 2 + cid

        pltpu.sync_copy(x_hbm.at[b], x_v)
        pltpu.sync_copy(idxt_hbm, idx_v)
        pltpu.sync_copy(idxp_hbm, idxp_v)
        plsc.subcore_barrier()

        zero16 = jnp.zeros((_L,), jnp.float32)
        lane = lax.iota(jnp.int32, _L)

        def norm_body(g, carry):
            @plsc.parallel_loop(0, _L, unroll=2)
            def _(sl):
                s = g * _L + sl
                acc = x_v[s, pl.ds(0, _L)] * x_v[s, pl.ds(0, _L)]
                for k in range(1, c_chunks):
                    v = x_v[s, pl.ds(k * _L, _L)]
                    acc = acc + v * v
                red_v[sl, pl.ds(0, _L)] = acc
            n2 = zero16
            for c in range(_L):
                n2 = n2 + plsc.load_gather(
                    red_v, [lane, jnp.full((_L,), c, jnp.int32)]
                )
            n2_v[pl.ds(g * _L, _L)] = n2
            w_v[pl.ds(g * _L, _L)] = zero16
            return carry

        lax.fori_loop(0, n_groups, norm_body, 0)
        plsc.subcore_barrier()

        def group_body(g, carry):
            t0 = g * _L

            @plsc.parallel_loop(0, _L, unroll=2)
            def _(tl):
                t = t0 + tl
                q = [x_v[t, pl.ds(k * _L, _L)] for k in range(c_chunks)]
                idxrow = idxp_v[t, pl.ds(0, _L)]
                for j in range(K):
                    s = idxrow[j]
                    acc = q[0] * x_v[s, pl.ds(0, _L)]
                    for k in range(1, c_chunks):
                        acc = acc + q[k] * x_v[s, pl.ds(k * _L, _L)]
                    red_v[j * _L + tl, pl.ds(0, _L)] = acc

            idxv = [idx_v[j, pl.ds(t0, _L)] for j in range(K)]
            q2 = n2_v[pl.ds(t0, _L)]

            @plsc.parallel_loop(0, K, unroll=1)
            def _(j):
                rows = j * _L + lane
                d = plsc.load_gather(red_v, [rows, jnp.zeros((_L,), jnp.int32)])
                for c in range(1, _L):
                    d = d + plsc.load_gather(
                        red_v, [rows, jnp.full((_L,), c, jnp.int32)]
                    )
                idxj = plsc.load_gather(idx_v, [jnp.full((_L,), j), t0 + lane])
                n2j = plsc.load_gather(n2_v, [idxj])
                sims_v[j, pl.ds(0, _L)] = d * _fast_rsqrt(
                    jnp.maximum(q2 * n2j, 1e-16)
                )

            sims = [sims_v[j, pl.ds(0, _L)] for j in range(K)]
            m = sims[0]
            for j in range(1, K):
                m = jnp.maximum(m, sims[j])
            exps = [jnp.exp(s - m) for s in sims]
            tot = exps[0]
            for j in range(1, K):
                tot = tot + exps[j]
            r = 1.0 / tot
            for j in range(K):
                plsc.addupdate_scatter(w_v, [idxv[j]], exps[j] * r)
            return carry

        lax.fori_loop(0, n_groups, group_body, 0)

        @plsc.parallel_loop(
            0, n_groups, unroll=1,
            carry=tuple(zero16 for _ in range(c_chunks)),
        )
        def acc(g, a):
            w16 = w_v[pl.ds(g * _L, _L)]
            for sl in range(_L):
                s = g * _L + sl
                wv = jnp.full((_L,), w16[sl])
                a = tuple(
                    a[k] + wv * x_v[s, pl.ds(k * _L, _L)]
                    for k in range(c_chunks)
                )
            return a
        scale = jnp.float32(1.0 / T)
        for k in range(c_chunks):
            o_v[pl.ds(k * _L, _L)] = acc[k] * scale
        pltpu.sync_copy(o_v, out_hbm.at[b])

    return sc_kernel


def kernel(X, neighbor_idx):
    B, T, C = X.shape
    K = neighbor_idx.shape[1]
    idx32 = neighbor_idx.astype(jnp.int32)
    idx_pad = jnp.pad(idx32, ((0, 0), (0, _L - K)))
    out = _make_sc_kernel(B, T, C, K)(X, idx32.T, idx_pad)
    return out.reshape(B, 1, C)

# --- scband reference (transcript-rebuilt; emitter-appended) ---
"""Pipeline reference for scband-adaptive-local-pooling-25039659336081 (READ-ONLY COPY).

The authoritative reference and input builder live on the scoring server;
editing this copy changes nothing except your own understanding.
"""

import jax, jax.numpy as jnp
import numpy as np


def setup_inputs(seed: int = 0) -> dict:
    key = jax.random.key(seed)
    k1, k2 = jax.random.split(key)
    X = jax.random.normal(k1, (32, 1024, 96), dtype=jnp.float32)
    neighbor_idx = jax.random.randint(k2, (1024, 9), 0, 1024, dtype=jnp.int64)
    return {"X": X, "neighbor_idx": neighbor_idx}


def reference(X, neighbor_idx):
    temperature = 1.0
    eps = 1e-8
    # neighbors = X[:, idx, :] -> [B, T, K, C]
    neighbors = jnp.take(X, neighbor_idx, axis=1)
    # q = X.unsqueeze(2) -> [B, T, 1, C]
    q = X[:, :, None, :]
    # cosine similarity along last dim (torch.F.cosine_similarity semantics)
    dot = jnp.sum(q * neighbors, axis=-1)  # [B, T, K]
    q_norm = jnp.sqrt(jnp.sum(q * q, axis=-1))  # [B, T, 1]
    n_norm = jnp.sqrt(jnp.sum(neighbors * neighbors, axis=-1))  # [B, T, K]
    sim = dot / jnp.maximum(q_norm * n_norm, eps)  # [B, T, K]
    w = jax.nn.softmax(sim / temperature, axis=-1)  # [B, T, K]
    pooled = jnp.sum(w[..., None] * neighbors, axis=2)  # [B, T, C]
    cls_token = jnp.mean(pooled, axis=1, keepdims=True)  # [B, 1, C]
    return cls_token

if __name__ == "__main__":
    import jax
    _d = setup_inputs()
    print(jax.jit(kernel)(*tuple(_d.values())))

</pallas_src>

<mosaic_0001>
#map = affine_map<(d0, d1) -> (0, 0, 0)>
#map1 = affine_map<(d0, d1) -> (0, 0)>
module attributes {stable_mosaic.version = 14 : i64} {
  func.func @sc_kernel(%arg0: i32, %arg1: i32, %arg2: memref<32x1024x96xf32, #tpu.memory_space<hbm>>, %arg3: memref<9x1024xi32, #tpu.memory_space<hbm>>, %arg4: memref<1024x16xi32, #tpu.memory_space<hbm>>, %arg5: memref<32x96xf32, #tpu.memory_space<hbm>>, %arg6: memref<1024x96xf32, #tpu.memory_space<vmem>>, %arg7: memref<9x1024xi32, #tpu.memory_space<vmem>>, %arg8: memref<1024x16xi32, #tpu.memory_space<vmem>>, %arg9: memref<1024xf32, #tpu.memory_space<vmem>>, %arg10: memref<1024xf32, #tpu.memory_space<vmem>>, %arg11: memref<144x17xf32, #tpu.memory_space<vmem>>, %arg12: memref<9x17xf32, #tpu.memory_space<vmem>>, %arg13: memref<96xf32, #tpu.memory_space<vmem>>) attributes {dimension_semantics = [#tpu.dimension_semantics<core_parallel>, #tpu.dimension_semantics<subcore_parallel>], iteration_bounds = array<i64: 2, 16>, scalar_prefetch = 0 : i64, scratch_operands = 8 : i64, tpu.core_type = #tpu.core_type<sc_vector_subcore>, window_params = [{transform_indices = #map}, {transform_indices = #map1}, {transform_indices = #map1}, {transform_indices = #map1}]} {
    %mul3A = arith.constant 2 : i32
    %mul3A_0 = arith.muli %arg1, %mul3A : i32
    %add3A = arith.addi %mul3A_0, %arg0 : i32
    "tpu.region"() ({
      %run_scoped3A = tpu.sem_alloc : memref<!tpu.dma_semaphore, #tpu.memory_space<semaphore_mem>>
      %dma_start3A = arith.constant 0 : i32
      %dma_start3A_46 = arith.constant 0 : i32
      %dma_start3A_47 = tpu.memref_slice %arg2[%add3A, %dma_start3A, %dma_start3A_46] : memref<32x1024x96xf32, #tpu.memory_space<hbm>> -> memref<1x1024x96xf32, #tpu.memory_space<hbm>>
      %dma_start3A_48 = tpu.memref_squeeze %dma_start3A_47 : memref<1x1024x96xf32, #tpu.memory_space<hbm>> -> memref<1024x96xf32, #tpu.memory_space<hbm>>
      %dma_start3A_49 = arith.constant 0 : i32
      %dma_start3A_50 = arith.constant 0 : i32
      %dma_start3A_51 = tpu.memref_slice %arg2[%add3A, %dma_start3A_49, %dma_start3A_50] : memref<32x1024x96xf32, #tpu.memory_space<hbm>> -> memref<1x1024x96xf32, #tpu.memory_space<hbm>>
      %dma_start3A_52 = tpu.memref_squeeze %dma_start3A_51 : memref<1x1024x96xf32, #tpu.memory_space<hbm>> -> memref<1024x96xf32, #tpu.memory_space<hbm>>
      tpu.enqueue_dma source(%dma_start3A_52 : memref<1024x96xf32, #tpu.memory_space<hbm>>) target(%arg6 : memref<1024x96xf32, #tpu.memory_space<vmem>>) target_semaphore(%run_scoped3A : memref<!tpu.dma_semaphore, #tpu.memory_space<semaphore_mem>>)
      %dma_wait3A = arith.constant 0 : i32
      %dma_wait3A_53 = arith.constant 0 : i32
      %dma_wait3A_54 = tpu.memref_slice %arg2[%add3A, %dma_wait3A, %dma_wait3A_53] : memref<32x1024x96xf32, #tpu.memory_space<hbm>> -> memref<1x1024x96xf32, #tpu.memory_space<hbm>>
      %dma_wait3A_55 = tpu.memref_squeeze %dma_wait3A_54 : memref<1x1024x96xf32, #tpu.memory_space<hbm>> -> memref<1024x96xf32, #tpu.memory_space<hbm>>
      %dma_wait3A_56 = arith.constant 0 : i32
      %dma_wait3A_57 = arith.constant 0 : i32
      %dma_wait3A_58 = tpu.memref_slice %arg2[%add3A, %dma_wait3A_56, %dma_wait3A_57] : memref<32x1024x96xf32, #tpu.memory_space<hbm>> -> memref<1x1024x96xf32, #tpu.memory_space<hbm>>
      %dma_wait3A_59 = tpu.memref_squeeze %dma_wait3A_58 : memref<1x1024x96xf32, #tpu.memory_space<hbm>> -> memref<1024x96xf32, #tpu.memory_space<hbm>>
      tpu.wait_dma2 semaphore(%run_scoped3A : memref<!tpu.dma_semaphore, #tpu.memory_space<semaphore_mem>>) src(%dma_wait3A_59 : memref<1024x96xf32, #tpu.memory_space<hbm>>) dst(%arg6 : memref<1024x96xf32, #tpu.memory_space<vmem>>)
      tpu.yield
    }) : () -> ()
    "tpu.region"() ({
      %run_scoped3A = tpu.sem_alloc : memref<!tpu.dma_semaphore, #tpu.memory_space<semaphore_mem>>
      tpu.enqueue_dma source(%arg3 : memref<9x1024xi32, #tpu.memory_space<hbm>>) target(%arg7 : memref<9x1024xi32, #tpu.memory_space<vmem>>) target_semaphore(%run_scoped3A : memref<!tpu.dma_semaphore, #tpu.memory_space<semaphore_mem>>)
      tpu.wait_dma2 semaphore(%run_scoped3A : memref<!tpu.dma_semaphore, #tpu.memory_space<semaphore_mem>>) src(%arg3 : memref<9x1024xi32, #tpu.memory_space<hbm>>) dst(%arg7 : memref<9x1024xi32, #tpu.memory_space<vmem>>)
      tpu.yield
    }) : () -> ()
    "tpu.region"() ({
      %run_scoped3A = tpu.sem_alloc : memref<!tpu.dma_semaphore, #tpu.memory_space<semaphore_mem>>
      tpu.enqueue_dma source(%arg4 : memref<1024x16xi32, #tpu.memory_space<hbm>>) target(%arg8 : memref<1024x16xi32, #tpu.memory_space<vmem>>) target_semaphore(%run_scoped3A : memref<!tpu.dma_semaphore, #tpu.memory_space<semaphore_mem>>)
      tpu.wait_dma2 semaphore(%run_scoped3A : memref<!tpu.dma_semaphore, #tpu.memory_space<semaphore_mem>>) src(%arg4 : memref<1024x16xi32, #tpu.memory_space<hbm>>) dst(%arg8 : memref<1024x16xi32, #tpu.memory_space<vmem>>)
      tpu.yield
    }) : () -> ()
    %barrier3A = arith.constant 0 : index
    tpu.barrier barrier_id(%barrier3A)
    %broadcast_in_dim3A = arith.constant 0.000000e+00 : f32
    %broadcast_in_dim3A_1 = vector.broadcast %broadcast_in_dim3A : f32 to vector<16xf32>
    %iota3A = tpu.iota {dimensions = array<i32: 0>} : vector<16xi32>
    %scan3A = arith.constant 0 : i32
    %scan3A_2 = arith.constant 0 : i32
    %scan3A_3 = arith.constant 64 : i32
    %scan3A_4 = arith.addi %scan3A_2, %scan3A_3 : i32
    %scan3A_5 = arith.constant 1 : i32
    scf.for %scan3A_46 = %scan3A_2 to %scan3A_4 step %scan3A_5  : i32 {
      %parallel_loop3A_47 = arith.constant 0 : i32
      %parallel_loop3A_48 = arith.constant 16 : i32
      %parallel_loop3A_49 = arith.constant 1 : i32
      scf.for %parallel_loop3A_121 = %parallel_loop3A_47 to %parallel_loop3A_48 step %parallel_loop3A_49  : i32 {
        %parallel_loop3A_122 = arith.constant 16 : i32
        %parallel_loop3A_123 = arith.muli %scan3A_46, %parallel_loop3A_122 : i32
        %parallel_loop3A_124 = arith.addi %parallel_loop3A_123, %parallel_loop3A_121 : i32
        %parallel_loop3A_125 = arith.index_cast %parallel_loop3A_124 : i32 to index
        %parallel_loop3A_126 = arith.constant 0 : index
        %parallel_loop3A_127 = tpu.vector_load %arg6[%parallel_loop3A_125, %parallel_loop3A_126] {strides = array<i32>} : memref<1024x96xf32, #tpu.memory_space<vmem>>, vector<16xf32>,
        %parallel_loop3A_128 = arith.index_cast %parallel_loop3A_124 : i32 to index
        %parallel_loop3A_129 = arith.constant 0 : index
        %parallel_loop3A_130 = tpu.vector_load %arg6[%parallel_loop3A_128, %parallel_loop3A_129] {strides = array<i32>} : memref<1024x96xf32, #tpu.memory_space<vmem>>, vector<16xf32>,
        %parallel_loop3A_131 = arith.mulf %parallel_loop3A_127, %parallel_loop3A_130 : vector<16xf32>
        %parallel_loop3A_132 = arith.index_cast %parallel_loop3A_124 : i32 to index
        %parallel_loop3A_133 = arith.constant 16 : index
        %parallel_loop3A_134 = tpu.vector_load %arg6[%parallel_loop3A_132, %parallel_loop3A_133] {strides = array<i32>} : memref<1024x96xf32, #tpu.memory_space<vmem>>, vector<16xf32>,
        %parallel_loop3A_135 = arith.mulf %parallel_loop3A_134, %parallel_loop3A_134 : vector<16xf32>
        %parallel_loop3A_136 = arith.addf %parallel_loop3A_131, %parallel_loop3A_135 : vector<16xf32>
        %parallel_loop3A_137 = arith.index_cast %parallel_loop3A_124 : i32 to index
        %parallel_loop3A_138 = arith.constant 32 : index
        %parallel_loop3A_139 = tpu.vector_load %arg6[%parallel_loop3A_137, %parallel_loop3A_138] {strides = array<i32>} : memref<1024x96xf32, #tpu.memory_space<vmem>>, vector<16xf32>,
        %parallel_loop3A_140 = arith.mulf %parallel_loop3A_139, %parallel_loop3A_139 : vector<16xf32>
        %parallel_loop3A_141 = arith.addf %parallel_loop3A_136, %parallel_loop3A_140 : vector<16xf32>
        %parallel_loop3A_142 = arith.index_cast %parallel_loop3A_124 : i32 to index
        %parallel_loop3A_143 = arith.constant 48 : index
        %parallel_loop3A_144 = tpu.vector_load %arg6[%parallel_loop3A_142, %parallel_loop3A_143] {strides = array<i32>} : memref<1024x96xf32, #tpu.memory_space<vmem>>, vector<16xf32>,
        %parallel_loop3A_145 = arith.mulf %parallel_loop3A_144, %parallel_loop3A_144 : vector<16xf32>
        %parallel_loop3A_146 = arith.addf %parallel_loop3A_141, %parallel_loop3A_145 : vector<16xf32>
        %parallel_loop3A_147 = arith.index_cast %parallel_loop3A_124 : i32 to index
        %parallel_loop3A_148 = arith.constant 64 : index
        %parallel_loop3A_149 = tpu.vector_load %arg6[%parallel_loop3A_147, %parallel_loop3A_148] {strides = array<i32>} : memref<1024x96xf32, #tpu.memory_space<vmem>>, vector<16xf32>,
        %parallel_loop3A_150 = arith.mulf %parallel_loop3A_149, %parallel_loop3A_149 : vector<16xf32>
        %parallel_loop3A_151 = arith.addf %parallel_loop3A_146, %parallel_loop3A_150 : vector<16xf32>
        %parallel_loop3A_152 = arith.index_cast %parallel_loop3A_124 : i32 to index
        %parallel_loop3A_153 = arith.constant 80 : index
        %parallel_loop3A_154 = tpu.vector_load %arg6[%parallel_loop3A_152, %parallel_loop3A_153] {strides = array<i32>} : memref<1024x96xf32, #tpu.memory_space<vmem>>, vector<16xf32>,
        %parallel_loop3A_155 = arith.mulf %parallel_loop3A_154, %parallel_loop3A_154 : vector<16xf32>
        %parallel_loop3A_156 = arith.addf %parallel_loop3A_151, %parallel_loop3A_155 : vector<16xf32>
        %parallel_loop3A_157 = arith.index_cast %parallel_loop3A_121 : i32 to index
        %parallel_loop3A_158 = arith.constant 0 : index
        %parallel_loop3A_159 = tpu.vector_load %arg11[%parallel_loop3A_157, %parallel_loop3A_158] {strides = array<i32>} : memref<144x17xf32, #tpu.memory_space<vmem>>, vector<16xf32>,
        tpu.vector_store %arg11[%parallel_loop3A_157, %parallel_loop3A_158], %parallel_loop3A_156 {strides = array<i32>} : memref<144x17xf32, #tpu.memory_space<vmem>>, vector<16xf32>,
      } {sc.loop_unroll_factor = 2 : i64, sc.parallel_access}
      %broadcast_in_dim3A_50 = arith.constant 0 : i32
      %broadcast_in_dim3A_51 = vector.broadcast %broadcast_in_dim3A_50 : i32 to vector<16xi32>
      %gather3A = tpu.vector_load_idx %arg11[%iota3A, %broadcast_in_dim3A_51] : memref<144x17xf32, #tpu.memory_space<vmem>>[vector<16xi32>, vector<16xi32>], vector<16xf32>,
      %add3A_52 = arith.addf %broadcast_in_dim3A_1, %gather3A : vector<16xf32>
      %broadcast_in_dim3A_53 = arith.constant 1 : i32
      %broadcast_in_dim3A_54 = vector.broadcast %broadcast_in_dim3A_53 : i32 to vector<16xi32>
      %gather3A_55 = tpu.vector_load_idx %arg11[%iota3A, %broadcast_in_dim3A_54] : memref<144x17xf32, #tpu.memory_space<vmem>>[vector<16xi32>, vector<16xi32>], vector<16xf32>,
      %add3A_56 = arith.addf %add3A_52, %gather3A_55 : vector<16xf32>
      %broadcast_in_dim3A_57 = arith.constant 2 : i32
      %broadcast_in_dim3A_58 = vector.broadcast %broadcast_in_dim3A_57 : i32 to vector<16xi32>
      %gather3A_59 = tpu.vector_load_idx %arg11[%iota3A, %broadcast_in_dim3A_58] : memref<144x17xf32, #tpu.memory_space<vmem>>[vector<16xi32>, vector<16xi32>], vector<16xf32>,
      %add3A_60 = arith.addf %add3A_56, %gather3A_59 : vector<16xf32>
      %broadcast_in_dim3A_61 = arith.constant 3 : i32
      %broadcast_in_dim3A_62 = vector.broadcast %broadcast_in_dim3A_61 : i32 to vector<16xi32>
      %gather3A_63 = tpu.vector_load_idx %arg11[%iota3A, %broadcast_in_dim3A_62] : memref<144x17xf32, #tpu.memory_space<vmem>>[vector<16xi32>, vector<16xi32>], vector<16xf32>,
      %add3A_64 = arith.addf %add3A_60, %gather3A_63 : vector<16xf32>
      %broadcast_in_dim3A_65 = arith.constant 4 : i32
      %broadcast_in_dim3A_66 = vector.broadcast %broadcast_in_dim3A_65 : i32 to vector<16xi32>
      %gather3A_67 = tpu.vector_load_idx %arg11[%iota3A, %broadcast_in_dim3A_66] : memref<144x17xf32, #tpu.memory_space<vmem>>[vector<16xi32>, vector<16xi32>], vector<16xf32>,
      %add3A_68 = arith.addf %add3A_64, %gather3A_67 : vector<16xf32>
      %broadcast_in_dim3A_69 = arith.constant 5 : i32
      %broadcast_in_dim3A_70 = vector.broadcast %broadcast_in_dim3A_69 : i32 to vector<16xi32>
      %gather3A_71 = tpu.vector_load_idx %arg11[%iota3A, %broadcast_in_dim3A_70] : memref<144x17xf32, #tpu.memory_space<vmem>>[vector<16xi32>, vector<16xi32>], vector<16xf32>,
      %add3A_72 = arith.addf %add3A_68, %gather3A_71 : vector<16xf32>
      %broadcast_in_dim3A_73 = arith.constant 6 : i32
      %broadcast_in_dim3A_74 = vector.broadcast %broadcast_in_dim3A_73 : i32 to vector<16xi32>
      %gather3A_75 = tpu.vector_load_idx %arg11[%iota3A, %broadcast_in_dim3A_74] : memref<144x17xf32, #tpu.memory_space<vmem>>[vector<16xi32>, vector<16xi32>], vector<16xf32>,
      %add3A_76 = arith.addf %add3A_72, %gather3A_75 : vector<16xf32>
      %broadcast_in_dim3A_77 = arith.constant 7 : i32
      %broadcast_in_dim3A_78 = vector.broadcast %broadcast_in_dim3A_77 : i32 to vector<16xi32>
      %gather3A_79 = tpu.vector_load_idx %arg11[%iota3A, %broadcast_in_dim3A_78] : memref<144x17xf32, #tpu.memory_space<vmem>>[vector<16xi32>, vector<16xi32>], vector<16xf32>,
      %add3A_80 = arith.addf %add3A_76, %gather3A_79 : vector<16xf32>
      %broadcast_in_dim3A_81 = arith.constant 8 : i32
      %broadcast_in_dim3A_82 = vector.broadcast %broadcast_in_dim3A_81 : i32 to vector<16xi32>
      %gather3A_83 = tpu.vector_load_idx %arg11[%iota3A, %broadcast_in_dim3A_82] : memref<144x17xf32, #tpu.memory_space<vmem>>[vector<16xi32>, vector<16xi32>], vector<16xf32>,
      %add3A_84 = arith.addf %add3A_80, %gather3A_83 : vector<16xf32>
      %broadcast_in_dim3A_85 = arith.constant 9 : i32
      %broadcast_in_dim3A_86 = vector.broadcast %broadcast_in_dim3A_85 : i32 to vector<16xi32>
      %gather3A_87 = tpu.vector_load_idx %arg11[%iota3A, %broadcast_in_dim3A_86] : memref<144x17xf32, #tpu.memory_space<vmem>>[vector<16xi32>, vector<16xi32>], vector<16xf32>,
      %add3A_88 = arith.addf %add3A_84, %gather3A_87 : vector<16xf32>
      %broadcast_in_dim3A_89 = arith.constant 10 : i32
      %broadcast_in_dim3A_90 = vector.broadcast %broadcast_in_dim3A_89 : i32 to vector<16xi32>
      %gather3A_91 = tpu.vector_load_idx %arg11[%iota3A, %broadcast_in_dim3A_90] : memref<144x17xf32, #tpu.memory_space<vmem>>[vector<16xi32>, vector<16xi32>], vector<16xf32>,
      %add3A_92 = arith.addf %add3A_88, %gather3A_91 : vector<16xf32>
      %broadcast_in_dim3A_93 = arith.constant 11 : i32
      %broadcast_in_dim3A_94 = vector.broadcast %broadcast_in_dim3A_93 : i32 to vector<16xi32>
      %gather3A_95 = tpu.vector_load_idx %arg11[%iota3A, %broadcast_in_dim3A_94] : memref<144x17xf32, #tpu.memory_space<vmem>>[vector<16xi32>, vector<16xi32>], vector<16xf32>,
      %add3A_96 = arith.addf %add3A_92, %gather3A_95 : vector<16xf32>
      %broadcast_in_dim3A_97 = arith.constant 12 : i32
      %broadcast_in_dim3A_98 = vector.broadcast %broadcast_in_dim3A_97 : i32 to vector<16xi32>
      %gather3A_99 = tpu.vector_load_idx %arg11[%iota3A, %broadcast_in_dim3A_98] : memref<144x17xf32, #tpu.memory_space<vmem>>[vector<16xi32>, vector<16xi32>], vector<16xf32>,
      %add3A_100 = arith.addf %add3A_96, %gather3A_99 : vector<16xf32>
      %broadcast_in_dim3A_101 = arith.constant 13 : i32
      %broadcast_in_dim3A_102 = vector.broadcast %broadcast_in_dim3A_101 : i32 to vector<16xi32>
      %gather3A_103 = tpu.vector_load_idx %arg11[%iota3A, %broadcast_in_dim3A_102] : memref<144x17xf32, #tpu.memory_space<vmem>>[vector<16xi32>, vector<16xi32>], vector<16xf32>,
      %add3A_104 = arith.addf %add3A_100, %gather3A_103 : vector<16xf32>
      %broadcast_in_dim3A_105 = arith.constant 14 : i32
      %broadcast_in_dim3A_106 = vector.broadcast %broadcast_in_dim3A_105 : i32 to vector<16xi32>
      %gather3A_107 = tpu.vector_load_idx %arg11[%iota3A, %broadcast_in_dim3A_106] : memref<144x17xf32, #tpu.memory_space<vmem>>[vector<16xi32>, vector<16xi32>], vector<16xf32>,
      %add3A_108 = arith.addf %add3A_104, %gather3A_107 : vector<16xf32>
      %broadcast_in_dim3A_109 = arith.constant 15 : i32
      %broadcast_in_dim3A_110 = vector.broadcast %broadcast_in_dim3A_109 : i32 to vector<16xi32>
      %gather3A_111 = tpu.vector_load_idx %arg11[%iota3A, %broadcast_in_dim3A_110] : memref<144x17xf32, #tpu.memory_space<vmem>>[vector<16xi32>, vector<16xi32>], vector<16xf32>,
      %add3A_112 = arith.addf %add3A_108, %gather3A_111 : vector<16xf32>
      %mul3A_113 = arith.constant 16 : i32
      %mul3A_114 = arith.muli %scan3A_46, %mul3A_113 : i32
      %swap3A_115 = arith.index_cast %mul3A_114 : i32 to index
      %swap3A_116 = tpu.vector_load %arg9[%swap3A_115] {strides = array<i32>} : memref<1024xf32, #tpu.memory_space<vmem>>, vector<16xf32>,
      tpu.vector_store %arg9[%swap3A_115], %add3A_112 {strides = array<i32>} : memref<1024xf32, #tpu.memory_space<vmem>>, vector<16xf32>,
      %mul3A_117 = arith.constant 16 : i32
      %mul3A_118 = arith.muli %scan3A_46, %mul3A_117 : i32
      %swap3A_119 = arith.index_cast %mul3A_118 : i32 to index
      %swap3A_120 = tpu.vector_load %arg10[%swap3A_119] {strides = array<i32>} : memref<1024xf32, #tpu.memory_space<vmem>>, vector<16xf32>,
      tpu.vector_store %arg10[%swap3A_119], %broadcast_in_dim3A_1 {strides = array<i32>} : memref<1024xf32, #tpu.memory_space<vmem>>, vector<16xf32>,
    }
    %scan3A_6 = arith.constant 64 : i32
    %barrier3A_7 = arith.constant 0 : index
    tpu.barrier barrier_id(%barrier3A_7)
    %scan3A_8 = arith.constant 0 : i32
    %scan3A_9 = arith.constant 0 : i32
    %scan3A_10 = arith.constant 64 : i32
    %scan3A_11 = arith.addi %scan3A_9, %scan3A_10 : i32
    %scan3A_12 = arith.constant 1 : i32
    scf.for %scan3A_46 = %scan3A_9 to %scan3A_11 step %scan3A_12  : i32 {
      %mul3A_47 = arith.constant 16 : i32
      %mul3A_48 = arith.muli %scan3A_46, %mul3A_47 : i32
      %parallel_loop3A_49 = arith.constant 0 : i32
      %parallel_loop3A_50 = arith.constant 16 : i32
      %parallel_loop3A_51 = arith.constant 1 : i32
      scf.for %parallel_loop3A_170 = %parallel_loop3A_49 to %parallel_loop3A_50 step %parallel_loop3A_51  : i32 {
        %parallel_loop3A_171 = arith.addi %mul3A_48, %parallel_loop3A_170 : i32
        %parallel_loop3A_172 = arith.index_cast %parallel_loop3A_171 : i32 to index
        %parallel_loop3A_173 = arith.constant 0 : index
        %parallel_loop3A_174 = tpu.vector_load %arg6[%parallel_loop3A_172, %parallel_loop3A_173] {strides = array<i32>} : memref<1024x96xf32, #tpu.memory_space<vmem>>, vector<16xf32>,
        %parallel_loop3A_175 = arith.index_cast %parallel_loop3A_171 : i32 to index
        %parallel_loop3A_176 = arith.constant 16 : index
        %parallel_loop3A_177 = tpu.vector_load %arg6[%parallel_loop3A_175, %parallel_loop3A_176] {strides = array<i32>} : memref<1024x96xf32, #tpu.memory_space<vmem>>, vector<16xf32>,
        %parallel_loop3A_178 = arith.index_cast %parallel_loop3A_171 : i32 to index
        %parallel_loop3A_179 = arith.constant 32 : index
        %parallel_loop3A_180 = tpu.vector_load %arg6[%parallel_loop3A_178, %parallel_loop3A_179] {strides = array<i32>} : memref<1024x96xf32, #tpu.memory_space<vmem>>, vector<16xf32>,
        %parallel_loop3A_181 = arith.index_cast %parallel_loop3A_171 : i32 to index
        %parallel_loop3A_182 = arith.constant 48 : index
        %parallel_loop3A_183 = tpu.vector_load %arg6[%parallel_loop3A_181, %parallel_loop3A_182] {strides = array<i32>} : memref<1024x96xf32, #tpu.memory_space<vmem>>, vector<16xf32>,
        %parallel_loop3A_184 = arith.index_cast %parallel_loop3A_171 : i32 to index
        %parallel_loop3A_185 = arith.constant 64 : index
        %parallel_loop3A_186 = tpu.vector_load %arg6[%parallel_loop3A_184, %parallel_loop3A_185] {strides = array<i32>} : memref<1024x96xf32, #tpu.memory_space<vmem>>, vector<16xf32>,
        %parallel_loop3A_187 = arith.index_cast %parallel_loop3A_171 : i32 to index
        %parallel_loop3A_188 = arith.constant 80 : index
        %parallel_loop3A_189 = tpu.vector_load %arg6[%parallel_loop3A_187, %parallel_loop3A_188] {strides = array<i32>} : memref<1024x96xf32, #tpu.memory_space<vmem>>, vector<16xf32>,
        %parallel_loop3A_190 = arith.index_cast %parallel_loop3A_171 : i32 to index
        %parallel_loop3A_191 = arith.constant 0 : index
        %parallel_loop3A_192 = tpu.vector_load %arg8[%parallel_loop3A_190, %parallel_loop3A_191] {strides = array<i32>} : memref<1024x16xi32, #tpu.memory_space<vmem>>, vector<16xi32>,
        %parallel_loop3A_193 = vector.extract_strided_slice %parallel_loop3A_192 {offsets = [0], sizes = [1], strides = [1]} : vector<16xi32> to vector<1xi32>
        %parallel_loop3A_194 = vector.extract %parallel_loop3A_193[0] : i32 from vector<1xi32>
        %parallel_loop3A_195 = arith.index_cast %parallel_loop3A_194 : i32 to index
        %parallel_loop3A_196 = arith.constant 0 : index
        %parallel_loop3A_197 = tpu.vector_load %arg6[%parallel_loop3A_195, %parallel_loop3A_196] {strides = array<i32>} : memref<1024x96xf32, #tpu.memory_space<vmem>>, vector<16xf32>,
        %parallel_loop3A_198 = arith.mulf %parallel_loop3A_174, %parallel_loop3A_197 : vector<16xf32>
        %parallel_loop3A_199 = arith.index_cast %parallel_loop3A_194 : i32 to index
        %parallel_loop3A_200 = arith.constant 16 : index
        %parallel_loop3A_201 = tpu.vector_load %arg6[%parallel_loop3A_199, %parallel_loop3A_200] {strides = array<i32>} : memref<1024x96xf32, #tpu.memory_space<vmem>>, vector<16xf32>,
        %parallel_loop3A_202 = arith.mulf %parallel_loop3A_177, %parallel_loop3A_201 : vector<16xf32>
        %parallel_loop3A_203 = arith.addf %parallel_loop3A_198, %parallel_loop3A_202 : vector<16xf32>
        %parallel_loop3A_204 = arith.index_cast %parallel_loop3A_194 : i32 to index
        %parallel_loop3A_205 = arith.constant 32 : index
        %parallel_loop3A_206 = tpu.vector_load %arg6[%parallel_loop3A_204, %parallel_loop3A_205] {strides = array<i32>} : memref<1024x96xf32, #tpu.memory_space<vmem>>, vector<16xf32>,
        %parallel_loop3A_207 = arith.mulf %parallel_loop3A_180, %parallel_loop3A_206 : vector<16xf32>
        %parallel_loop3A_208 = arith.addf %parallel_loop3A_203, %parallel_loop3A_207 : vector<16xf32>
        %parallel_loop3A_209 = arith.index_cast %parallel_loop3A_194 : i32 to index
        %parallel_loop3A_210 = arith.constant 48 : index
        %parallel_loop3A_211 = tpu.vector_load %arg6[%parallel_loop3A_209, %parallel_loop3A_210] {strides = array<i32>} : memref<1024x96xf32, #tpu.memory_space<vmem>>, vector<16xf32>,
        %parallel_loop3A_212 = arith.mulf %parallel_loop3A_183, %parallel_loop3A_211 : vector<16xf32>
        %parallel_loop3A_213 = arith.addf %parallel_loop3A_208, %parallel_loop3A_212 : vector<16xf32>
        %parallel_loop3A_214 = arith.index_cast %parallel_loop3A_194 : i32 to index
        %parallel_loop3A_215 = arith.constant 64 : index
        %parallel_loop3A_216 = tpu.vector_load %arg6[%parallel_loop3A_214, %parallel_loop3A_215] {strides = array<i32>} : memref<1024x96xf32, #tpu.memory_space<vmem>>, vector<16xf32>,
        %parallel_loop3A_217 = arith.mulf %parallel_loop3A_186, %parallel_loop3A_216 : vector<16xf32>
        %parallel_loop3A_218 = arith.addf %parallel_loop3A_213, %parallel_loop3A_217 : vector<16xf32>
        %parallel_loop3A_219 = arith.index_cast %parallel_loop3A_194 : i32 to index
        %parallel_loop3A_220 = arith.constant 80 : index
        %parallel_loop3A_221 = tpu.vector_load %arg6[%parallel_loop3A_219, %parallel_loop3A_220] {strides = array<i32>} : memref<1024x96xf32, #tpu.memory_space<vmem>>, vector<16xf32>,
        %parallel_loop3A_222 = arith.mulf %parallel_loop3A_189, %parallel_loop3A_221 : vector<16xf32>
        %parallel_loop3A_223 = arith.addf %parallel_loop3A_218, %parallel_loop3A_222 : vector<16xf32>
        %parallel_loop3A_224 = arith.constant 0 : i32
        %parallel_loop3A_225 = arith.addi %parallel_loop3A_224, %parallel_loop3A_170 : i32
        %parallel_loop3A_226 = arith.index_cast %parallel_loop3A_225 : i32 to index
        %parallel_loop3A_227 = arith.constant 0 : index
        %parallel_loop3A_228 = tpu.vector_load %arg11[%parallel_loop3A_226, %parallel_loop3A_227] {strides = array<i32>} : memref<144x17xf32, #tpu.memory_space<vmem>>, vector<16xf32>,
        tpu.vector_store %arg11[%parallel_loop3A_226, %parallel_loop3A_227], %parallel_loop3A_223 {strides = array<i32>} : memref<144x17xf32, #tpu.memory_space<vmem>>, vector<16xf32>,
        %parallel_loop3A_229 = vector.extract_strided_slice %parallel_loop3A_192 {offsets = [1], sizes = [1], strides = [1]} : vector<16xi32> to vector<1xi32>
        %parallel_loop3A_230 = vector.extract %parallel_loop3A_229[0] : i32 from vector<1xi32>
        %parallel_loop3A_231 = arith.index_cast %parallel_loop3A_230 : i32 to index
        %parallel_loop3A_232 = arith.constant 0 : index
        %parallel_loop3A_233 = tpu.vector_load %arg6[%parallel_loop3A_231, %parallel_loop3A_232] {strides = array<i32>} : memref<1024x96xf32, #tpu.memory_space<vmem>>, vector<16xf32>,
        %parallel_loop3A_234 = arith.mulf %parallel_loop3A_174, %parallel_loop3A_233 : vector<16xf32>
        %parallel_loop3A_235 = arith.index_cast %parallel_loop3A_230 : i32 to index
        %parallel_loop3A_236 = arith.constant 16 : index
        %parallel_loop3A_237 = tpu.vector_load %arg6[%parallel_loop3A_235, %parallel_loop3A_236] {strides = array<i32>} : memref<1024x96xf32, #tpu.memory_space<vmem>>, vector<16xf32>,
        %parallel_loop3A_238 = arith.mulf %parallel_loop3A_177, %parallel_loop3A_237 : vector<16xf32>
        %parallel_loop3A_239 = arith.addf %parallel_loop3A_234, %parallel_loop3A_238 : vector<16xf32>
        %parallel_loop3A_240 = arith.index_cast %parallel_loop3A_230 : i32 to index
        %parallel_loop3A_241 = arith.constant 32 : index
        %parallel_loop3A_242 = tpu.vector_load %arg6[%parallel_loop3A_240, %parallel_loop3A_241] {strides = array<i32>} : memref<1024x96xf32, #tpu.memory_space<vmem>>, vector<16xf32>,
        %parallel_loop3A_243 = arith.mulf %parallel_loop3A_180, %parallel_loop3A_242 : vector<16xf32>
        %parallel_loop3A_244 = arith.addf %parallel_loop3A_239, %parallel_loop3A_243 : vector<16xf32>
        %parallel_loop3A_245 = arith.index_cast %parallel_loop3A_230 : i32 to index
        %parallel_loop3A_246 = arith.constant 48 : index
        %parallel_loop3A_247 = tpu.vector_load %arg6[%parallel_loop3A_245, %parallel_loop3A_246] {strides = array<i32>} : memref<1024x96xf32, #tpu.memory_space<vmem>>, vector<16xf32>,
        %parallel_loop3A_248 = arith.mulf %parallel_loop3A_183, %parallel_loop3A_247 : vector<16xf32>
        %parallel_loop3A_249 = arith.addf %parallel_loop3A_244, %parallel_loop3A_248 : vector<16xf32>
        %parallel_loop3A_250 = arith.index_cast %parallel_loop3A_230 : i32 to index
        %parallel_loop3A_251 = arith.constant 64 : index
        %parallel_loop3A_252 = tpu.vector_load %arg6[%parallel_loop3A_250, %parallel_loop3A_251] {strides = array<i32>} : memref<1024x96xf32, #tpu.memory_space<vmem>>, vector<16xf32>,
        %parallel_loop3A_253 = arith.mulf %parallel_loop3A_186, %parallel_loop3A_252 : vector<16xf32>
        %parallel_loop3A_254 = arith.addf %parallel_loop3A_249, %parallel_loop3A_253 : vector<16xf32>
        %parallel_loop3A_255 = arith.index_cast %parallel_loop3A_230 : i32 to index
        %parallel_loop3A_256 = arith.constant 80 : index
        %parallel_loop3A_257 = tpu.vector_load %arg6[%parallel_loop3A_255, %parallel_loop3A_256] {strides = array<i32>} : memref<1024x96xf32, #tpu.memory_space<vmem>>, vector<16xf32>,
        %parallel_loop3A_258 = arith.mulf %parallel_loop3A_189, %parallel_loop3A_257 : vector<16xf32>
        %parallel_loop3A_259 = arith.addf %parallel_loop3A_254, %parallel_loop3A_258 : vector<16xf32>
        %parallel_loop3A_260 = arith.constant 16 : i32
        %parallel_loop3A_261 = arith.addi %parallel_loop3A_260, %parallel_loop3A_170 : i32
        %parallel_loop3A_262 = arith.index_cast %parallel_loop3A_261 : i32 to index
        %parallel_loop3A_263 = arith.constant 0 : index
        %parallel_loop3A_264 = tpu.vector_load %arg11[%parallel_loop3A_262, %parallel_loop3A_263] {strides = array<i32>} : memref<144x17xf32, #tpu.memory_space<vmem>>, vector<16xf32>,
        tpu.vector_store %arg11[%parallel_loop3A_262, %parallel_loop3A_263], %parallel_loop3A_259 {strides = array<i32>} : memref<144x17xf32, #tpu.memory_space<vmem>>, vector<16xf32>,
        %parallel_loop3A_265 = vector.extract_strided_slice %parallel_loop3A_192 {offsets = [2], sizes = [1], strides = [1]} : vector<16xi32> to vector<1xi32>
        %parallel_loop3A_266 = vector.extract %parallel_loop3A_265[0] : i32 from vector<1xi32>
        %parallel_loop3A_267 = arith.index_cast %parallel_loop3A_266 : i32 to index
        %parallel_loop3A_268 = arith.constant 0 : index
        %parallel_loop3A_269 = tpu.vector_load %arg6[%parallel_loop3A_267, %parallel_loop3A_268] {strides = array<i32>} : memref<1024x96xf32, #tpu.memory_space<vmem>>, vector<16xf32>,
        %parallel_loop3A_270 = arith.mulf %parallel_loop3A_174, %parallel_loop3A_269 : vector<16xf32>
        %parallel_loop3A_271 = arith.index_cast %parallel_loop3A_266 : i32 to index
        %parallel_loop3A_272 = arith.constant 16 : index
        %parallel_loop3A_273 = tpu.vector_load %arg6[%parallel_loop3A_271, %parallel_loop3A_272] {strides = array<i32>} : memref<1024x96xf32, #tpu.memory_space<vmem>>, vector<16xf32>,
        %parallel_loop3A_274 = arith.mulf %parallel_loop3A_177, %parallel_loop3A_273 : vector<16xf32>
        %parallel_loop3A_275 = arith.addf %parallel_loop3A_270, %parallel_loop3A_274 : vector<16xf32>
        %parallel_loop3A_276 = arith.index_cast %parallel_loop3A_266 : i32 to index
        %parallel_loop3A_277 = arith.constant 32 : index
        %parallel_loop3A_278 = tpu.vector_load %arg6[%parallel_loop3A_276, %parallel_loop3A_277] {strides = array<i32>} : memref<1024x96xf32, #tpu.memory_space<vmem>>, vector<16xf32>,
        %parallel_loop3A_279 = arith.mulf %parallel_loop3A_180, %parallel_loop3A_278 : vector<16xf32>
        %parallel_loop3A_280 = arith.addf %parallel_loop3A_275, %parallel_loop3A_279 : vector<16xf32>
        %parallel_loop3A_281 = arith.index_cast %parallel_loop3A_266 : i32 to index
        %parallel_loop3A_282 = arith.constant 48 : index
        %parallel_loop3A_283 = tpu.vector_load %arg6[%parallel_loop3A_281, %parallel_loop3A_282] {strides = array<i32>} : memref<1024x96xf32, #tpu.memory_space<vmem>>, vector<16xf32>,
        %parallel_loop3A_284 = arith.mulf %parallel_loop3A_183, %parallel_loop3A_283 : vector<16xf32>
        %parallel_loop3A_285 = arith.addf %parallel_loop3A_280, %parallel_loop3A_284 : vector<16xf32>
        %parallel_loop3A_286 = arith.index_cast %parallel_loop3A_266 : i32 to index
        %parallel_loop3A_287 = arith.constant 64 : index
        %parallel_loop3A_288 = tpu.vector_load %arg6[%parallel_loop3A_286, %parallel_loop3A_287] {strides = array<i32>} : memref<1024x96xf32, #tpu.memory_space<vmem>>, vector<16xf32>,
        %parallel_loop3A_289 = arith.mulf %parallel_loop3A_186, %parallel_loop3A_288 : vector<16xf32>
        %parallel_loop3A_290 = arith.addf %parallel_loop3A_285, %parallel_loop3A_289 : vector<16xf32>
        %parallel_loop3A_291 = arith.index_cast %parallel_loop3A_266 : i32 to index
        %parallel_loop3A_292 = arith.constant 80 : index
        %parallel_loop3A_293 = tpu.vector_load %arg6[%parallel_loop3A_291, %parallel_loop3A_292] {strides = array<i32>} : memref<1024x96xf32, #tpu.memory_space<vmem>>, vector<16xf32>,
        %parallel_loop3A_294 = arith.mulf %parallel_loop3A_189, %parallel_loop3A_293 : vector<16xf32>
        %parallel_loop3A_295 = arith.addf %parallel_loop3A_290, %parallel_loop3A_294 : vector<16xf32>
        %parallel_loop3A_296 = arith.constant 32 : i32
        %parallel_loop3A_297 = arith.addi %parallel_loop3A_296, %parallel_loop3A_170 : i32
        %parallel_loop3A_298 = arith.index_cast %parallel_loop3A_297 : i32 to index
        %parallel_loop3A_299 = arith.constant 0 : index
        %parallel_loop3A_300 = tpu.vector_load %arg11[%parallel_loop3A_298, %parallel_loop3A_299] {strides = array<i32>} : memref<144x17xf32, #tpu.memory_space<vmem>>, vector<16xf32>,
        tpu.vector_store %arg11[%parallel_loop3A_298, %parallel_loop3A_299], %parallel_loop3A_295 {strides = array<i32>} : memref<144x17xf32, #tpu.memory_space<vmem>>, vector<16xf32>,
        %parallel_loop3A_301 = vector.extract_strided_slice %parallel_loop3A_192 {offsets = [3], sizes = [1], strides = [1]} : vector<16xi32> to vector<1xi32>
        %parallel_loop3A_302 = vector.extract %parallel_loop3A_301[0] : i32 from vector<1xi32>
        %parallel_loop3A_303 = arith.index_cast %parallel_loop3A_302 : i32 to index
        %parallel_loop3A_304 = arith.constant 0 : index
        %parallel_loop3A_305 = tpu.vector_load %arg6[%parallel_loop3A_303, %parallel_loop3A_304] {strides = array<i32>} : memref<1024x96xf32, #tpu.memory_space<vmem>>, vector<16xf32>,
        %parallel_loop3A_306 = arith.mulf %parallel_loop3A_174, %parallel_loop3A_305 : vector<16xf32>
        %parallel_loop3A_307 = arith.index_cast %parallel_loop3A_302 : i32 to index
        %parallel_loop3A_308 = arith.constant 16 : index
        %parallel_loop3A_309 = tpu.vector_load %arg6[%parallel_loop3A_307, %parallel_loop3A_308] {strides = array<i32>} : memref<1024x96xf32, #tpu.memory_space<vmem>>, vector<16xf32>,
        %parallel_loop3A_310 = arith.mulf %parallel_loop3A_177, %parallel_loop3A_309 : vector<16xf32>
        %parallel_loop3A_311 = arith.addf %parallel_loop3A_306, %parallel_loop3A_310 : vector<16xf32>
        %parallel_loop3A_312 = arith.index_cast %parallel_loop3A_302 : i32 to index
        %parallel_loop3A_313 = arith.constant 32 : index
        %parallel_loop3A_314 = tpu.vector_load %arg6[%parallel_loop3A_312, %parallel_loop3A_313] {strides = array<i32>} : memref<1024x96xf32, #tpu.memory_space<vmem>>, vector<16xf32>,
        %parallel_loop3A_315 = arith.mulf %parallel_loop3A_180, %parallel_loop3A_314 : vector<16xf32>
        %parallel_loop3A_316 = arith.addf %parallel_loop3A_311, %parallel_loop3A_315 : vector<16xf32>
        %parallel_loop3A_317 = arith.index_cast %parallel_loop3A_302 : i32 to index
        %parallel_loop3A_318 = arith.constant 48 : index
        %parallel_loop3A_319 = tpu.vector_load %arg6[%parallel_loop3A_317, %parallel_loop3A_318] {strides = array<i32>} : memref<1024x96xf32, #tpu.memory_space<vmem>>, vector<16xf32>,
        %parallel_loop3A_320 = arith.mulf %parallel_loop3A_183, %parallel_loop3A_319 : vector<16xf32>
        %parallel_loop3A_321 = arith.addf %parallel_loop3A_316, %parallel_loop3A_320 : vector<16xf32>
        %parallel_loop3A_322 = arith.index_cast %parallel_loop3A_302 : i32 to index
        %parallel_loop3A_323 = arith.constant 64 : index
        %parallel_loop3A_324 = tpu.vector_load %arg6[%parallel_loop3A_322, %parallel_loop3A_323] {strides = array<i32>} : memref<1024x96xf32, #tpu.memory_space<vmem>>, vector<16xf32>,
        %parallel_loop3A_325 = arith.mulf %parallel_loop3A_186, %parallel_loop3A_324 : vector<16xf32>
        %parallel_loop3A_326 = arith.addf %parallel_loop3A_321, %parallel_loop3A_325 : vector<16xf32>
        %parallel_loop3A_327 = arith.index_cast %parallel_loop3A_302 : i32 to index
        %parallel_loop3A_328 = arith.constant 80 : index
        %parallel_loop3A_329 = tpu.vector_load %arg6[%parallel_loop3A_327, %parallel_loop3A_328] {strides = array<i32>} : memref<1024x96xf32, #tpu.memory_space<vmem>>, vector<16xf32>,
        %parallel_loop3A_330 = arith.mulf %parallel_loop3A_189, %parallel_loop3A_329 : vector<16xf32>
        %parallel_loop3A_331 = arith.addf %parallel_loop3A_326, %parallel_loop3A_330 : vector<16xf32>
        %parallel_loop3A_332 = arith.constant 48 : i32
        %parallel_loop3A_333 = arith.addi %parallel_loop3A_332, %parallel_loop3A_170 : i32
        %parallel_loop3A_334 = arith.index_cast %parallel_loop3A_333 : i32 to index
        %parallel_loop3A_335 = arith.constant 0 : index
        %parallel_loop3A_336 = tpu.vector_load %arg11[%parallel_loop3A_334, %parallel_loop3A_335] {strides = array<i32>} : memref<144x17xf32, #tpu.memory_space<vmem>>, vector<16xf32>,
        tpu.vector_store %arg11[%parallel_loop3A_334, %parallel_loop3A_335], %parallel_loop3A_331 {strides = array<i32>} : memref<144x17xf32, #tpu.memory_space<vmem>>, vector<16xf32>,
        %parallel_loop3A_337 = vector.extract_strided_slice %parallel_loop3A_192 {offsets = [4], sizes = [1], strides = [1]} : vector<16xi32> to vector<1xi32>
        %parallel_loop3A_338 = vector.extract %parallel_loop3A_337[0] : i32 from vector<1xi32>
        %parallel_loop3A_339 = arith.index_cast %parallel_loop3A_338 : i32 to index
        %parallel_loop3A_340 = arith.constant 0 : index
        %parallel_loop3A_341 = tpu.vector_load %arg6[%parallel_loop3A_339, %parallel_loop3A_340] {strides = array<i32>} : memref<1024x96xf32, #tpu.memory_space<vmem>>, vector<16xf32>,
        %parallel_loop3A_342 = arith.mulf %parallel_loop3A_174, %parallel_loop3A_341 : vector<16xf32>
        %parallel_loop3A_343 = arith.index_cast %parallel_loop3A_338 : i32 to index
        %parallel_loop3A_344 = arith.constant 16 : index
        %parallel_loop3A_345 = tpu.vector_load %arg6[%parallel_loop3A_343, %parallel_loop3A_344] {strides = array<i32>} : memref<1024x96xf32, #tpu.memory_space<vmem>>, vector<16xf32>,
        %parallel_loop3A_346 = arith.mulf %parallel_loop3A_177, %parallel_loop3A_345 : vector<16xf32>
        %parallel_loop3A_347 = arith.addf %parallel_loop3A_342, %parallel_loop3A_346 : vector<16xf32>
        %parallel_loop3A_348 = arith.index_cast %parallel_loop3A_338 : i32 to index
        %parallel_loop3A_349 = arith.constant 32 : index
        %parallel_loop3A_350 = tpu.vector_load %arg6[%parallel_loop3A_348, %parallel_loop3A_349] {strides = array<i32>} : memref<1024x96xf32, #tpu.memory_space<vmem>>, vector<16xf32>,
        %parallel_loop3A_351 = arith.mulf %parallel_loop3A_180, %parallel_loop3A_350 : vector<16xf32>
        %parallel_loop3A_352 = arith.addf %parallel_loop3A_347, %parallel_loop3A_351 : vector<16xf32>
        %parallel_loop3A_353 = arith.index_cast %parallel_loop3A_338 : i32 to index
        %parallel_loop3A_354 = arith.constant 48 : index
        %parallel_loop3A_355 = tpu.vector_load %arg6[%parallel_loop3A_353, %parallel_loop3A_354] {strides = array<i32>} : memref<1024x96xf32, #tpu.memory_space<vmem>>, vector<16xf32>,
        %parallel_loop3A_356 = arith.mulf %parallel_loop3A_183, %parallel_loop3A_355 : vector<16xf32>
        %parallel_loop3A_357 = arith.addf %parallel_loop3A_352, %parallel_loop3A_356 : vector<16xf32>
        %parallel_loop3A_358 = arith.index_cast %parallel_loop3A_338 : i32 to index
        %parallel_loop3A_359 = arith.constant 64 : index
        %parallel_loop3A_360 = tpu.vector_load %arg6[%parallel_loop3A_358, %parallel_loop3A_359] {strides = array<i32>} : memref<1024x96xf32, #tpu.memory_space<vmem>>, vector<16xf32>,
        %parallel_loop3A_361 = arith.mulf %parallel_loop3A_186, %parallel_loop3A_360 : vector<16xf32>
        %parallel_loop3A_362 = arith.addf %parallel_loop3A_357, %parallel_loop3A_361 : vector<16xf32>
        %parallel_loop3A_363 = arith.index_cast %parallel_loop3A_338 : i32 to index
        %parallel_loop3A_364 = arith.constant 80 : index
        %parallel_loop3A_365 = tpu.vector_load %arg6[%parallel_loop3A_363, %parallel_loop3A_364] {strides = array<i32>} : memref<1024x96xf32, #tpu.memory_space<vmem>>, vector<16xf32>,
        %parallel_loop3A_366 = arith.mulf %parallel_loop3A_189, %parallel_loop3A_365 : vector<16xf32>
        %parallel_loop3A_367 = arith.addf %parallel_loop3A_362, %parallel_loop3A_366 : vector<16xf32>
        %parallel_loop3A_368 = arith.constant 64 : i32
        %parallel_loop3A_369 = arith.addi %parallel_loop3A_368, %parallel_loop3A_170 : i32
        %parallel_loop3A_370 = arith.index_cast %parallel_loop3A_369 : i32 to index
        %parallel_loop3A_371 = arith.constant 0 : index
        %parallel_loop3A_372 = tpu.vector_load %arg11[%parallel_loop3A_370, %parallel_loop3A_371] {strides = array<i32>} : memref<144x17xf32, #tpu.memory_space<vmem>>, vector<16xf32>,
        tpu.vector_store %arg11[%parallel_loop3A_370, %parallel_loop3A_371], %parallel_loop3A_367 {strides = array<i32>} : memref<144x17xf32, #tpu.memory_space<vmem>>, vector<16xf32>,
        %parallel_loop3A_373 = vector.extract_strided_slice %parallel_loop3A_192 {offsets = [5], sizes = [1], strides = [1]} : vector<16xi32> to vector<1xi32>
        %parallel_loop3A_374 = vector.extract %parallel_loop3A_373[0] : i32 from vector<1xi32>
        %parallel_loop3A_375 = arith.index_cast %parallel_loop3A_374 : i32 to index
        %parallel_loop3A_376 = arith.constant 0 : index
        %parallel_loop3A_377 = tpu.vector_load %arg6[%parallel_loop3A_375, %parallel_loop3A_376] {strides = array<i32>} : memref<1024x96xf32, #tpu.memory_space<vmem>>, vector<16xf32>,
        %parallel_loop3A_378 = arith.mulf %parallel_loop3A_174, %parallel_loop3A_377 : vector<16xf32>
        %parallel_loop3A_379 = arith.index_cast %parallel_loop3A_374 : i32 to index
        %parallel_loop3A_380 = arith.constant 16 : index
        %parallel_loop3A_381 = tpu.vector_load %arg6[%parallel_loop3A_379, %parallel_loop3A_380] {strides = array<i32>} : memref<1024x96xf32, #tpu.memory_space<vmem>>, vector<16xf32>,
        %parallel_loop3A_382 = arith.mulf %parallel_loop3A_177, %parallel_loop3A_381 : vector<16xf32>
        %parallel_loop3A_383 = arith.addf %parallel_loop3A_378, %parallel_loop3A_382 : vector<16xf32>
        %parallel_loop3A_384 = arith.index_cast %parallel_loop3A_374 : i32 to index
        %parallel_loop3A_385 = arith.constant 32 : index
        %parallel_loop3A_386 = tpu.vector_load %arg6[%parallel_loop3A_384, %parallel_loop3A_385] {strides = array<i32>} : memref<1024x96xf32, #tpu.memory_space<vmem>>, vector<16xf32>,
        %parallel_loop3A_387 = arith.mulf %parallel_loop3A_180, %parallel_loop3A_386 : vector<16xf32>
        %parallel_loop3A_388 = arith.addf %parallel_loop3A_383, %parallel_loop3A_387 : vector<16xf32>
        %parallel_loop3A_389 = arith.index_cast %parallel_loop3A_374 : i32 to index
        %parallel_loop3A_390 = arith.constant 48 : index
        %parallel_loop3A_391 = tpu.vector_load %arg6[%parallel_loop3A_389, %parallel_loop3A_390] {strides = array<i32>} : memref<1024x96xf32, #tpu.memory_space<vmem>>, vector<16xf32>,
        %parallel_loop3A_392 = arith.mulf %parallel_loop3A_183, %parallel_loop3A_391 : vector<16xf32>
        %parallel_loop3A_393 = arith.addf %parallel_loop3A_388, %parallel_loop3A_392 : vector<16xf32>
        %parallel_loop3A_394 = arith.index_cast %parallel_loop3A_374 : i32 to index
        %parallel_loop3A_395 = arith.constant 64 : index
        %parallel_loop3A_396 = tpu.vector_load %arg6[%parallel_loop3A_394, %parallel_loop3A_395] {strides = array<i32>} : memref<1024x96xf32, #tpu.memory_space<vmem>>, vector<16xf32>,
        %parallel_loop3A_397 = arith.mulf %parallel_loop3A_186, %parallel_loop3A_396 : vector<16xf32>
        %parallel_loop3A_398 = arith.addf %parallel_loop3A_393, %parallel_loop3A_397 : vector<16xf32>
        %parallel_loop3A_399 = arith.index_cast %parallel_loop3A_374 : i32 to index
        %parallel_loop3A_400 = arith.constant 80 : index
        %parallel_loop3A_401 = tpu.vector_load %arg6[%parallel_loop3A_399, %parallel_loop3A_400] {strides = array<i32>} : memref<1024x96xf32, #tpu.memory_space<vmem>>, vector<16xf32>,
        %parallel_loop3A_402 = arith.mulf %parallel_loop3A_189, %parallel_loop3A_401 : vector<16xf32>
        %parallel_loop3A_403 = arith.addf %parallel_loop3A_398, %parallel_loop3A_402 : vector<16xf32>
        %parallel_loop3A_404 = arith.constant 80 : i32
        %parallel_loop3A_405 = arith.addi %parallel_loop3A_404, %parallel_loop3A_170 : i32
        %parallel_loop3A_406 = arith.index_cast %parallel_loop3A_405 : i32 to index
        %parallel_loop3A_407 = arith.constant 0 : index
        %parallel_loop3A_408 = tpu.vector_load %arg11[%parallel_loop3A_406, %parallel_loop3A_407] {strides = array<i32>} : memref<144x17xf32, #tpu.memory_space<vmem>>, vector<16xf32>,
        tpu.vector_store %arg11[%parallel_loop3A_406, %parallel_loop3A_407], %parallel_loop3A_403 {strides = array<i32>} : memref<144x17xf32, #tpu.memory_space<vmem>>, vector<16xf32>,
        %parallel_loop3A_409 = vector.extract_strided_slice %parallel_loop3A_192 {offsets = [6], sizes = [1], strides = [1]} : vector<16xi32> to vector<1xi32>
        %parallel_loop3A_410 = vector.extract %parallel_loop3A_409[0] : i32 from vector<1xi32>
        %parallel_loop3A_411 = arith.index_cast %parallel_loop3A_410 : i32 to index
        %parallel_loop3A_412 = arith.constant 0 : index
        %parallel_loop3A_413 = tpu.vector_load %arg6[%parallel_loop3A_411, %parallel_loop3A_412] {strides = array<i32>} : memref<1024x96xf32, #tpu.memory_space<vmem>>, vector<16xf32>,
        %parallel_loop3A_414 = arith.mulf %parallel_loop3A_174, %parallel_loop3A_413 : vector<16xf32>
        %parallel_loop3A_415 = arith.index_cast %parallel_loop3A_410 : i32 to index
        %parallel_loop3A_416 = arith.constant 16 : index
        %parallel_loop3A_417 = tpu.vector_load %arg6[%parallel_loop3A_415, %parallel_loop3A_416] {strides = array<i32>} : memref<1024x96xf32, #tpu.memory_space<vmem>>, vector<16xf32>,
        %parallel_loop3A_418 = arith.mulf %parallel_loop3A_177, %parallel_loop3A_417 : vector<16xf32>
        %parallel_loop3A_419 = arith.addf %parallel_loop3A_414, %parallel_loop3A_418 : vector<16xf32>
        %parallel_loop3A_420 = arith.index_cast %parallel_loop3A_410 : i32 to index
        %parallel_loop3A_421 = arith.constant 32 : index
        %parallel_loop3A_422 = tpu.vector_load %arg6[%parallel_loop3A_420, %parallel_loop3A_421] {strides = array<i32>} : memref<1024x96xf32, #tpu.memory_space<vmem>>, vector<16xf32>,
        %parallel_loop3A_423 = arith.mulf %parallel_loop3A_180, %parallel_loop3A_422 : vector<16xf32>
        %parallel_loop3A_424 = arith.addf %parallel_loop3A_419, %parallel_loop3A_423 : vector<16xf32>
        %parallel_loop3A_425 = arith.index_cast %parallel_loop3A_410 : i32 to index
        %parallel_loop3A_426 = arith.constant 48 : index
        %parallel_loop3A_427 = tpu.vector_load %arg6[%parallel_loop3A_425, %parallel_loop3A_426] {strides = array<i32>} : memref<1024x96xf32, #tpu.memory_space<vmem>>, vector<16xf32>,
        %parallel_loop3A_428 = arith.mulf %parallel_loop3A_183, %parallel_loop3A_427 : vector<16xf32>
        %parallel_loop3A_429 = arith.addf %parallel_loop3A_424, %parallel_loop3A_428 : vector<16xf32>
        %parallel_loop3A_430 = arith.index_cast %parallel_loop3A_410 : i32 to index
        %parallel_loop3A_431 = arith.constant 64 : index
        %parallel_loop3A_432 = tpu.vector_load %arg6[%parallel_loop3A_430, %parallel_loop3A_431] {strides = array<i32>} : memref<1024x96xf32, #tpu.memory_space<vmem>>, vector<16xf32>,
        %parallel_loop3A_433 = arith.mulf %parallel_loop3A_186, %parallel_loop3A_432 : vector<16xf32>
        %parallel_loop3A_434 = arith.addf %parallel_loop3A_429, %parallel_loop3A_433 : vector<16xf32>
        %parallel_loop3A_435 = arith.index_cast %parallel_loop3A_410 : i32 to index
        %parallel_loop3A_436 = arith.constant 80 : index
        %parallel_loop3A_437 = tpu.vector_load %arg6[%parallel_loop3A_435, %parallel_loop3A_436] {strides = array<i32>} : memref<1024x96xf32, #tpu.memory_space<vmem>>, vector<16xf32>,
        %parallel_loop3A_438 = arith.mulf %parallel_loop3A_189, %parallel_loop3A_437 : vector<16xf32>
        %parallel_loop3A_439 = arith.addf %parallel_loop3A_434, %parallel_loop3A_438 : vector<16xf32>
        %parallel_loop3A_440 = arith.constant 96 : i32
        %parallel_loop3A_441 = arith.addi %parallel_loop3A_440, %parallel_loop3A_170 : i32
        %parallel_loop3A_442 = arith.index_cast %parallel_loop3A_441 : i32 to index
        %parallel_loop3A_443 = arith.constant 0 : index
        %parallel_loop3A_444 = tpu.vector_load %arg11[%parallel_loop3A_442, %parallel_loop3A_443] {strides = array<i32>} : memref<144x17xf32, #tpu.memory_space<vmem>>, vector<16xf32>,
        tpu.vector_store %arg11[%parallel_loop3A_442, %parallel_loop3A_443], %parallel_loop3A_439 {strides = array<i32>} : memref<144x17xf32, #tpu.memory_space<vmem>>, vector<16xf32>,
        %parallel_loop3A_445 = vector.extract_strided_slice %parallel_loop3A_192 {offsets = [7], sizes = [1], strides = [1]} : vector<16xi32> to vector<1xi32>
        %parallel_loop3A_446 = vector.extract %parallel_loop3A_445[0] : i32 from vector<1xi32>
        %parallel_loop3A_447 = arith.index_cast %parallel_loop3A_446 : i32 to index
        %parallel_loop3A_448 = arith.constant 0 : index
        %parallel_loop3A_449 = tpu.vector_load %arg6[%parallel_loop3A_447, %parallel_loop3A_448] {strides = array<i32>} : memref<1024x96xf32, #tpu.memory_space<vmem>>, vector<16xf32>,
        %parallel_loop3A_450 = arith.mulf %parallel_loop3A_174, %parallel_loop3A_449 : vector<16xf32>
        %parallel_loop3A_451 = arith.index_cast %parallel_loop3A_446 : i32 to index
        %parallel_loop3A_452 = arith.constant 16 : index
        %parallel_loop3A_453 = tpu.vector_load %arg6[%parallel_loop3A_451, %parallel_loop3A_452] {strides = array<i32>} : memref<1024x96xf32, #tpu.memory_space<vmem>>, vector<16xf32>,
        %parallel_loop3A_454 = arith.mulf %parallel_loop3A_177, %parallel_loop3A_453 : vector<16xf32>
        %parallel_loop3A_455 = arith.addf %parallel_loop3A_450, %parallel_loop3A_454 : vector<16xf32>
        %parallel_loop3A_456 = arith.index_cast %parallel_loop3A_446 : i32 to index
        %parallel_loop3A_457 = arith.constant 32 : index
        %parallel_loop3A_458 = tpu.vector_load %arg6[%parallel_loop3A_456, %parallel_loop3A_457] {strides = array<i32>} : memref<1024x96xf32, #tpu.memory_space<vmem>>, vector<16xf32>,
        %parallel_loop3A_459 = arith.mulf %parallel_loop3A_180, %parallel_loop3A_458 : vector<16xf32>
        %parallel_loop3A_460 = arith.addf %parallel_loop3A_455, %parallel_loop3A_459 : vector<16xf32>
        %parallel_loop3A_461 = arith.index_cast %parallel_loop3A_446 : i32 to index
        %parallel_loop3A_462 = arith.constant 48 : index
        %parallel_loop3A_463 = tpu.vector_load %arg6[%parallel_loop3A_461, %parallel_loop3A_462] {strides = array<i32>} : memref<1024x96xf32, #tpu.memory_space<vmem>>, vector<16xf32>,
        %parallel_loop3A_464 = arith.mulf %parallel_loop3A_183, %parallel_loop3A_463 : vector<16xf32>
        %parallel_loop3A_465 = arith.addf %parallel_loop3A_460, %parallel_loop3A_464 : vector<16xf32>
        %parallel_loop3A_466 = arith.index_cast %parallel_loop3A_446 : i32 to index
        %parallel_loop3A_467 = arith.constant 64 : index
        %parallel_loop3A_468 = tpu.vector_load %arg6[%parallel_loop3A_466, %parallel_loop3A_467] {strides = array<i32>} : memref<1024x96xf32, #tpu.memory_space<vmem>>, vector<16xf32>,
        %parallel_loop3A_469 = arith.mulf %parallel_loop3A_186, %parallel_loop3A_468 : vector<16xf32>
        %parallel_loop3A_470 = arith.addf %parallel_loop3A_465, %parallel_loop3A_469 : vector<16xf32>
        %parallel_loop3A_471 = arith.index_cast %parallel_loop3A_446 : i32 to index
        %parallel_loop3A_472 = arith.constant 80 : index
        %parallel_loop3A_473 = tpu.vector_load %arg6[%parallel_loop3A_471, %parallel_loop3A_472] {strides = array<i32>} : memref<1024x96xf32, #tpu.memory_space<vmem>>, vector<16xf32>,
        %parallel_loop3A_474 = arith.mulf %parallel_loop3A_189, %parallel_loop3A_473 : vector<16xf32>
        %parallel_loop3A_475 = arith.addf %parallel_loop3A_470, %parallel_loop3A_474 : vector<16xf32>
        %parallel_loop3A_476 = arith.constant 112 : i32
        %parallel_loop3A_477 = arith.addi %parallel_loop3A_476, %parallel_loop3A_170 : i32
        %parallel_loop3A_478 = arith.index_cast %parallel_loop3A_477 : i32 to index
        %parallel_loop3A_479 = arith.constant 0 : index
        %parallel_loop3A_480 = tpu.vector_load %arg11[%parallel_loop3A_478, %parallel_loop3A_479] {strides = array<i32>} : memref<144x17xf32, #tpu.memory_space<vmem>>, vector<16xf32>,
        tpu.vector_store %arg11[%parallel_loop3A_478, %parallel_loop3A_479], %parallel_loop3A_475 {strides = array<i32>} : memref<144x17xf32, #tpu.memory_space<vmem>>, vector<16xf32>,
        %parallel_loop3A_481 = vector.extract_strided_slice %parallel_loop3A_192 {offsets = [8], sizes = [1], strides = [1]} : vector<16xi32> to vector<1xi32>
        %parallel_loop3A_482 = vector.extract %parallel_loop3A_481[0] : i32 from vector<1xi32>
        %parallel_loop3A_483 = arith.index_cast %parallel_loop3A_482 : i32 to index
        %parallel_loop3A_484 = arith.constant 0 : index
        %parallel_loop3A_485 = tpu.vector_load %arg6[%parallel_loop3A_483, %parallel_loop3A_484] {strides = array<i32>} : memref<1024x96xf32, #tpu.memory_space<vmem>>, vector<16xf32>,
        %parallel_loop3A_486 = arith.mulf %parallel_loop3A_174, %parallel_loop3A_485 : vector<16xf32>
        %parallel_loop3A_487 = arith.index_cast %parallel_loop3A_482 : i32 to index
        %parallel_loop3A_488 = arith.constant 16 : index
        %parallel_loop3A_489 = tpu.vector_load %arg6[%parallel_loop3A_487, %parallel_loop3A_488] {strides = array<i32>} : memref<1024x96xf32, #tpu.memory_space<vmem>>, vector<16xf32>,
        %parallel_loop3A_490 = arith.mulf %parallel_loop3A_177, %parallel_loop3A_489 : vector<16xf32>
        %parallel_loop3A_491 = arith.addf %parallel_loop3A_486, %parallel_loop3A_490 : vector<16xf32>
        %parallel_loop3A_492 = arith.index_cast %parallel_loop3A_482 : i32 to index
        %parallel_loop3A_493 = arith.constant 32 : index
        %parallel_loop3A_494 = tpu.vector_load %arg6[%parallel_loop3A_492, %parallel_loop3A_493] {strides = array<i32>} : memref<1024x96xf32, #tpu.memory_space<vmem>>, vector<16xf32>,
        %parallel_loop3A_495 = arith.mulf %parallel_loop3A_180, %parallel_loop3A_494 : vector<16xf32>
        %parallel_loop3A_496 = arith.addf %parallel_loop3A_491, %parallel_loop3A_495 : vector<16xf32>
        %parallel_loop3A_497 = arith.index_cast %parallel_loop3A_482 : i32 to index
        %parallel_loop3A_498 = arith.constant 48 : index
        %parallel_loop3A_499 = tpu.vector_load %arg6[%parallel_loop3A_497, %parallel_loop3A_498] {strides = array<i32>} : memref<1024x96xf32, #tpu.memory_space<vmem>>, vector<16xf32>,
        %parallel_loop3A_500 = arith.mulf %parallel_loop3A_183, %parallel_loop3A_499 : vector<16xf32>
        %parallel_loop3A_501 = arith.addf %parallel_loop3A_496, %parallel_loop3A_500 : vector<16xf32>
        %parallel_loop3A_502 = arith.index_cast %parallel_loop3A_482 : i32 to index
        %parallel_loop3A_503 = arith.constant 64 : index
        %parallel_loop3A_504 = tpu.vector_load %arg6[%parallel_loop3A_502, %parallel_loop3A_503] {strides = array<i32>} : memref<1024x96xf32, #tpu.memory_space<vmem>>, vector<16xf32>,
        %parallel_loop3A_505 = arith.mulf %parallel_loop3A_186, %parallel_loop3A_504 : vector<16xf32>
        %parallel_loop3A_506 = arith.addf %parallel_loop3A_501, %parallel_loop3A_505 : vector<16xf32>
        %parallel_loop3A_507 = arith.index_cast %parallel_loop3A_482 : i32 to index
        %parallel_loop3A_508 = arith.constant 80 : index
        %parallel_loop3A_509 = tpu.vector_load %arg6[%parallel_loop3A_507, %parallel_loop3A_508] {strides = array<i32>} : memref<1024x96xf32, #tpu.memory_space<vmem>>, vector<16xf32>,
        %parallel_loop3A_510 = arith.mulf %parallel_loop3A_189, %parallel_loop3A_509 : vector<16xf32>
        %parallel_loop3A_511 = arith.addf %parallel_loop3A_506, %parallel_loop3A_510 : vector<16xf32>
        %parallel_loop3A_512 = arith.constant 128 : i32
        %parallel_loop3A_513 = arith.addi %parallel_loop3A_512, %parallel_loop3A_170 : i32
        %parallel_loop3A_514 = arith.index_cast %parallel_loop3A_513 : i32 to index
        %parallel_loop3A_515 = arith.constant 0 : index
        %parallel_loop3A_516 = tpu.vector_load %arg11[%parallel_loop3A_514, %parallel_loop3A_515] {strides = array<i32>} : memref<144x17xf32, #tpu.memory_space<vmem>>, vector<16xf32>,
        tpu.vector_store %arg11[%parallel_loop3A_514, %parallel_loop3A_515], %parallel_loop3A_511 {strides = array<i32>} : memref<144x17xf32, #tpu.memory_space<vmem>>, vector<16xf32>,
      } {sc.loop_unroll_factor = 2 : i64, sc.parallel_access}
      %get3A = arith.constant 0 : i32
      %get3A_52 = arith.index_cast %get3A : i32 to index
      %get3A_53 = arith.index_cast %mul3A_48 : i32 to index
      %get3A_54 = tpu.vector_load %arg7[%get3A_52, %get3A_53] {strides = array<i32>} : memref<9x1024xi32, #tpu.memory_space<vmem>>, vector<16xi32>,
      %get3A_55 = arith.constant 1 : i32
      %get3A_56 = arith.index_cast %get3A_55 : i32 to index
      %get3A_57 = arith.index_cast %mul3A_48 : i32 to index
      %get3A_58 = tpu.vector_load %arg7[%get3A_56, %get3A_57] {strides = array<i32>} : memref<9x1024xi32, #tpu.memory_space<vmem>>, vector<16xi32>,
      %get3A_59 = arith.constant 2 : i32
      %get3A_60 = arith.index_cast %get3A_59 : i32 to index
      %get3A_61 = arith.index_cast %mul3A_48 : i32 to index
      %get3A_62 = tpu.vector_load %arg7[%get3A_60, %get3A_61] {strides = array<i32>} : memref<9x1024xi32, #tpu.memory_space<vmem>>, vector<16xi32>,
      %get3A_63 = arith.constant 3 : i32
      %get3A_64 = arith.index_cast %get3A_63 : i32 to index
      %get3A_65 = arith.index_cast %mul3A_48 : i32 to index
      %get3A_66 = tpu.vector_load %arg7[%get3A_64, %get3A_65] {strides = array<i32>} : memref<9x1024xi32, #tpu.memory_space<vmem>>, vector<16xi32>,
      %get3A_67 = arith.constant 4 : i32
      %get3A_68 = arith.index_cast %get3A_67 : i32 to index
      %get3A_69 = arith.index_cast %mul3A_48 : i32 to index
      %get3A_70 = tpu.vector_load %arg7[%get3A_68, %get3A_69] {strides = array<i32>} : memref<9x1024xi32, #tpu.memory_space<vmem>>, vector<16xi32>,
      %get3A_71 = arith.constant 5 : i32
      %get3A_72 = arith.index_cast %get3A_71 : i32 to index
      %get3A_73 = arith.index_cast %mul3A_48 : i32 to index
      %get3A_74 = tpu.vector_load %arg7[%get3A_72, %get3A_73] {strides = array<i32>} : memref<9x1024xi32, #tpu.memory_space<vmem>>, vector<16xi32>,
      %get3A_75 = arith.constant 6 : i32
      %get3A_76 = arith.index_cast %get3A_75 : i32 to index
      %get3A_77 = arith.index_cast %mul3A_48 : i32 to index
      %get3A_78 = tpu.vector_load %arg7[%get3A_76, %get3A_77] {strides = array<i32>} : memref<9x1024xi32, #tpu.memory_space<vmem>>, vector<16xi32>,
      %get3A_79 = arith.constant 7 : i32
      %get3A_80 = arith.index_cast %get3A_79 : i32 to index
      %get3A_81 = arith.index_cast %mul3A_48 : i32 to index
      %get3A_82 = tpu.vector_load %arg7[%get3A_80, %get3A_81] {strides = array<i32>} : memref<9x1024xi32, #tpu.memory_space<vmem>>, vector<16xi32>,
      %get3A_83 = arith.constant 8 : i32
      %get3A_84 = arith.index_cast %get3A_83 : i32 to index
      %get3A_85 = arith.index_cast %mul3A_48 : i32 to index
      %get3A_86 = tpu.vector_load %arg7[%get3A_84, %get3A_85] {strides = array<i32>} : memref<9x1024xi32, #tpu.memory_space<vmem>>, vector<16xi32>,
      %get3A_87 = arith.index_cast %mul3A_48 : i32 to index
      %get3A_88 = tpu.vector_load %arg9[%get3A_87] {strides = array<i32>} : memref<1024xf32, #tpu.memory_space<vmem>>, vector<16xf32>,
      %parallel_loop3A_89 = arith.constant 0 : i32
      %parallel_loop3A_90 = arith.constant 9 : i32
      %parallel_loop3A_91 = arith.constant 1 : i32
      scf.for %parallel_loop3A_170 = %parallel_loop3A_89 to %parallel_loop3A_90 step %parallel_loop3A_91  : i32 {
        %parallel_loop3A_171 = arith.constant 16 : i32
        %parallel_loop3A_172 = arith.muli %parallel_loop3A_170, %parallel_loop3A_171 : i32
        %parallel_loop3A_173 = vector.broadcast %parallel_loop3A_172 : i32 to vector<16xi32>
        %parallel_loop3A_174 = arith.addi %parallel_loop3A_173, %iota3A : vector<16xi32>
        %parallel_loop3A_175 = arith.constant 0 : i32
        %parallel_loop3A_176 = vector.broadcast %parallel_loop3A_175 : i32 to vector<16xi32>
        %parallel_loop3A_177 = tpu.vector_load_idx %arg11[%parallel_loop3A_174, %parallel_loop3A_176] : memref<144x17xf32, #tpu.memory_space<vmem>>[vector<16xi32>, vector<16xi32>], vector<16xf32>,
        %parallel_loop3A_178 = arith.constant 1 : i32
        %parallel_loop3A_179 = vector.broadcast %parallel_loop3A_178 : i32 to vector<16xi32>
        %parallel_loop3A_180 = tpu.vector_load_idx %arg11[%parallel_loop3A_174, %parallel_loop3A_179] : memref<144x17xf32, #tpu.memory_space<vmem>>[vector<16xi32>, vector<16xi32>], vector<16xf32>,
        %parallel_loop3A_181 = arith.addf %parallel_loop3A_177, %parallel_loop3A_180 : vector<16xf32>
        %parallel_loop3A_182 = arith.constant 2 : i32
        %parallel_loop3A_183 = vector.broadcast %parallel_loop3A_182 : i32 to vector<16xi32>
        %parallel_loop3A_184 = tpu.vector_load_idx %arg11[%parallel_loop3A_174, %parallel_loop3A_183] : memref<144x17xf32, #tpu.memory_space<vmem>>[vector<16xi32>, vector<16xi32>], vector<16xf32>,
        %parallel_loop3A_185 = arith.addf %parallel_loop3A_181, %parallel_loop3A_184 : vector<16xf32>
        %parallel_loop3A_186 = arith.constant 3 : i32
        %parallel_loop3A_187 = vector.broadcast %parallel_loop3A_186 : i32 to vector<16xi32>
        %parallel_loop3A_188 = tpu.vector_load_idx %arg11[%parallel_loop3A_174, %parallel_loop3A_187] : memref<144x17xf32, #tpu.memory_space<vmem>>[vector<16xi32>, vector<16xi32>], vector<16xf32>,
        %parallel_loop3A_189 = arith.addf %parallel_loop3A_185, %parallel_loop3A_188 : vector<16xf32>
        %parallel_loop3A_190 = arith.constant 4 : i32
        %parallel_loop3A_191 = vector.broadcast %parallel_loop3A_190 : i32 to vector<16xi32>
        %parallel_loop3A_192 = tpu.vector_load_idx %arg11[%parallel_loop3A_174, %parallel_loop3A_191] : memref<144x17xf32, #tpu.memory_space<vmem>>[vector<16xi32>, vector<16xi32>], vector<16xf32>,
        %parallel_loop3A_193 = arith.addf %parallel_loop3A_189, %parallel_loop3A_192 : vector<16xf32>
        %parallel_loop3A_194 = arith.constant 5 : i32
        %parallel_loop3A_195 = vector.broadcast %parallel_loop3A_194 : i32 to vector<16xi32>
        %parallel_loop3A_196 = tpu.vector_load_idx %arg11[%parallel_loop3A_174, %parallel_loop3A_195] : memref<144x17xf32, #tpu.memory_space<vmem>>[vector<16xi32>, vector<16xi32>], vector<16xf32>,
        %parallel_loop3A_197 = arith.addf %parallel_loop3A_193, %parallel_loop3A_196 : vector<16xf32>
        %parallel_loop3A_198 = arith.constant 6 : i32
        %parallel_loop3A_199 = vector.broadcast %parallel_loop3A_198 : i32 to vector<16xi32>
        %parallel_loop3A_200 = tpu.vector_load_idx %arg11[%parallel_loop3A_174, %parallel_loop3A_199] : memref<144x17xf32, #tpu.memory_space<vmem>>[vector<16xi32>, vector<16xi32>], vector<16xf32>,
        %parallel_loop3A_201 = arith.addf %parallel_loop3A_197, %parallel_loop3A_200 : vector<16xf32>
        %parallel_loop3A_202 = arith.constant 7 : i32
        %parallel_loop3A_203 = vector.broadcast %parallel_loop3A_202 : i32 to vector<16xi32>
        %parallel_loop3A_204 = tpu.vector_load_idx %arg11[%parallel_loop3A_174, %parallel_loop3A_203] : memref<144x17xf32, #tpu.memory_space<vmem>>[vector<16xi32>, vector<16xi32>], vector<16xf32>,
        %parallel_loop3A_205 = arith.addf %parallel_loop3A_201, %parallel_loop3A_204 : vector<16xf32>
        %parallel_loop3A_206 = arith.constant 8 : i32
        %parallel_loop3A_207 = vector.broadcast %parallel_loop3A_206 : i32 to vector<16xi32>
        %parallel_loop3A_208 = tpu.vector_load_idx %arg11[%parallel_loop3A_174, %parallel_loop3A_207] : memref<144x17xf32, #tpu.memory_space<vmem>>[vector<16xi32>, vector<16xi32>], vector<16xf32>,
        %parallel_loop3A_209 = arith.addf %parallel_loop3A_205, %parallel_loop3A_208 : vector<16xf32>
        %parallel_loop3A_210 = arith.constant 9 : i32
        %parallel_loop3A_211 = vector.broadcast %parallel_loop3A_210 : i32 to vector<16xi32>
        %parallel_loop3A_212 = tpu.vector_load_idx %arg11[%parallel_loop3A_174, %parallel_loop3A_211] : memref<144x17xf32, #tpu.memory_space<vmem>>[vector<16xi32>, vector<16xi32>], vector<16xf32>,
        %parallel_loop3A_213 = arith.addf %parallel_loop3A_209, %parallel_loop3A_212 : vector<16xf32>
        %parallel_loop3A_214 = arith.constant 10 : i32
        %parallel_loop3A_215 = vector.broadcast %parallel_loop3A_214 : i32 to vector<16xi32>
        %parallel_loop3A_216 = tpu.vector_load_idx %arg11[%parallel_loop3A_174, %parallel_loop3A_215] : memref<144x17xf32, #tpu.memory_space<vmem>>[vector<16xi32>, vector<16xi32>], vector<16xf32>,
        %parallel_loop3A_217 = arith.addf %parallel_loop3A_213, %parallel_loop3A_216 : vector<16xf32>
        %parallel_loop3A_218 = arith.constant 11 : i32
        %parallel_loop3A_219 = vector.broadcast %parallel_loop3A_218 : i32 to vector<16xi32>
        %parallel_loop3A_220 = tpu.vector_load_idx %arg11[%parallel_loop3A_174, %parallel_loop3A_219] : memref<144x17xf32, #tpu.memory_space<vmem>>[vector<16xi32>, vector<16xi32>], vector<16xf32>,
        %parallel_loop3A_221 = arith.addf %parallel_loop3A_217, %parallel_loop3A_220 : vector<16xf32>
        %parallel_loop3A_222 = arith.constant 12 : i32
        %parallel_loop3A_223 = vector.broadcast %parallel_loop3A_222 : i32 to vector<16xi32>
        %parallel_loop3A_224 = tpu.vector_load_idx %arg11[%parallel_loop3A_174, %parallel_loop3A_223] : memref<144x17xf32, #tpu.memory_space<vmem>>[vector<16xi32>, vector<16xi32>], vector<16xf32>,
        %parallel_loop3A_225 = arith.addf %parallel_loop3A_221, %parallel_loop3A_224 : vector<16xf32>
        %parallel_loop3A_226 = arith.constant 13 : i32
        %parallel_loop3A_227 = vector.broadcast %parallel_loop3A_226 : i32 to vector<16xi32>
        %parallel_loop3A_228 = tpu.vector_load_idx %arg11[%parallel_loop3A_174, %parallel_loop3A_227] : memref<144x17xf32, #tpu.memory_space<vmem>>[vector<16xi32>, vector<16xi32>], vector<16xf32>,
        %parallel_loop3A_229 = arith.addf %parallel_loop3A_225, %parallel_loop3A_228 : vector<16xf32>
        %parallel_loop3A_230 = arith.constant 14 : i32
        %parallel_loop3A_231 = vector.broadcast %parallel_loop3A_230 : i32 to vector<16xi32>
        %parallel_loop3A_232 = tpu.vector_load_idx %arg11[%parallel_loop3A_174, %parallel_loop3A_231] : memref<144x17xf32, #tpu.memory_space<vmem>>[vector<16xi32>, vector<16xi32>], vector<16xf32>,
        %parallel_loop3A_233 = arith.addf %parallel_loop3A_229, %parallel_loop3A_232 : vector<16xf32>
        %parallel_loop3A_234 = arith.constant 15 : i32
        %parallel_loop3A_235 = vector.broadcast %parallel_loop3A_234 : i32 to vector<16xi32>
        %parallel_loop3A_236 = tpu.vector_load_idx %arg11[%parallel_loop3A_174, %parallel_loop3A_235] : memref<144x17xf32, #tpu.memory_space<vmem>>[vector<16xi32>, vector<16xi32>], vector<16xf32>,
        %parallel_loop3A_237 = arith.addf %parallel_loop3A_233, %parallel_loop3A_236 : vector<16xf32>
        %parallel_loop3A_238 = vector.broadcast %parallel_loop3A_170 : i32 to vector<16xi32>
        %parallel_loop3A_239 = vector.broadcast %mul3A_48 : i32 to vector<16xi32>
        %parallel_loop3A_240 = arith.addi %parallel_loop3A_239, %iota3A : vector<16xi32>
        %parallel_loop3A_241 = tpu.vector_load_idx %arg7[%parallel_loop3A_238, %parallel_loop3A_240] : memref<9x1024xi32, #tpu.memory_space<vmem>>[vector<16xi32>, vector<16xi32>], vector<16xi32>,
        %parallel_loop3A_242 = tpu.vector_load_idx %arg9[%parallel_loop3A_241] : memref<1024xf32, #tpu.memory_space<vmem>>[vector<16xi32>], vector<16xf32>,
        %parallel_loop3A_243 = arith.mulf %get3A_88, %parallel_loop3A_242 : vector<16xf32>
        %parallel_loop3A_244 = arith.constant 1.000000e-16 : f32
        %parallel_loop3A_245 = vector.broadcast %parallel_loop3A_244 : f32 to vector<16xf32>
        %parallel_loop3A_246 = arith.maximumf %parallel_loop3A_243, %parallel_loop3A_245 : vector<16xf32>
        %parallel_loop3A_247 = tpu.bitcast %parallel_loop3A_246 : vector<16xf32> -> vector<16xi32>
        %parallel_loop3A_248 = arith.constant 1 : i32
        %parallel_loop3A_249 = vector.broadcast %parallel_loop3A_248 : i32 to vector<16xi32>
        %parallel_loop3A_250 = arith.shrsi %parallel_loop3A_247, %parallel_loop3A_249 : vector<16xi32>
        %parallel_loop3A_251 = arith.constant 1597463007 : i32
        %parallel_loop3A_252 = vector.broadcast %parallel_loop3A_251 : i32 to vector<16xi32>
        %parallel_loop3A_253 = arith.subi %parallel_loop3A_252, %parallel_loop3A_250 : vector<16xi32>
        %parallel_loop3A_254 = tpu.bitcast %parallel_loop3A_253 : vector<16xi32> -> vector<16xf32>
        %parallel_loop3A_255 = arith.constant 5.000000e-01 : f32
        %parallel_loop3A_256 = vector.broadcast %parallel_loop3A_255 : f32 to vector<16xf32>
        %parallel_loop3A_257 = arith.mulf %parallel_loop3A_256, %parallel_loop3A_246 : vector<16xf32>
        %parallel_loop3A_258 = arith.mulf %parallel_loop3A_257, %parallel_loop3A_254 : vector<16xf32>
        %parallel_loop3A_259 = arith.mulf %parallel_loop3A_258, %parallel_loop3A_254 : vector<16xf32>
        %parallel_loop3A_260 = arith.constant 1.500000e+00 : f32
        %parallel_loop3A_261 = vector.broadcast %parallel_loop3A_260 : f32 to vector<16xf32>
        %parallel_loop3A_262 = arith.subf %parallel_loop3A_261, %parallel_loop3A_259 : vector<16xf32>
        %parallel_loop3A_263 = arith.mulf %parallel_loop3A_254, %parallel_loop3A_262 : vector<16xf32>
        %parallel_loop3A_264 = arith.constant 5.000000e-01 : f32
        %parallel_loop3A_265 = vector.broadcast %parallel_loop3A_264 : f32 to vector<16xf32>
        %parallel_loop3A_266 = arith.mulf %parallel_loop3A_265, %parallel_loop3A_246 : vector<16xf32>
        %parallel_loop3A_267 = arith.mulf %parallel_loop3A_266, %parallel_loop3A_263 : vector<16xf32>
        %parallel_loop3A_268 = arith.mulf %parallel_loop3A_267, %parallel_loop3A_263 : vector<16xf32>
        %parallel_loop3A_269 = arith.constant 1.500000e+00 : f32
        %parallel_loop3A_270 = vector.broadcast %parallel_loop3A_269 : f32 to vector<16xf32>
        %parallel_loop3A_271 = arith.subf %parallel_loop3A_270, %parallel_loop3A_268 : vector<16xf32>
        %parallel_loop3A_272 = arith.mulf %parallel_loop3A_263, %parallel_loop3A_271 : vector<16xf32>
        %parallel_loop3A_273 = arith.mulf %parallel_loop3A_237, %parallel_loop3A_272 : vector<16xf32>
        %parallel_loop3A_274 = arith.index_cast %parallel_loop3A_170 : i32 to index
        %parallel_loop3A_275 = arith.constant 0 : index
        %parallel_loop3A_276 = tpu.vector_load %arg12[%parallel_loop3A_274, %parallel_loop3A_275] {strides = array<i32>} : memref<9x17xf32, #tpu.memory_space<vmem>>, vector<16xf32>,
        tpu.vector_store %arg12[%parallel_loop3A_274, %parallel_loop3A_275], %parallel_loop3A_273 {strides = array<i32>} : memref<9x17xf32, #tpu.memory_space<vmem>>, vector<16xf32>,
      } {sc.loop_unroll_factor = 1 : i64, sc.parallel_access}
      %get3A_92 = arith.constant 0 : i32
      %get3A_93 = arith.index_cast %get3A_92 : i32 to index
      %get3A_94 = arith.constant 0 : index
      %get3A_95 = tpu.vector_load %arg12[%get3A_93, %get3A_94] {strides = array<i32>} : memref<9x17xf32, #tpu.memory_space<vmem>>, vector<16xf32>,
      %get3A_96 = arith.constant 1 : i32
      %get3A_97 = arith.index_cast %get3A_96 : i32 to index
      %get3A_98 = arith.constant 0 : index
      %get3A_99 = tpu.vector_load %arg12[%get3A_97, %get3A_98] {strides = array<i32>} : memref<9x17xf32, #tpu.memory_space<vmem>>, vector<16xf32>,
      %get3A_100 = arith.constant 2 : i32
      %get3A_101 = arith.index_cast %get3A_100 : i32 to index
      %get3A_102 = arith.constant 0 : index
      %get3A_103 = tpu.vector_load %arg12[%get3A_101, %get3A_102] {strides = array<i32>} : memref<9x17xf32, #tpu.memory_space<vmem>>, vector<16xf32>,
      %get3A_104 = arith.constant 3 : i32
      %get3A_105 = arith.index_cast %get3A_104 : i32 to index
      %get3A_106 = arith.constant 0 : index
      %get3A_107 = tpu.vector_load %arg12[%get3A_105, %get3A_106] {strides = array<i32>} : memref<9x17xf32, #tpu.memory_space<vmem>>, vector<16xf32>,
      %get3A_108 = arith.constant 4 : i32
      %get3A_109 = arith.index_cast %get3A_108 : i32 to index
      %get3A_110 = arith.constant 0 : index
      %get3A_111 = tpu.vector_load %arg12[%get3A_109, %get3A_110] {strides = array<i32>} : memref<9x17xf32, #tpu.memory_space<vmem>>, vector<16xf32>,
      %get3A_112 = arith.constant 5 : i32
      %get3A_113 = arith.index_cast %get3A_112 : i32 to index
      %get3A_114 = arith.constant 0 : index
      %get3A_115 = tpu.vector_load %arg12[%get3A_113, %get3A_114] {strides = array<i32>} : memref<9x17xf32, #tpu.memory_space<vmem>>, vector<16xf32>,
      %get3A_116 = arith.constant 6 : i32
      %get3A_117 = arith.index_cast %get3A_116 : i32 to index
      %get3A_118 = arith.constant 0 : index
      %get3A_119 = tpu.vector_load %arg12[%get3A_117, %get3A_118] {strides = array<i32>} : memref<9x17xf32, #tpu.memory_space<vmem>>, vector<16xf32>,
      %get3A_120 = arith.constant 7 : i32
      %get3A_121 = arith.index_cast %get3A_120 : i32 to index
      %get3A_122 = arith.constant 0 : index
      %get3A_123 = tpu.vector_load %arg12[%get3A_121, %get3A_122] {strides = array<i32>} : memref<9x17xf32, #tpu.memory_space<vmem>>, vector<16xf32>,
      %get3A_124 = arith.constant 8 : i32
      %get3A_125 = arith.index_cast %get3A_124 : i32 to index
      %get3A_126 = arith.constant 0 : index
      %get3A_127 = tpu.vector_load %arg12[%get3A_125, %get3A_126] {strides = array<i32>} : memref<9x17xf32, #tpu.memory_space<vmem>>, vector<16xf32>,
      %max3A = arith.maximumf %get3A_95, %get3A_99 : vector<16xf32>
      %max3A_128 = arith.maximumf %max3A, %get3A_103 : vector<16xf32>
      %max3A_129 = arith.maximumf %max3A_128, %get3A_107 : vector<16xf32>
      %max3A_130 = arith.maximumf %max3A_129, %get3A_111 : vector<16xf32>
      %max3A_131 = arith.maximumf %max3A_130, %get3A_115 : vector<16xf32>
      %max3A_132 = arith.maximumf %max3A_131, %get3A_119 : vector<16xf32>
      %max3A_133 = arith.maximumf %max3A_132, %get3A_123 : vector<16xf32>
      %max3A_134 = arith.maximumf %max3A_133, %get3A_127 : vector<16xf32>
      %sub3A = arith.subf %get3A_95, %max3A_134 : vector<16xf32>
      %exp3A = math.exp %sub3A : vector<16xf32>
      %sub3A_135 = arith.subf %get3A_99, %max3A_134 : vector<16xf32>
      %exp3A_136 = math.exp %sub3A_135 : vector<16xf32>
      %sub3A_137 = arith.subf %get3A_103, %max3A_134 : vector<16xf32>
      %exp3A_138 = math.exp %sub3A_137 : vector<16xf32>
      %sub3A_139 = arith.subf %get3A_107, %max3A_134 : vector<16xf32>
      %exp3A_140 = math.exp %sub3A_139 : vector<16xf32>
      %sub3A_141 = arith.subf %get3A_111, %max3A_134 : vector<16xf32>
      %exp3A_142 = math.exp %sub3A_141 : vector<16xf32>
      %sub3A_143 = arith.subf %get3A_115, %max3A_134 : vector<16xf32>
      %exp3A_144 = math.exp %sub3A_143 : vector<16xf32>
      %sub3A_145 = arith.subf %get3A_119, %max3A_134 : vector<16xf32>
      %exp3A_146 = math.exp %sub3A_145 : vector<16xf32>
      %sub3A_147 = arith.subf %get3A_123, %max3A_134 : vector<16xf32>
      %exp3A_148 = math.exp %sub3A_147 : vector<16xf32>
      %sub3A_149 = arith.subf %get3A_127, %max3A_134 : vector<16xf32>
      %exp3A_150 = math.exp %sub3A_149 : vector<16xf32>
      %add3A_151 = arith.addf %exp3A, %exp3A_136 : vector<16xf32>
      %add3A_152 = arith.addf %add3A_151, %exp3A_138 : vector<16xf32>
      %add3A_153 = arith.addf %add3A_152, %exp3A_140 : vector<16xf32>
      %add3A_154 = arith.addf %add3A_153, %exp3A_142 : vector<16xf32>
      %add3A_155 = arith.addf %add3A_154, %exp3A_144 : vector<16xf32>
      %add3A_156 = arith.addf %add3A_155, %exp3A_146 : vector<16xf32>
      %add3A_157 = arith.addf %add3A_156, %exp3A_148 : vector<16xf32>
      %add3A_158 = arith.addf %add3A_157, %exp3A_150 : vector<16xf32>
      %div3A = arith.constant 1.000000e+00 : f32
      %div3A_159 = vector.broadcast %div3A : f32 to vector<16xf32>
      %div3A_160 = arith.divf %div3A_159, %add3A_158 : vector<16xf32>
      %mul3A_161 = arith.mulf %exp3A, %div3A_160 : vector<16xf32>
      tpu.vector_store_idx %arg10[%get3A_54], %mul3A_161 {add = true} : memref<1024xf32, #tpu.memory_space<vmem>>[vector<16xi32>], vector<16xf32>,
      %mul3A_162 = arith.mulf %exp3A_136, %div3A_160 : vector<16xf32>
      tpu.vector_store_idx %arg10[%get3A_58], %mul3A_162 {add = true} : memref<1024xf32, #tpu.memory_space<vmem>>[vector<16xi32>], vector<16xf32>,
      %mul3A_163 = arith.mulf %exp3A_138, %div3A_160 : vector<16xf32>
      tpu.vector_store_idx %arg10[%get3A_62], %mul3A_163 {add = true} : memref<1024xf32, #tpu.memory_space<vmem>>[vector<16xi32>], vector<16xf32>,
      %mul3A_164 = arith.mulf %exp3A_140, %div3A_160 : vector<16xf32>
      tpu.vector_store_idx %arg10[%get3A_66], %mul3A_164 {add = true} : memref<1024xf32, #tpu.memory_space<vmem>>[vector<16xi32>], vector<16xf32>,
      %mul3A_165 = arith.mulf %exp3A_142, %div3A_160 : vector<16xf32>
      tpu.vector_store_idx %arg10[%get3A_70], %mul3A_165 {add = true} : memref<1024xf32, #tpu.memory_space<vmem>>[vector<16xi32>], vector<16xf32>,
      %mul3A_166 = arith.mulf %exp3A_144, %div3A_160 : vector<16xf32>
      tpu.vector_store_idx %arg10[%get3A_74], %mul3A_166 {add = true} : memref<1024xf32, #tpu.memory_space<vmem>>[vector<16xi32>], vector<16xf32>,
      %mul3A_167 = arith.mulf %exp3A_146, %div3A_160 : vector<16xf32>
      tpu.vector_store_idx %arg10[%get3A_78], %mul3A_167 {add = true} : memref<1024xf32, #tpu.memory_space<vmem>>[vector<16xi32>], vector<16xf32>,
      %mul3A_168 = arith.mulf %exp3A_148, %div3A_160 : vector<16xf32>
      tpu.vector_store_idx %arg10[%get3A_82], %mul3A_168 {add = true} : memref<1024xf32, #tpu.memory_space<vmem>>[vector<16xi32>], vector<16xf32>,
      %mul3A_169 = arith.mulf %exp3A_150, %div3A_160 : vector<16xf32>
      tpu.vector_store_idx %arg10[%get3A_86], %mul3A_169 {add = true} : memref<1024xf32, #tpu.memory_space<vmem>>[vector<16xi32>], vector<16xf32>,
    }
    %scan3A_13 = arith.constant 64 : i32
    %parallel_loop3A = arith.constant 0 : i32
    %parallel_loop3A_14 = arith.constant 64 : i32
    %parallel_loop3A_15 = arith.constant 1 : i32
    %parallel_loop3A_16:6 = scf.for %parallel_loop3A_46 = %parallel_loop3A to %parallel_loop3A_14 step %parallel_loop3A_15 iter_args(%parallel_loop3A_47 = %broadcast_in_dim3A_1, %parallel_loop3A_48 = %broadcast_in_dim3A_1, %parallel_loop3A_49 = %broadcast_in_dim3A_1, %parallel_loop3A_50 = %broadcast_in_dim3A_1, %parallel_loop3A_51 = %broadcast_in_dim3A_1, %parallel_loop3A_52 = %broadcast_in_dim3A_1) -> (vector<16xf32>, vector<16xf32>, vector<16xf32>, vector<16xf32>, vector<16xf32>, vector<16xf32>)  : i32 {
      %parallel_loop3A_53 = arith.constant 16 : i32
      %parallel_loop3A_54 = arith.muli %parallel_loop3A_46, %parallel_loop3A_53 : i32
      %parallel_loop3A_55 = arith.index_cast %parallel_loop3A_54 : i32 to index
      %parallel_loop3A_56 = tpu.vector_load %arg10[%parallel_loop3A_55] {strides = array<i32>} : memref<1024xf32, #tpu.memory_space<vmem>>, vector<16xf32>,
      %parallel_loop3A_57 = arith.constant 16 : i32
      %parallel_loop3A_58 = arith.muli %parallel_loop3A_46, %parallel_loop3A_57 : i32
      %parallel_loop3A_59 = arith.constant 0 : i32
      %parallel_loop3A_60 = arith.addi %parallel_loop3A_58, %parallel_loop3A_59 : i32
      %parallel_loop3A_61 = vector.extract_strided_slice %parallel_loop3A_56 {offsets = [0], sizes = [1], strides = [1]} : vector<16xf32> to vector<1xf32>
      %parallel_loop3A_62 = vector.extract %parallel_loop3A_61[0] : f32 from vector<1xf32>
      %parallel_loop3A_63 = vector.broadcast %parallel_loop3A_62 : f32 to vector<16xf32>
      %parallel_loop3A_64 = arith.index_cast %parallel_loop3A_60 : i32 to index
      %parallel_loop3A_65 = arith.constant 0 : index
      %parallel_loop3A_66 = tpu.vector_load %arg6[%parallel_loop3A_64, %parallel_loop3A_65] {strides = array<i32>} : memref<1024x96xf32, #tpu.memory_space<vmem>>, vector<16xf32>,
      %parallel_loop3A_67 = arith.mulf %parallel_loop3A_63, %parallel_loop3A_66 : vector<16xf32>
      %parallel_loop3A_68 = arith.addf %parallel_loop3A_47, %parallel_loop3A_67 : vector<16xf32>
      %parallel_loop3A_69 = arith.index_cast %parallel_loop3A_60 : i32 to index
      %parallel_loop3A_70 = arith.constant 16 : index
      %parallel_loop3A_71 = tpu.vector_load %arg6[%parallel_loop3A_69, %parallel_loop3A_70] {strides = array<i32>} : memref<1024x96xf32, #tpu.memory_space<vmem>>, vector<16xf32>,
      %parallel_loop3A_72 = arith.mulf %parallel_loop3A_63, %parallel_loop3A_71 : vector<16xf32>
      %parallel_loop3A_73 = arith.addf %parallel_loop3A_48, %parallel_loop3A_72 : vector<16xf32>
      %parallel_loop3A_74 = arith.index_cast %parallel_loop3A_60 : i32 to index
      %parallel_loop3A_75 = arith.constant 32 : index
      %parallel_loop3A_76 = tpu.vector_load %arg6[%parallel_loop3A_74, %parallel_loop3A_75] {strides = array<i32>} : memref<1024x96xf32, #tpu.memory_space<vmem>>, vector<16xf32>,
      %parallel_loop3A_77 = arith.mulf %parallel_loop3A_63, %parallel_loop3A_76 : vector<16xf32>
      %parallel_loop3A_78 = arith.addf %parallel_loop3A_49, %parallel_loop3A_77 : vector<16xf32>
      %parallel_loop3A_79 = arith.index_cast %parallel_loop3A_60 : i32 to index
      %parallel_loop3A_80 = arith.constant 48 : index
      %parallel_loop3A_81 = tpu.vector_load %arg6[%parallel_loop3A_79, %parallel_loop3A_80] {strides = array<i32>} : memref<1024x96xf32, #tpu.memory_space<vmem>>, vector<16xf32>,
      %parallel_loop3A_82 = arith.mulf %parallel_loop3A_63, %parallel_loop3A_81 : vector<16xf32>
      %parallel_loop3A_83 = arith.addf %parallel_loop3A_50, %parallel_loop3A_82 : vector<16xf32>
      %parallel_loop3A_84 = arith.index_cast %parallel_loop3A_60 : i32 to index
      %parallel_loop3A_85 = arith.constant 64 : index
      %parallel_loop3A_86 = tpu.vector_load %arg6[%parallel_loop3A_84, %parallel_loop3A_85] {strides = array<i32>} : memref<1024x96xf32, #tpu.memory_space<vmem>>, vector<16xf32>,
      %parallel_loop3A_87 = arith.mulf %parallel_loop3A_63, %parallel_loop3A_86 : vector<16xf32>
      %parallel_loop3A_88 = arith.addf %parallel_loop3A_51, %parallel_loop3A_87 : vector<16xf32>
      %parallel_loop3A_89 = arith.index_cast %parallel_loop3A_60 : i32 to index
      %parallel_loop3A_90 = arith.constant 80 : index
      %parallel_loop3A_91 = tpu.vector_load %arg6[%parallel_loop3A_89, %parallel_loop3A_90] {strides = array<i32>} : memref<1024x96xf32, #tpu.memory_space<vmem>>, vector<16xf32>,
      %parallel_loop3A_92 = arith.mulf %parallel_loop3A_63, %parallel_loop3A_91 : vector<16xf32>
      %parallel_loop3A_93 = arith.addf %parallel_loop3A_52, %parallel_loop3A_92 : vector<16xf32>
      %parallel_loop3A_94 = arith.constant 16 : i32
      %parallel_loop3A_95 = arith.muli %parallel_loop3A_46, %parallel_loop3A_94 : i32
      %parallel_loop3A_96 = arith.constant 1 : i32
      %parallel_loop3A_97 = arith.addi %parallel_loop3A_95, %parallel_loop3A_96 : i32
      %parallel_loop3A_98 = vector.extract_strided_slice %parallel_loop3A_56 {offsets = [1], sizes = [1], strides = [1]} : vector<16xf32> to vector<1xf32>
      %parallel_loop3A_99 = vector.extract %parallel_loop3A_98[0] : f32 from vector<1xf32>
      %parallel_loop3A_100 = vector.broadcast %parallel_loop3A_99 : f32 to vector<16xf32>
      %parallel_loop3A_101 = arith.index_cast %parallel_loop3A_97 : i32 to index
      %parallel_loop3A_102 = arith.constant 0 : index
      %parallel_loop3A_103 = tpu.vector_load %arg6[%parallel_loop3A_101, %parallel_loop3A_102] {strides = array<i32>} : memref<1024x96xf32, #tpu.memory_space<vmem>>, vector<16xf32>,
      %parallel_loop3A_104 = arith.mulf %parallel_loop3A_100, %parallel_loop3A_103 : vector<16xf32>
      %parallel_loop3A_105 = arith.addf %parallel_loop3A_68, %parallel_loop3A_104 : vector<16xf32>
      %parallel_loop3A_106 = arith.index_cast %parallel_loop3A_97 : i32 to index
      %parallel_loop3A_107 = arith.constant 16 : index
      %parallel_loop3A_108 = tpu.vector_load %arg6[%parallel_loop3A_106, %parallel_loop3A_107] {strides = array<i32>} : memref<1024x96xf32, #tpu.memory_space<vmem>>, vector<16xf32>,
      %parallel_loop3A_109 = arith.mulf %parallel_loop3A_100, %parallel_loop3A_108 : vector<16xf32>
      %parallel_loop3A_110 = arith.addf %parallel_loop3A_73, %parallel_loop3A_109 : vector<16xf32>
      %parallel_loop3A_111 = arith.index_cast %parallel_loop3A_97 : i32 to index
      %parallel_loop3A_112 = arith.constant 32 : index
      %parallel_loop3A_113 = tpu.vector_load %arg6[%parallel_loop3A_111, %parallel_loop3A_112] {strides = array<i32>} : memref<1024x96xf32, #tpu.memory_space<vmem>>, vector<16xf32>,
      %parallel_loop3A_114 = arith.mulf %parallel_loop3A_100, %parallel_loop3A_113 : vector<16xf32>
      %parallel_loop3A_115 = arith.addf %parallel_loop3A_78, %parallel_loop3A_114 : vector<16xf32>
      %parallel_loop3A_116 = arith.index_cast %parallel_loop3A_97 : i32 to index
      %parallel_loop3A_117 = arith.constant 48 : index
      %parallel_loop3A_118 = tpu.vector_load %arg6[%parallel_loop3A_116, %parallel_loop3A_117] {strides = array<i32>} : memref<1024x96xf32, #tpu.memory_space<vmem>>, vector<16xf32>,
      %parallel_loop3A_119 = arith.mulf %parallel_loop3A_100, %parallel_loop3A_118 : vector<16xf32>
      %parallel_loop3A_120 = arith.addf %parallel_loop3A_83, %parallel_loop3A_119 : vector<16xf32>
      %parallel_loop3A_121 = arith.index_cast %parallel_loop3A_97 : i32 to index
      %parallel_loop3A_122 = arith.constant 64 : index
      %parallel_loop3A_123 = tpu.vector_load %arg6[%parallel_loop3A_121, %parallel_loop3A_122] {strides = array<i32>} : memref<1024x96xf32, #tpu.memory_space<vmem>>, vector<16xf32>,
      %parallel_loop3A_124 = arith.mulf %parallel_loop3A_100, %parallel_loop3A_123 : vector<16xf32>
      %parallel_loop3A_125 = arith.addf %parallel_loop3A_88, %parallel_loop3A_124 : vector<16xf32>
      %parallel_loop3A_126 = arith.index_cast %parallel_loop3A_97 : i32 to index
      %parallel_loop3A_127 = arith.constant 80 : index
      %parallel_loop3A_128 = tpu.vector_load %arg6[%parallel_loop3A_126, %parallel_loop3A_127] {strides = array<i32>} : memref<1024x96xf32, #tpu.memory_space<vmem>>, vector<16xf32>,
      %parallel_loop3A_129 = arith.mulf %parallel_loop3A_100, %parallel_loop3A_128 : vector<16xf32>
      %parallel_loop3A_130 = arith.addf %parallel_loop3A_93, %parallel_loop3A_129 : vector<16xf32>
      %parallel_loop3A_131 = arith.constant 16 : i32
      %parallel_loop3A_132 = arith.muli %parallel_loop3A_46, %parallel_loop3A_131 : i32
      %parallel_loop3A_133 = arith.constant 2 : i32
      %parallel_loop3A_134 = arith.addi %parallel_loop3A_132, %parallel_loop3A_133 : i32
      %parallel_loop3A_135 = vector.extract_strided_slice %parallel_loop3A_56 {offsets = [2], sizes = [1], strides = [1]} : vector<16xf32> to vector<1xf32>
      %parallel_loop3A_136 = vector.extract %parallel_loop3A_135[0] : f32 from vector<1xf32>
      %parallel_loop3A_137 = vector.broadcast %parallel_loop3A_136 : f32 to vector<16xf32>
      %parallel_loop3A_138 = arith.index_cast %parallel_loop3A_134 : i32 to index
      %parallel_loop3A_139 = arith.constant 0 : index
      %parallel_loop3A_140 = tpu.vector_load %arg6[%parallel_loop3A_138, %parallel_loop3A_139] {strides = array<i32>} : memref<1024x96xf32, #tpu.memory_space<vmem>>, vector<16xf32>,
      %parallel_loop3A_141 = arith.mulf %parallel_loop3A_137, %parallel_loop3A_140 : vector<16xf32>
      %parallel_loop3A_142 = arith.addf %parallel_loop3A_105, %parallel_loop3A_141 : vector<16xf32>
      %parallel_loop3A_143 = arith.index_cast %parallel_loop3A_134 : i32 to index
      %parallel_loop3A_144 = arith.constant 16 : index
      %parallel_loop3A_145 = tpu.vector_load %arg6[%parallel_loop3A_143, %parallel_loop3A_144] {strides = array<i32>} : memref<1024x96xf32, #tpu.memory_space<vmem>>, vector<16xf32>,
      %parallel_loop3A_146 = arith.mulf %parallel_loop3A_137, %parallel_loop3A_145 : vector<16xf32>
      %parallel_loop3A_147 = arith.addf %parallel_loop3A_110, %parallel_loop3A_146 : vector<16xf32>
      %parallel_loop3A_148 = arith.index_cast %parallel_loop3A_134 : i32 to index
      %parallel_loop3A_149 = arith.constant 32 : index
      %parallel_loop3A_150 = tpu.vector_load %arg6[%parallel_loop3A_148, %parallel_loop3A_149] {strides = array<i32>} : memref<1024x96xf32, #tpu.memory_space<vmem>>, vector<16xf32>,
      %parallel_loop3A_151 = arith.mulf %parallel_loop3A_137, %parallel_loop3A_150 : vector<16xf32>
      %parallel_loop3A_152 = arith.addf %parallel_loop3A_115, %parallel_loop3A_151 : vector<16xf32>
      %parallel_loop3A_153 = arith.index_cast %parallel_loop3A_134 : i32 to index
      %parallel_loop3A_154 = arith.constant 48 : index
      %parallel_loop3A_155 = tpu.vector_load %arg6[%parallel_loop3A_153, %parallel_loop3A_154] {strides = array<i32>} : memref<1024x96xf32, #tpu.memory_space<vmem>>, vector<16xf32>,
      %parallel_loop3A_156 = arith.mulf %parallel_loop3A_137, %parallel_loop3A_155 : vector<16xf32>
      %parallel_loop3A_157 = arith.addf %parallel_loop3A_120, %parallel_loop3A_156 : vector<16xf32>
      %parallel_loop3A_158 = arith.index_cast %parallel_loop3A_134 : i32 to index
      %parallel_loop3A_159 = arith.constant 64 : index
      %parallel_loop3A_160 = tpu.vector_load %arg6[%parallel_loop3A_158, %parallel_loop3A_159] {strides = array<i32>} : memref<1024x96xf32, #tpu.memory_space<vmem>>, vector<16xf32>,
      %parallel_loop3A_161 = arith.mulf %parallel_loop3A_137, %parallel_loop3A_160 : vector<16xf32>
      %parallel_loop3A_162 = arith.addf %parallel_loop3A_125, %parallel_loop3A_161 : vector<16xf32>
      %parallel_loop3A_163 = arith.index_cast %parallel_loop3A_134 : i32 to index
      %parallel_loop3A_164 = arith.constant 80 : index
      %parallel_loop3A_165 = tpu.vector_load %arg6[%parallel_loop3A_163, %parallel_loop3A_164] {strides = array<i32>} : memref<1024x96xf32, #tpu.memory_space<vmem>>, vector<16xf32>,
      %parallel_loop3A_166 = arith.mulf %parallel_loop3A_137, %parallel_loop3A_165 : vector<16xf32>
      %parallel_loop3A_167 = arith.addf %parallel_loop3A_130, %parallel_loop3A_166 : vector<16xf32>
      %parallel_loop3A_168 = arith.constant 16 : i32
      %parallel_loop3A_169 = arith.muli %parallel_loop3A_46, %parallel_loop3A_168 : i32
      %parallel_loop3A_170 = arith.constant 3 : i32
      %parallel_loop3A_171 = arith.addi %parallel_loop3A_169, %parallel_loop3A_170 : i32
      %parallel_loop3A_172 = vector.extract_strided_slice %parallel_loop3A_56 {offsets = [3], sizes = [1], strides = [1]} : vector<16xf32> to vector<1xf32>
      %parallel_loop3A_173 = vector.extract %parallel_loop3A_172[0] : f32 from vector<1xf32>
      %parallel_loop3A_174 = vector.broadcast %parallel_loop3A_173 : f32 to vector<16xf32>
      %parallel_loop3A_175 = arith.index_cast %parallel_loop3A_171 : i32 to index
      %parallel_loop3A_176 = arith.constant 0 : index
      %parallel_loop3A_177 = tpu.vector_load %arg6[%parallel_loop3A_175, %parallel_loop3A_176] {strides = array<i32>} : memref<1024x96xf32, #tpu.memory_space<vmem>>, vector<16xf32>,
      %parallel_loop3A_178 = arith.mulf %parallel_loop3A_174, %parallel_loop3A_177 : vector<16xf32>
      %parallel_loop3A_179 = arith.addf %parallel_loop3A_142, %parallel_loop3A_178 : vector<16xf32>
      %parallel_loop3A_180 = arith.index_cast %parallel_loop3A_171 : i32 to index
      %parallel_loop3A_181 = arith.constant 16 : index
      %parallel_loop3A_182 = tpu.vector_load %arg6[%parallel_loop3A_180, %parallel_loop3A_181] {strides = array<i32>} : memref<1024x96xf32, #tpu.memory_space<vmem>>, vector<16xf32>,
      %parallel_loop3A_183 = arith.mulf %parallel_loop3A_174, %parallel_loop3A_182 : vector<16xf32>
      %parallel_loop3A_184 = arith.addf %parallel_loop3A_147, %parallel_loop3A_183 : vector<16xf32>
      %parallel_loop3A_185 = arith.index_cast %parallel_loop3A_171 : i32 to index
      %parallel_loop3A_186 = arith.constant 32 : index
      %parallel_loop3A_187 = tpu.vector_load %arg6[%parallel_loop3A_185, %parallel_loop3A_186] {strides = array<i32>} : memref<1024x96xf32, #tpu.memory_space<vmem>>, vector<16xf32>,
      %parallel_loop3A_188 = arith.mulf %parallel_loop3A_174, %parallel_loop3A_187 : vector<16xf32>
      %parallel_loop3A_189 = arith.addf %parallel_loop3A_152, %parallel_loop3A_188 : vector<16xf32>
      %parallel_loop3A_190 = arith.index_cast %parallel_loop3A_171 : i32 to index
      %parallel_loop3A_191 = arith.constant 48 : index
      %parallel_loop3A_192 = tpu.vector_load %arg6[%parallel_loop3A_190, %parallel_loop3A_191] {strides = array<i32>} : memref<1024x96xf32, #tpu.memory_space<vmem>>, vector<16xf32>,
      %parallel_loop3A_193 = arith.mulf %parallel_loop3A_174, %parallel_loop3A_192 : vector<16xf32>
      %parallel_loop3A_194 = arith.addf %parallel_loop3A_157, %parallel_loop3A_193 : vector<16xf32>
      %parallel_loop3A_195 = arith.index_cast %parallel_loop3A_171 : i32 to index
      %parallel_loop3A_196 = arith.constant 64 : index
      %parallel_loop3A_197 = tpu.vector_load %arg6[%parallel_loop3A_195, %parallel_loop3A_196] {strides = array<i32>} : memref<1024x96xf32, #tpu.memory_space<vmem>>, vector<16xf32>,
      %parallel_loop3A_198 = arith.mulf %parallel_loop3A_174, %parallel_loop3A_197 : vector<16xf32>
      %parallel_loop3A_199 = arith.addf %parallel_loop3A_162, %parallel_loop3A_198 : vector<16xf32>
      %parallel_loop3A_200 = arith.index_cast %parallel_loop3A_171 : i32 to index
      %parallel_loop3A_201 = arith.constant 80 : index
      %parallel_loop3A_202 = tpu.vector_load %arg6[%parallel_loop3A_200, %parallel_loop3A_201] {strides = array<i32>} : memref<1024x96xf32, #tpu.memory_space<vmem>>, vector<16xf32>,
      %parallel_loop3A_203 = arith.mulf %parallel_loop3A_174, %parallel_loop3A_202 : vector<16xf32>
      %parallel_loop3A_204 = arith.addf %parallel_loop3A_167, %parallel_loop3A_203 : vector<16xf32>
      %parallel_loop3A_205 = arith.constant 16 : i32
      %parallel_loop3A_206 = arith.muli %parallel_loop3A_46, %parallel_loop3A_205 : i32
      %parallel_loop3A_207 = arith.constant 4 : i32
      %parallel_loop3A_208 = arith.addi %parallel_loop3A_206, %parallel_loop3A_207 : i32
      %parallel_loop3A_209 = vector.extract_strided_slice %parallel_loop3A_56 {offsets = [4], sizes = [1], strides = [1]} : vector<16xf32> to vector<1xf32>
      %parallel_loop3A_210 = vector.extract %parallel_loop3A_209[0] : f32 from vector<1xf32>
      %parallel_loop3A_211 = vector.broadcast %parallel_loop3A_210 : f32 to vector<16xf32>
      %parallel_loop3A_212 = arith.index_cast %parallel_loop3A_208 : i32 to index
      %parallel_loop3A_213 = arith.constant 0 : index
      %parallel_loop3A_214 = tpu.vector_load %arg6[%parallel_loop3A_212, %parallel_loop3A_213] {strides = array<i32>} : memref<1024x96xf32, #tpu.memory_space<vmem>>, vector<16xf32>,
      %parallel_loop3A_215 = arith.mulf %parallel_loop3A_211, %parallel_loop3A_214 : vector<16xf32>
      %parallel_loop3A_216 = arith.addf %parallel_loop3A_179, %parallel_loop3A_215 : vector<16xf32>
      %parallel_loop3A_217 = arith.index_cast %parallel_loop3A_208 : i32 to index
      %parallel_loop3A_218 = arith.constant 16 : index
      %parallel_loop3A_219 = tpu.vector_load %arg6[%parallel_loop3A_217, %parallel_loop3A_218] {strides = array<i32>} : memref<1024x96xf32, #tpu.memory_space<vmem>>, vector<16xf32>,
      %parallel_loop3A_220 = arith.mulf %parallel_loop3A_211, %parallel_loop3A_219 : vector<16xf32>
      %parallel_loop3A_221 = arith.addf %parallel_loop3A_184, %parallel_loop3A_220 : vector<16xf32>
      %parallel_loop3A_222 = arith.index_cast %parallel_loop3A_208 : i32 to index
      %parallel_loop3A_223 = arith.constant 32 : index
      %parallel_loop3A_224 = tpu.vector_load %arg6[%parallel_loop3A_222, %parallel_loop3A_223] {strides = array<i32>} : memref<1024x96xf32, #tpu.memory_space<vmem>>, vector<16xf32>,
      %parallel_loop3A_225 = arith.mulf %parallel_loop3A_211, %parallel_loop3A_224 : vector<16xf32>
      %parallel_loop3A_226 = arith.addf %parallel_loop3A_189, %parallel_loop3A_225 : vector<16xf32>
      %parallel_loop3A_227 = arith.index_cast %parallel_loop3A_208 : i32 to index
      %parallel_loop3A_228 = arith.constant 48 : index
      %parallel_loop3A_229 = tpu.vector_load %arg6[%parallel_loop3A_227, %parallel_loop3A_228] {strides = array<i32>} : memref<1024x96xf32, #tpu.memory_space<vmem>>, vector<16xf32>,
      %parallel_loop3A_230 = arith.mulf %parallel_loop3A_211, %parallel_loop3A_229 : vector<16xf32>
      %parallel_loop3A_231 = arith.addf %parallel_loop3A_194, %parallel_loop3A_230 : vector<16xf32>
      %parallel_loop3A_232 = arith.index_cast %parallel_loop3A_208 : i32 to index
      %parallel_loop3A_233 = arith.constant 64 : index
      %parallel_loop3A_234 = tpu.vector_load %arg6[%parallel_loop3A_232, %parallel_loop3A_233] {strides = array<i32>} : memref<1024x96xf32, #tpu.memory_space<vmem>>, vector<16xf32>,
      %parallel_loop3A_235 = arith.mulf %parallel_loop3A_211, %parallel_loop3A_234 : vector<16xf32>
      %parallel_loop3A_236 = arith.addf %parallel_loop3A_199, %parallel_loop3A_235 : vector<16xf32>
      %parallel_loop3A_237 = arith.index_cast %parallel_loop3A_208 : i32 to index
      %parallel_loop3A_238 = arith.constant 80 : index
      %parallel_loop3A_239 = tpu.vector_load %arg6[%parallel_loop3A_237, %parallel_loop3A_238] {strides = array<i32>} : memref<1024x96xf32, #tpu.memory_space<vmem>>, vector<16xf32>,
      %parallel_loop3A_240 = arith.mulf %parallel_loop3A_211, %parallel_loop3A_239 : vector<16xf32>
      %parallel_loop3A_241 = arith.addf %parallel_loop3A_204, %parallel_loop3A_240 : vector<16xf32>
      %parallel_loop3A_242 = arith.constant 16 : i32
      %parallel_loop3A_243 = arith.muli %parallel_loop3A_46, %parallel_loop3A_242 : i32
      %parallel_loop3A_244 = arith.constant 5 : i32
      %parallel_loop3A_245 = arith.addi %parallel_loop3A_243, %parallel_loop3A_244 : i32
      %parallel_loop3A_246 = vector.extract_strided_slice %parallel_loop3A_56 {offsets = [5], sizes = [1], strides = [1]} : vector<16xf32> to vector<1xf32>
      %parallel_loop3A_247 = vector.extract %parallel_loop3A_246[0] : f32 from vector<1xf32>
      %parallel_loop3A_248 = vector.broadcast %parallel_loop3A_247 : f32 to vector<16xf32>
      %parallel_loop3A_249 = arith.index_cast %parallel_loop3A_245 : i32 to index
      %parallel_loop3A_250 = arith.constant 0 : index
      %parallel_loop3A_251 = tpu.vector_load %arg6[%parallel_loop3A_249, %parallel_loop3A_250] {strides = array<i32>} : memref<1024x96xf32, #tpu.memory_space<vmem>>, vector<16xf32>,
      %parallel_loop3A_252 = arith.mulf %parallel_loop3A_248, %parallel_loop3A_251 : vector<16xf32>
      %parallel_loop3A_253 = arith.addf %parallel_loop3A_216, %parallel_loop3A_252 : vector<16xf32>
      %parallel_loop3A_254 = arith.index_cast %parallel_loop3A_245 : i32 to index
      %parallel_loop3A_255 = arith.constant 16 : index
      %parallel_loop3A_256 = tpu.vector_load %arg6[%parallel_loop3A_254, %parallel_loop3A_255] {strides = array<i32>} : memref<1024x96xf32, #tpu.memory_space<vmem>>, vector<16xf32>,
      %parallel_loop3A_257 = arith.mulf %parallel_loop3A_248, %parallel_loop3A_256 : vector<16xf32>
      %parallel_loop3A_258 = arith.addf %parallel_loop3A_221, %parallel_loop3A_257 : vector<16xf32>
      %parallel_loop3A_259 = arith.index_cast %parallel_loop3A_245 : i32 to index
      %parallel_loop3A_260 = arith.constant 32 : index
      %parallel_loop3A_261 = tpu.vector_load %arg6[%parallel_loop3A_259, %parallel_loop3A_260] {strides = array<i32>} : memref<1024x96xf32, #tpu.memory_space<vmem>>, vector<16xf32>,
      %parallel_loop3A_262 = arith.mulf %parallel_loop3A_248, %parallel_loop3A_261 : vector<16xf32>
      %parallel_loop3A_263 = arith.addf %parallel_loop3A_226, %parallel_loop3A_262 : vector<16xf32>
      %parallel_loop3A_264 = arith.index_cast %parallel_loop3A_245 : i32 to index
      %parallel_loop3A_265 = arith.constant 48 : index
      %parallel_loop3A_266 = tpu.vector_load %arg6[%parallel_loop3A_264, %parallel_loop3A_265] {strides = array<i32>} : memref<1024x96xf32, #tpu.memory_space<vmem>>, vector<16xf32>,
      %parallel_loop3A_267 = arith.mulf %parallel_loop3A_248, %parallel_loop3A_266 : vector<16xf32>
      %parallel_loop3A_268 = arith.addf %parallel_loop3A_231, %parallel_loop3A_267 : vector<16xf32>
      %parallel_loop3A_269 = arith.index_cast %parallel_loop3A_245 : i32 to index
      %parallel_loop3A_270 = arith.constant 64 : index
      %parallel_loop3A_271 = tpu.vector_load %arg6[%parallel_loop3A_269, %parallel_loop3A_270] {strides = array<i32>} : memref<1024x96xf32, #tpu.memory_space<vmem>>, vector<16xf32>,
      %parallel_loop3A_272 = arith.mulf %parallel_loop3A_248, %parallel_loop3A_271 : vector<16xf32>
      %parallel_loop3A_273 = arith.addf %parallel_loop3A_236, %parallel_loop3A_272 : vector<16xf32>
      %parallel_loop3A_274 = arith.index_cast %parallel_loop3A_245 : i32 to index
      %parallel_loop3A_275 = arith.constant 80 : index
      %parallel_loop3A_276 = tpu.vector_load %arg6[%parallel_loop3A_274, %parallel_loop3A_275] {strides = array<i32>} : memref<1024x96xf32, #tpu.memory_space<vmem>>, vector<16xf32>,
      %parallel_loop3A_277 = arith.mulf %parallel_loop3A_248, %parallel_loop3A_276 : vector<16xf32>
      %parallel_loop3A_278 = arith.addf %parallel_loop3A_241, %parallel_loop3A_277 : vector<16xf32>
      %parallel_loop3A_279 = arith.constant 16 : i32
      %parallel_loop3A_280 = arith.muli %parallel_loop3A_46, %parallel_loop3A_279 : i32
      %parallel_loop3A_281 = arith.constant 6 : i32
      %parallel_loop3A_282 = arith.addi %parallel_loop3A_280, %parallel_loop3A_281 : i32
      %parallel_loop3A_283 = vector.extract_strided_slice %parallel_loop3A_56 {offsets = [6], sizes = [1], strides = [1]} : vector<16xf32> to vector<1xf32>
      %parallel_loop3A_284 = vector.extract %parallel_loop3A_283[0] : f32 from vector<1xf32>
      %parallel_loop3A_285 = vector.broadcast %parallel_loop3A_284 : f32 to vector<16xf32>
      %parallel_loop3A_286 = arith.index_cast %parallel_loop3A_282 : i32 to index
      %parallel_loop3A_287 = arith.constant 0 : index
      %parallel_loop3A_288 = tpu.vector_load %arg6[%parallel_loop3A_286, %parallel_loop3A_287] {strides = array<i32>} : memref<1024x96xf32, #tpu.memory_space<vmem>>, vector<16xf32>,
      %parallel_loop3A_289 = arith.mulf %parallel_loop3A_285, %parallel_loop3A_288 : vector<16xf32>
      %parallel_loop3A_290 = arith.addf %parallel_loop3A_253, %parallel_loop3A_289 : vector<16xf32>
      %parallel_loop3A_291 = arith.index_cast %parallel_loop3A_282 : i32 to index
      %parallel_loop3A_292 = arith.constant 16 : index
      %parallel_loop3A_293 = tpu.vector_load %arg6[%parallel_loop3A_291, %parallel_loop3A_292] {strides = array<i32>} : memref<1024x96xf32, #tpu.memory_space<vmem>>, vector<16xf32>,
      %parallel_loop3A_294 = arith.mulf %parallel_loop3A_285, %parallel_loop3A_293 : vector<16xf32>
      %parallel_loop3A_295 = arith.addf %parallel_loop3A_258, %parallel_loop3A_294 : vector<16xf32>
      %parallel_loop3A_296 = arith.index_cast %parallel_loop3A_282 : i32 to index
      %parallel_loop3A_297 = arith.constant 32 : index
      %parallel_loop3A_298 = tpu.vector_load %arg6[%parallel_loop3A_296, %parallel_loop3A_297] {strides = array<i32>} : memref<1024x96xf32, #tpu.memory_space<vmem>>, vector<16xf32>,
      %parallel_loop3A_299 = arith.mulf %parallel_loop3A_285, %parallel_loop3A_298 : vector<16xf32>
      %parallel_loop3A_300 = arith.addf %parallel_loop3A_263, %parallel_loop3A_299 : vector<16xf32>
      %parallel_loop3A_301 = arith.index_cast %parallel_loop3A_282 : i32 to index
      %parallel_loop3A_302 = arith.constant 48 : index
      %parallel_loop3A_303 = tpu.vector_load %arg6[%parallel_loop3A_301, %parallel_loop3A_302] {strides = array<i32>} : memref<1024x96xf32, #tpu.memory_space<vmem>>, vector<16xf32>,
      %parallel_loop3A_304 = arith.mulf %parallel_loop3A_285, %parallel_loop3A_303 : vector<16xf32>
      %parallel_loop3A_305 = arith.addf %parallel_loop3A_268, %parallel_loop3A_304 : vector<16xf32>
      %parallel_loop3A_306 = arith.index_cast %parallel_loop3A_282 : i32 to index
      %parallel_loop3A_307 = arith.constant 64 : index
      %parallel_loop3A_308 = tpu.vector_load %arg6[%parallel_loop3A_306, %parallel_loop3A_307] {strides = array<i32>} : memref<1024x96xf32, #tpu.memory_space<vmem>>, vector<16xf32>,
      %parallel_loop3A_309 = arith.mulf %parallel_loop3A_285, %parallel_loop3A_308 : vector<16xf32>
      %parallel_loop3A_310 = arith.addf %parallel_loop3A_273, %parallel_loop3A_309 : vector<16xf32>
      %parallel_loop3A_311 = arith.index_cast %parallel_loop3A_282 : i32 to index
      %parallel_loop3A_312 = arith.constant 80 : index
      %parallel_loop3A_313 = tpu.vector_load %arg6[%parallel_loop3A_311, %parallel_loop3A_312] {strides = array<i32>} : memref<1024x96xf32, #tpu.memory_space<vmem>>, vector<16xf32>,
      %parallel_loop3A_314 = arith.mulf %parallel_loop3A_285, %parallel_loop3A_313 : vector<16xf32>
      %parallel_loop3A_315 = arith.addf %parallel_loop3A_278, %parallel_loop3A_314 : vector<16xf32>
      %parallel_loop3A_316 = arith.constant 16 : i32
      %parallel_loop3A_317 = arith.muli %parallel_loop3A_46, %parallel_loop3A_316 : i32
      %parallel_loop3A_318 = arith.constant 7 : i32
      %parallel_loop3A_319 = arith.addi %parallel_loop3A_317, %parallel_loop3A_318 : i32
      %parallel_loop3A_320 = vector.extract_strided_slice %parallel_loop3A_56 {offsets = [7], sizes = [1], strides = [1]} : vector<16xf32> to vector<1xf32>
      %parallel_loop3A_321 = vector.extract %parallel_loop3A_320[0] : f32 from vector<1xf32>
      %parallel_loop3A_322 = vector.broadcast %parallel_loop3A_321 : f32 to vector<16xf32>
      %parallel_loop3A_323 = arith.index_cast %parallel_loop3A_319 : i32 to index
      %parallel_loop3A_324 = arith.constant 0 : index
      %parallel_loop3A_325 = tpu.vector_load %arg6[%parallel_loop3A_323, %parallel_loop3A_324] {strides = array<i32>} : memref<1024x96xf32, #tpu.memory_space<vmem>>, vector<16xf32>,
      %parallel_loop3A_326 = arith.mulf %parallel_loop3A_322, %parallel_loop3A_325 : vector<16xf32>
      %parallel_loop3A_327 = arith.addf %parallel_loop3A_290, %parallel_loop3A_326 : vector<16xf32>
      %parallel_loop3A_328 = arith.index_cast %parallel_loop3A_319 : i32 to index
      %parallel_loop3A_329 = arith.constant 16 : index
      %parallel_loop3A_330 = tpu.vector_load %arg6[%parallel_loop3A_328, %parallel_loop3A_329] {strides = array<i32>} : memref<1024x96xf32, #tpu.memory_space<vmem>>, vector<16xf32>,
      %parallel_loop3A_331 = arith.mulf %parallel_loop3A_322, %parallel_loop3A_330 : vector<16xf32>
      %parallel_loop3A_332 = arith.addf %parallel_loop3A_295, %parallel_loop3A_331 : vector<16xf32>
      %parallel_loop3A_333 = arith.index_cast %parallel_loop3A_319 : i32 to index
      %parallel_loop3A_334 = arith.constant 32 : index
      %parallel_loop3A_335 = tpu.vector_load %arg6[%parallel_loop3A_333, %parallel_loop3A_334] {strides = array<i32>} : memref<1024x96xf32, #tpu.memory_space<vmem>>, vector<16xf32>,
      %parallel_loop3A_336 = arith.mulf %parallel_loop3A_322, %parallel_loop3A_335 : vector<16xf32>
      %parallel_loop3A_337 = arith.addf %parallel_loop3A_300, %parallel_loop3A_336 : vector<16xf32>
      %parallel_loop3A_338 = arith.index_cast %parallel_loop3A_319 : i32 to index
      %parallel_loop3A_339 = arith.constant 48 : index
      %parallel_loop3A_340 = tpu.vector_load %arg6[%parallel_loop3A_338, %parallel_loop3A_339] {strides = array<i32>} : memref<1024x96xf32, #tpu.memory_space<vmem>>, vector<16xf32>,
      %parallel_loop3A_341 = arith.mulf %parallel_loop3A_322, %parallel_loop3A_340 : vector<16xf32>
      %parallel_loop3A_342 = arith.addf %parallel_loop3A_305, %parallel_loop3A_341 : vector<16xf32>
      %parallel_loop3A_343 = arith.index_cast %parallel_loop3A_319 : i32 to index
      %parallel_loop3A_344 = arith.constant 64 : index
      %parallel_loop3A_345 = tpu.vector_load %arg6[%parallel_loop3A_343, %parallel_loop3A_344] {strides = array<i32>} : memref<1024x96xf32, #tpu.memory_space<vmem>>, vector<16xf32>,
      %parallel_loop3A_346 = arith.mulf %parallel_loop3A_322, %parallel_loop3A_345 : vector<16xf32>
      %parallel_loop3A_347 = arith.addf %parallel_loop3A_310, %parallel_loop3A_346 : vector<16xf32>
      %parallel_loop3A_348 = arith.index_cast %parallel_loop3A_319 : i32 to index
      %parallel_loop3A_349 = arith.constant 80 : index
      %parallel_loop3A_350 = tpu.vector_load %arg6[%parallel_loop3A_348, %parallel_loop3A_349] {strides = array<i32>} : memref<1024x96xf32, #tpu.memory_space<vmem>>, vector<16xf32>,
      %parallel_loop3A_351 = arith.mulf %parallel_loop3A_322, %parallel_loop3A_350 : vector<16xf32>
      %parallel_loop3A_352 = arith.addf %parallel_loop3A_315, %parallel_loop3A_351 : vector<16xf32>
      %parallel_loop3A_353 = arith.constant 16 : i32
      %parallel_loop3A_354 = arith.muli %parallel_loop3A_46, %parallel_loop3A_353 : i32
      %parallel_loop3A_355 = arith.constant 8 : i32
      %parallel_loop3A_356 = arith.addi %parallel_loop3A_354, %parallel_loop3A_355 : i32
      %parallel_loop3A_357 = vector.extract_strided_slice %parallel_loop3A_56 {offsets = [8], sizes = [1], strides = [1]} : vector<16xf32> to vector<1xf32>
      %parallel_loop3A_358 = vector.extract %parallel_loop3A_357[0] : f32 from vector<1xf32>
      %parallel_loop3A_359 = vector.broadcast %parallel_loop3A_358 : f32 to vector<16xf32>
      %parallel_loop3A_360 = arith.index_cast %parallel_loop3A_356 : i32 to index
      %parallel_loop3A_361 = arith.constant 0 : index
      %parallel_loop3A_362 = tpu.vector_load %arg6[%parallel_loop3A_360, %parallel_loop3A_361] {strides = array<i32>} : memref<1024x96xf32, #tpu.memory_space<vmem>>, vector<16xf32>,
      %parallel_loop3A_363 = arith.mulf %parallel_loop3A_359, %parallel_loop3A_362 : vector<16xf32>
      %parallel_loop3A_364 = arith.addf %parallel_loop3A_327, %parallel_loop3A_363 : vector<16xf32>
      %parallel_loop3A_365 = arith.index_cast %parallel_loop3A_356 : i32 to index
      %parallel_loop3A_366 = arith.constant 16 : index
      %parallel_loop3A_367 = tpu.vector_load %arg6[%parallel_loop3A_365, %parallel_loop3A_366] {strides = array<i32>} : memref<1024x96xf32, #tpu.memory_space<vmem>>, vector<16xf32>,
      %parallel_loop3A_368 = arith.mulf %parallel_loop3A_359, %parallel_loop3A_367 : vector<16xf32>
      %parallel_loop3A_369 = arith.addf %parallel_loop3A_332, %parallel_loop3A_368 : vector<16xf32>
      %parallel_loop3A_370 = arith.index_cast %parallel_loop3A_356 : i32 to index
      %parallel_loop3A_371 = arith.constant 32 : index
      %parallel_loop3A_372 = tpu.vector_load %arg6[%parallel_loop3A_370, %parallel_loop3A_371] {strides = array<i32>} : memref<1024x96xf32, #tpu.memory_space<vmem>>, vector<16xf32>,
      %parallel_loop3A_373 = arith.mulf %parallel_loop3A_359, %parallel_loop3A_372 : vector<16xf32>
      %parallel_loop3A_374 = arith.addf %parallel_loop3A_337, %parallel_loop3A_373 : vector<16xf32>
      %parallel_loop3A_375 = arith.index_cast %parallel_loop3A_356 : i32 to index
      %parallel_loop3A_376 = arith.constant 48 : index
      %parallel_loop3A_377 = tpu.vector_load %arg6[%parallel_loop3A_375, %parallel_loop3A_376] {strides = array<i32>} : memref<1024x96xf32, #tpu.memory_space<vmem>>, vector<16xf32>,
      %parallel_loop3A_378 = arith.mulf %parallel_loop3A_359, %parallel_loop3A_377 : vector<16xf32>
      %parallel_loop3A_379 = arith.addf %parallel_loop3A_342, %parallel_loop3A_378 : vector<16xf32>
      %parallel_loop3A_380 = arith.index_cast %parallel_loop3A_356 : i32 to index
      %parallel_loop3A_381 = arith.constant 64 : index
      %parallel_loop3A_382 = tpu.vector_load %arg6[%parallel_loop3A_380, %parallel_loop3A_381] {strides = array<i32>} : memref<1024x96xf32, #tpu.memory_space<vmem>>, vector<16xf32>,
      %parallel_loop3A_383 = arith.mulf %parallel_loop3A_359, %parallel_loop3A_382 : vector<16xf32>
      %parallel_loop3A_384 = arith.addf %parallel_loop3A_347, %parallel_loop3A_383 : vector<16xf32>
      %parallel_loop3A_385 = arith.index_cast %parallel_loop3A_356 : i32 to index
      %parallel_loop3A_386 = arith.constant 80 : index
      %parallel_loop3A_387 = tpu.vector_load %arg6[%parallel_loop3A_385, %parallel_loop3A_386] {strides = array<i32>} : memref<1024x96xf32, #tpu.memory_space<vmem>>, vector<16xf32>,
      %parallel_loop3A_388 = arith.mulf %parallel_loop3A_359, %parallel_loop3A_387 : vector<16xf32>
      %parallel_loop3A_389 = arith.addf %parallel_loop3A_352, %parallel_loop3A_388 : vector<16xf32>
      %parallel_loop3A_390 = arith.constant 16 : i32
      %parallel_loop3A_391 = arith.muli %parallel_loop3A_46, %parallel_loop3A_390 : i32
      %parallel_loop3A_392 = arith.constant 9 : i32
      %parallel_loop3A_393 = arith.addi %parallel_loop3A_391, %parallel_loop3A_392 : i32
      %parallel_loop3A_394 = vector.extract_strided_slice %parallel_loop3A_56 {offsets = [9], sizes = [1], strides = [1]} : vector<16xf32> to vector<1xf32>
      %parallel_loop3A_395 = vector.extract %parallel_loop3A_394[0] : f32 from vector<1xf32>
      %parallel_loop3A_396 = vector.broadcast %parallel_loop3A_395 : f32 to vector<16xf32>
      %parallel_loop3A_397 = arith.index_cast %parallel_loop3A_393 : i32 to index
      %parallel_loop3A_398 = arith.constant 0 : index
      %parallel_loop3A_399 = tpu.vector_load %arg6[%parallel_loop3A_397, %parallel_loop3A_398] {strides = array<i32>} : memref<1024x96xf32, #tpu.memory_space<vmem>>, vector<16xf32>,
      %parallel_loop3A_400 = arith.mulf %parallel_loop3A_396, %parallel_loop3A_399 : vector<16xf32>
      %parallel_loop3A_401 = arith.addf %parallel_loop3A_364, %parallel_loop3A_400 : vector<16xf32>
      %parallel_loop3A_402 = arith.index_cast %parallel_loop3A_393 : i32 to index
      %parallel_loop3A_403 = arith.constant 16 : index
      %parallel_loop3A_404 = tpu.vector_load %arg6[%parallel_loop3A_402, %parallel_loop3A_403] {strides = array<i32>} : memref<1024x96xf32, #tpu.memory_space<vmem>>, vector<16xf32>,
      %parallel_loop3A_405 = arith.mulf %parallel_loop3A_396, %parallel_loop3A_404 : vector<16xf32>
      %parallel_loop3A_406 = arith.addf %parallel_loop3A_369, %parallel_loop3A_405 : vector<16xf32>
      %parallel_loop3A_407 = arith.index_cast %parallel_loop3A_393 : i32 to index
      %parallel_loop3A_408 = arith.constant 32 : index
      %parallel_loop3A_409 = tpu.vector_load %arg6[%parallel_loop3A_407, %parallel_loop3A_408] {strides = array<i32>} : memref<1024x96xf32, #tpu.memory_space<vmem>>, vector<16xf32>,
      %parallel_loop3A_410 = arith.mulf %parallel_loop3A_396, %parallel_loop3A_409 : vector<16xf32>
      %parallel_loop3A_411 = arith.addf %parallel_loop3A_374, %parallel_loop3A_410 : vector<16xf32>
      %parallel_loop3A_412 = arith.index_cast %parallel_loop3A_393 : i32 to index
      %parallel_loop3A_413 = arith.constant 48 : index
      %parallel_loop3A_414 = tpu.vector_load %arg6[%parallel_loop3A_412, %parallel_loop3A_413] {strides = array<i32>} : memref<1024x96xf32, #tpu.memory_space<vmem>>, vector<16xf32>,
      %parallel_loop3A_415 = arith.mulf %parallel_loop3A_396, %parallel_loop3A_414 : vector<16xf32>
      %parallel_loop3A_416 = arith.addf %parallel_loop3A_379, %parallel_loop3A_415 : vector<16xf32>
      %parallel_loop3A_417 = arith.index_cast %parallel_loop3A_393 : i32 to index
      %parallel_loop3A_418 = arith.constant 64 : index
      %parallel_loop3A_419 = tpu.vector_load %arg6[%parallel_loop3A_417, %parallel_loop3A_418] {strides = array<i32>} : memref<1024x96xf32, #tpu.memory_space<vmem>>, vector<16xf32>,
      %parallel_loop3A_420 = arith.mulf %parallel_loop3A_396, %parallel_loop3A_419 : vector<16xf32>
      %parallel_loop3A_421 = arith.addf %parallel_loop3A_384, %parallel_loop3A_420 : vector<16xf32>
      %parallel_loop3A_422 = arith.index_cast %parallel_loop3A_393 : i32 to index
      %parallel_loop3A_423 = arith.constant 80 : index
      %parallel_loop3A_424 = tpu.vector_load %arg6[%parallel_loop3A_422, %parallel_loop3A_423] {strides = array<i32>} : memref<1024x96xf32, #tpu.memory_space<vmem>>, vector<16xf32>,
      %parallel_loop3A_425 = arith.mulf %parallel_loop3A_396, %parallel_loop3A_424 : vector<16xf32>
      %parallel_loop3A_426 = arith.addf %parallel_loop3A_389, %parallel_loop3A_425 : vector<16xf32>
      %parallel_loop3A_427 = arith.constant 16 : i32
      %parallel_loop3A_428 = arith.muli %parallel_loop3A_46, %parallel_loop3A_427 : i32
      %parallel_loop3A_429 = arith.constant 10 : i32
      %parallel_loop3A_430 = arith.addi %parallel_loop3A_428, %parallel_loop3A_429 : i32
      %parallel_loop3A_431 = vector.extract_strided_slice %parallel_loop3A_56 {offsets = [10], sizes = [1], strides = [1]} : vector<16xf32> to vector<1xf32>
      %parallel_loop3A_432 = vector.extract %parallel_loop3A_431[0] : f32 from vector<1xf32>
      %parallel_loop3A_433 = vector.broadcast %parallel_loop3A_432 : f32 to vector<16xf32>
      %parallel_loop3A_434 = arith.index_cast %parallel_loop3A_430 : i32 to index
      %parallel_loop3A_435 = arith.constant 0 : index
      %parallel_loop3A_436 = tpu.vector_load %arg6[%parallel_loop3A_434, %parallel_loop3A_435] {strides = array<i32>} : memref<1024x96xf32, #tpu.memory_space<vmem>>, vector<16xf32>,
      %parallel_loop3A_437 = arith.mulf %parallel_loop3A_433, %parallel_loop3A_436 : vector<16xf32>
      %parallel_loop3A_438 = arith.addf %parallel_loop3A_401, %parallel_loop3A_437 : vector<16xf32>
      %parallel_loop3A_439 = arith.index_cast %parallel_loop3A_430 : i32 to index
      %parallel_loop3A_440 = arith.constant 16 : index
      %parallel_loop3A_441 = tpu.vector_load %arg6[%parallel_loop3A_439, %parallel_loop3A_440] {strides = array<i32>} : memref<1024x96xf32, #tpu.memory_space<vmem>>, vector<16xf32>,
      %parallel_loop3A_442 = arith.mulf %parallel_loop3A_433, %parallel_loop3A_441 : vector<16xf32>
      %parallel_loop3A_443 = arith.addf %parallel_loop3A_406, %parallel_loop3A_442 : vector<16xf32>
      %parallel_loop3A_444 = arith.index_cast %parallel_loop3A_430 : i32 to index
      %parallel_loop3A_445 = arith.constant 32 : index
      %parallel_loop3A_446 = tpu.vector_load %arg6[%parallel_loop3A_444, %parallel_loop3A_445] {strides = array<i32>} : memref<1024x96xf32, #tpu.memory_space<vmem>>, vector<16xf32>,
      %parallel_loop3A_447 = arith.mulf %parallel_loop3A_433, %parallel_loop3A_446 : vector<16xf32>
      %parallel_loop3A_448 = arith.addf %parallel_loop3A_411, %parallel_loop3A_447 : vector<16xf32>
      %parallel_loop3A_449 = arith.index_cast %parallel_loop3A_430 : i32 to index
      %parallel_loop3A_450 = arith.constant 48 : index
      %parallel_loop3A_451 = tpu.vector_load %arg6[%parallel_loop3A_449, %parallel_loop3A_450] {strides = array<i32>} : memref<1024x96xf32, #tpu.memory_space<vmem>>, vector<16xf32>,
      %parallel_loop3A_452 = arith.mulf %parallel_loop3A_433, %parallel_loop3A_451 : vector<16xf32>
      %parallel_loop3A_453 = arith.addf %parallel_loop3A_416, %parallel_loop3A_452 : vector<16xf32>
      %parallel_loop3A_454 = arith.index_cast %parallel_loop3A_430 : i32 to index
      %parallel_loop3A_455 = arith.constant 64 : index
      %parallel_loop3A_456 = tpu.vector_load %arg6[%parallel_loop3A_454, %parallel_loop3A_455] {strides = array<i32>} : memref<1024x96xf32, #tpu.memory_space<vmem>>, vector<16xf32>,
      %parallel_loop3A_457 = arith.mulf %parallel_loop3A_433, %parallel_loop3A_456 : vector<16xf32>
      %parallel_loop3A_458 = arith.addf %parallel_loop3A_421, %parallel_loop3A_457 : vector<16xf32>
      %parallel_loop3A_459 = arith.index_cast %parallel_loop3A_430 : i32 to index
      %parallel_loop3A_460 = arith.constant 80 : index
      %parallel_loop3A_461 = tpu.vector_load %arg6[%parallel_loop3A_459, %parallel_loop3A_460] {strides = array<i32>} : memref<1024x96xf32, #tpu.memory_space<vmem>>, vector<16xf32>,
      %parallel_loop3A_462 = arith.mulf %parallel_loop3A_433, %parallel_loop3A_461 : vector<16xf32>
      %parallel_loop3A_463 = arith.addf %parallel_loop3A_426, %parallel_loop3A_462 : vector<16xf32>
      %parallel_loop3A_464 = arith.constant 16 : i32
      %parallel_loop3A_465 = arith.muli %parallel_loop3A_46, %parallel_loop3A_464 : i32
      %parallel_loop3A_466 = arith.constant 11 : i32
      %parallel_loop3A_467 = arith.addi %parallel_loop3A_465, %parallel_loop3A_466 : i32
      %parallel_loop3A_468 = vector.extract_strided_slice %parallel_loop3A_56 {offsets = [11], sizes = [1], strides = [1]} : vector<16xf32> to vector<1xf32>
      %parallel_loop3A_469 = vector.extract %parallel_loop3A_468[0] : f32 from vector<1xf32>
      %parallel_loop3A_470 = vector.broadcast %parallel_loop3A_469 : f32 to vector<16xf32>
      %parallel_loop3A_471 = arith.index_cast %parallel_loop3A_467 : i32 to index
      %parallel_loop3A_472 = arith.constant 0 : index
      %parallel_loop3A_473 = tpu.vector_load %arg6[%parallel_loop3A_471, %parallel_loop3A_472] {strides = array<i32>} : memref<1024x96xf32, #tpu.memory_space<vmem>>, vector<16xf32>,
      %parallel_loop3A_474 = arith.mulf %parallel_loop3A_470, %parallel_loop3A_473 : vector<16xf32>
      %parallel_loop3A_475 = arith.addf %parallel_loop3A_438, %parallel_loop3A_474 : vector<16xf32>
      %parallel_loop3A_476 = arith.index_cast %parallel_loop3A_467 : i32 to index
      %parallel_loop3A_477 = arith.constant 16 : index
      %parallel_loop3A_478 = tpu.vector_load %arg6[%parallel_loop3A_476, %parallel_loop3A_477] {strides = array<i32>} : memref<1024x96xf32, #tpu.memory_space<vmem>>, vector<16xf32>,
      %parallel_loop3A_479 = arith.mulf %parallel_loop3A_470, %parallel_loop3A_478 : vector<16xf32>
      %parallel_loop3A_480 = arith.addf %parallel_loop3A_443, %parallel_loop3A_479 : vector<16xf32>
      %parallel_loop3A_481 = arith.index_cast %parallel_loop3A_467 : i32 to index
      %parallel_loop3A_482 = arith.constant 32 : index
      %parallel_loop3A_483 = tpu.vector_load %arg6[%parallel_loop3A_481, %parallel_loop3A_482] {strides = array<i32>} : memref<1024x96xf32, #tpu.memory_space<vmem>>, vector<16xf32>,
      %parallel_loop3A_484 = arith.mulf %parallel_loop3A_470, %parallel_loop3A_483 : vector<16xf32>
      %parallel_loop3A_485 = arith.addf %parallel_loop3A_448, %parallel_loop3A_484 : vector<16xf32>
      %parallel_loop3A_486 = arith.index_cast %parallel_loop3A_467 : i32 to index
      %parallel_loop3A_487 = arith.constant 48 : index
      %parallel_loop3A_488 = tpu.vector_load %arg6[%parallel_loop3A_486, %parallel_loop3A_487] {strides = array<i32>} : memref<1024x96xf32, #tpu.memory_space<vmem>>, vector<16xf32>,
      %parallel_loop3A_489 = arith.mulf %parallel_loop3A_470, %parallel_loop3A_488 : vector<16xf32>
      %parallel_loop3A_490 = arith.addf %parallel_loop3A_453, %parallel_loop3A_489 : vector<16xf32>
      %parallel_loop3A_491 = arith.index_cast %parallel_loop3A_467 : i32 to index
      %parallel_loop3A_492 = arith.constant 64 : index
      %parallel_loop3A_493 = tpu.vector_load %arg6[%parallel_loop3A_491, %parallel_loop3A_492] {strides = array<i32>} : memref<1024x96xf32, #tpu.memory_space<vmem>>, vector<16xf32>,
      %parallel_loop3A_494 = arith.mulf %parallel_loop3A_470, %parallel_loop3A_493 : vector<16xf32>
      %parallel_loop3A_495 = arith.addf %parallel_loop3A_458, %parallel_loop3A_494 : vector<16xf32>
      %parallel_loop3A_496 = arith.index_cast %parallel_loop3A_467 : i32 to index
      %parallel_loop3A_497 = arith.constant 80 : index
      %parallel_loop3A_498 = tpu.vector_load %arg6[%parallel_loop3A_496, %parallel_loop3A_497] {strides = array<i32>} : memref<1024x96xf32, #tpu.memory_space<vmem>>, vector<16xf32>,
      %parallel_loop3A_499 = arith.mulf %parallel_loop3A_470, %parallel_loop3A_498 : vector<16xf32>
      %parallel_loop3A_500 = arith.addf %parallel_loop3A_463, %parallel_loop3A_499 : vector<16xf32>
      %parallel_loop3A_501 = arith.constant 16 : i32
      %parallel_loop3A_502 = arith.muli %parallel_loop3A_46, %parallel_loop3A_501 : i32
      %parallel_loop3A_503 = arith.constant 12 : i32
      %parallel_loop3A_504 = arith.addi %parallel_loop3A_502, %parallel_loop3A_503 : i32
      %parallel_loop3A_505 = vector.extract_strided_slice %parallel_loop3A_56 {offsets = [12], sizes = [1], strides = [1]} : vector<16xf32> to vector<1xf32>
      %parallel_loop3A_506 = vector.extract %parallel_loop3A_505[0] : f32 from vector<1xf32>
      %parallel_loop3A_507 = vector.broadcast %parallel_loop3A_506 : f32 to vector<16xf32>
      %parallel_loop3A_508 = arith.index_cast %parallel_loop3A_504 : i32 to index
      %parallel_loop3A_509 = arith.constant 0 : index
      %parallel_loop3A_510 = tpu.vector_load %arg6[%parallel_loop3A_508, %parallel_loop3A_509] {strides = array<i32>} : memref<1024x96xf32, #tpu.memory_space<vmem>>, vector<16xf32>,
      %parallel_loop3A_511 = arith.mulf %parallel_loop3A_507, %parallel_loop3A_510 : vector<16xf32>
      %parallel_loop3A_512 = arith.addf %parallel_loop3A_475, %parallel_loop3A_511 : vector<16xf32>
      %parallel_loop3A_513 = arith.index_cast %parallel_loop3A_504 : i32 to index
      %parallel_loop3A_514 = arith.constant 16 : index
      %parallel_loop3A_515 = tpu.vector_load %arg6[%parallel_loop3A_513, %parallel_loop3A_514] {strides = array<i32>} : memref<1024x96xf32, #tpu.memory_space<vmem>>, vector<16xf32>,
      %parallel_loop3A_516 = arith.mulf %parallel_loop3A_507, %parallel_loop3A_515 : vector<16xf32>
      %parallel_loop3A_517 = arith.addf %parallel_loop3A_480, %parallel_loop3A_516 : vector<16xf32>
      %parallel_loop3A_518 = arith.index_cast %parallel_loop3A_504 : i32 to index
      %parallel_loop3A_519 = arith.constant 32 : index
      %parallel_loop3A_520 = tpu.vector_load %arg6[%parallel_loop3A_518, %parallel_loop3A_519] {strides = array<i32>} : memref<1024x96xf32, #tpu.memory_space<vmem>>, vector<16xf32>,
      %parallel_loop3A_521 = arith.mulf %parallel_loop3A_507, %parallel_loop3A_520 : vector<16xf32>
      %parallel_loop3A_522 = arith.addf %parallel_loop3A_485, %parallel_loop3A_521 : vector<16xf32>
      %parallel_loop3A_523 = arith.index_cast %parallel_loop3A_504 : i32 to index
      %parallel_loop3A_524 = arith.constant 48 : index
      %parallel_loop3A_525 = tpu.vector_load %arg6[%parallel_loop3A_523, %parallel_loop3A_524] {strides = array<i32>} : memref<1024x96xf32, #tpu.memory_space<vmem>>, vector<16xf32>,
      %parallel_loop3A_526 = arith.mulf %parallel_loop3A_507, %parallel_loop3A_525 : vector<16xf32>
      %parallel_loop3A_527 = arith.addf %parallel_loop3A_490, %parallel_loop3A_526 : vector<16xf32>
      %parallel_loop3A_528 = arith.index_cast %parallel_loop3A_504 : i32 to index
      %parallel_loop3A_529 = arith.constant 64 : index
      %parallel_loop3A_530 = tpu.vector_load %arg6[%parallel_loop3A_528, %parallel_loop3A_529] {strides = array<i32>} : memref<1024x96xf32, #tpu.memory_space<vmem>>, vector<16xf32>,
      %parallel_loop3A_531 = arith.mulf %parallel_loop3A_507, %parallel_loop3A_530 : vector<16xf32>
      %parallel_loop3A_532 = arith.addf %parallel_loop3A_495, %parallel_loop3A_531 : vector<16xf32>
      %parallel_loop3A_533 = arith.index_cast %parallel_loop3A_504 : i32 to index
      %parallel_loop3A_534 = arith.constant 80 : index
      %parallel_loop3A_535 = tpu.vector_load %arg6[%parallel_loop3A_533, %parallel_loop3A_534] {strides = array<i32>} : memref<1024x96xf32, #tpu.memory_space<vmem>>, vector<16xf32>,
      %parallel_loop3A_536 = arith.mulf %parallel_loop3A_507, %parallel_loop3A_535 : vector<16xf32>
      %parallel_loop3A_537 = arith.addf %parallel_loop3A_500, %parallel_loop3A_536 : vector<16xf32>
      %parallel_loop3A_538 = arith.constant 16 : i32
      %parallel_loop3A_539 = arith.muli %parallel_loop3A_46, %parallel_loop3A_538 : i32
      %parallel_loop3A_540 = arith.constant 13 : i32
      %parallel_loop3A_541 = arith.addi %parallel_loop3A_539, %parallel_loop3A_540 : i32
      %parallel_loop3A_542 = vector.extract_strided_slice %parallel_loop3A_56 {offsets = [13], sizes = [1], strides = [1]} : vector<16xf32> to vector<1xf32>
      %parallel_loop3A_543 = vector.extract %parallel_loop3A_542[0] : f32 from vector<1xf32>
      %parallel_loop3A_544 = vector.broadcast %parallel_loop3A_543 : f32 to vector<16xf32>
      %parallel_loop3A_545 = arith.index_cast %parallel_loop3A_541 : i32 to index
      %parallel_loop3A_546 = arith.constant 0 : index
      %parallel_loop3A_547 = tpu.vector_load %arg6[%parallel_loop3A_545, %parallel_loop3A_546] {strides = array<i32>} : memref<1024x96xf32, #tpu.memory_space<vmem>>, vector<16xf32>,
      %parallel_loop3A_548 = arith.mulf %parallel_loop3A_544, %parallel_loop3A_547 : vector<16xf32>
      %parallel_loop3A_549 = arith.addf %parallel_loop3A_512, %parallel_loop3A_548 : vector<16xf32>
      %parallel_loop3A_550 = arith.index_cast %parallel_loop3A_541 : i32 to index
      %parallel_loop3A_551 = arith.constant 16 : index
      %parallel_loop3A_552 = tpu.vector_load %arg6[%parallel_loop3A_550, %parallel_loop3A_551] {strides = array<i32>} : memref<1024x96xf32, #tpu.memory_space<vmem>>, vector<16xf32>,
      %parallel_loop3A_553 = arith.mulf %parallel_loop3A_544, %parallel_loop3A_552 : vector<16xf32>
      %parallel_loop3A_554 = arith.addf %parallel_loop3A_517, %parallel_loop3A_553 : vector<16xf32>
      %parallel_loop3A_555 = arith.index_cast %parallel_loop3A_541 : i32 to index
      %parallel_loop3A_556 = arith.constant 32 : index
      %parallel_loop3A_557 = tpu.vector_load %arg6[%parallel_loop3A_555, %parallel_loop3A_556] {strides = array<i32>} : memref<1024x96xf32, #tpu.memory_space<vmem>>, vector<16xf32>,
      %parallel_loop3A_558 = arith.mulf %parallel_loop3A_544, %parallel_loop3A_557 : vector<16xf32>
      %parallel_loop3A_559 = arith.addf %parallel_loop3A_522, %parallel_loop3A_558 : vector<16xf32>
      %parallel_loop3A_560 = arith.index_cast %parallel_loop3A_541 : i32 to index
      %parallel_loop3A_561 = arith.constant 48 : index
      %parallel_loop3A_562 = tpu.vector_load %arg6[%parallel_loop3A_560, %parallel_loop3A_561] {strides = array<i32>} : memref<1024x96xf32, #tpu.memory_space<vmem>>, vector<16xf32>,
      %parallel_loop3A_563 = arith.mulf %parallel_loop3A_544, %parallel_loop3A_562 : vector<16xf32>
      %parallel_loop3A_564 = arith.addf %parallel_loop3A_527, %parallel_loop3A_563 : vector<16xf32>
      %parallel_loop3A_565 = arith.index_cast %parallel_loop3A_541 : i32 to index
      %parallel_loop3A_566 = arith.constant 64 : index
      %parallel_loop3A_567 = tpu.vector_load %arg6[%parallel_loop3A_565, %parallel_loop3A_566] {strides = array<i32>} : memref<1024x96xf32, #tpu.memory_space<vmem>>, vector<16xf32>,
      %parallel_loop3A_568 = arith.mulf %parallel_loop3A_544, %parallel_loop3A_567 : vector<16xf32>
      %parallel_loop3A_569 = arith.addf %parallel_loop3A_532, %parallel_loop3A_568 : vector<16xf32>
      %parallel_loop3A_570 = arith.index_cast %parallel_loop3A_541 : i32 to index
      %parallel_loop3A_571 = arith.constant 80 : index
      %parallel_loop3A_572 = tpu.vector_load %arg6[%parallel_loop3A_570, %parallel_loop3A_571] {strides = array<i32>} : memref<1024x96xf32, #tpu.memory_space<vmem>>, vector<16xf32>,
      %parallel_loop3A_573 = arith.mulf %parallel_loop3A_544, %parallel_loop3A_572 : vector<16xf32>
      %parallel_loop3A_574 = arith.addf %parallel_loop3A_537, %parallel_loop3A_573 : vector<16xf32>
      %parallel_loop3A_575 = arith.constant 16 : i32
      %parallel_loop3A_576 = arith.muli %parallel_loop3A_46, %parallel_loop3A_575 : i32
      %parallel_loop3A_577 = arith.constant 14 : i32
      %parallel_loop3A_578 = arith.addi %parallel_loop3A_576, %parallel_loop3A_577 : i32
      %parallel_loop3A_579 = vector.extract_strided_slice %parallel_loop3A_56 {offsets = [14], sizes = [1], strides = [1]} : vector<16xf32> to vector<1xf32>
      %parallel_loop3A_580 = vector.extract %parallel_loop3A_579[0] : f32 from vector<1xf32>
      %parallel_loop3A_581 = vector.broadcast %parallel_loop3A_580 : f32 to vector<16xf32>
      %parallel_loop3A_582 = arith.index_cast %parallel_loop3A_578 : i32 to index
      %parallel_loop3A_583 = arith.constant 0 : index
      %parallel_loop3A_584 = tpu.vector_load %arg6[%parallel_loop3A_582, %parallel_loop3A_583] {strides = array<i32>} : memref<1024x96xf32, #tpu.memory_space<vmem>>, vector<16xf32>,
      %parallel_loop3A_585 = arith.mulf %parallel_loop3A_581, %parallel_loop3A_584 : vector<16xf32>
      %parallel_loop3A_586 = arith.addf %parallel_loop3A_549, %parallel_loop3A_585 : vector<16xf32>
      %parallel_loop3A_587 = arith.index_cast %parallel_loop3A_578 : i32 to index
      %parallel_loop3A_588 = arith.constant 16 : index
      %parallel_loop3A_589 = tpu.vector_load %arg6[%parallel_loop3A_587, %parallel_loop3A_588] {strides = array<i32>} : memref<1024x96xf32, #tpu.memory_space<vmem>>, vector<16xf32>,
      %parallel_loop3A_590 = arith.mulf %parallel_loop3A_581, %parallel_loop3A_589 : vector<16xf32>
      %parallel_loop3A_591 = arith.addf %parallel_loop3A_554, %parallel_loop3A_590 : vector<16xf32>
      %parallel_loop3A_592 = arith.index_cast %parallel_loop3A_578 : i32 to index
      %parallel_loop3A_593 = arith.constant 32 : index
      %parallel_loop3A_594 = tpu.vector_load %arg6[%parallel_loop3A_592, %parallel_loop3A_593] {strides = array<i32>} : memref<1024x96xf32, #tpu.memory_space<vmem>>, vector<16xf32>,
      %parallel_loop3A_595 = arith.mulf %parallel_loop3A_581, %parallel_loop3A_594 : vector<16xf32>
      %parallel_loop3A_596 = arith.addf %parallel_loop3A_559, %parallel_loop3A_595 : vector<16xf32>
      %parallel_loop3A_597 = arith.index_cast %parallel_loop3A_578 : i32 to index
      %parallel_loop3A_598 = arith.constant 48 : index
      %parallel_loop3A_599 = tpu.vector_load %arg6[%parallel_loop3A_597, %parallel_loop3A_598] {strides = array<i32>} : memref<1024x96xf32, #tpu.memory_space<vmem>>, vector<16xf32>,
      %parallel_loop3A_600 = arith.mulf %parallel_loop3A_581, %parallel_loop3A_599 : vector<16xf32>
      %parallel_loop3A_601 = arith.addf %parallel_loop3A_564, %parallel_loop3A_600 : vector<16xf32>
      %parallel_loop3A_602 = arith.index_cast %parallel_loop3A_578 : i32 to index
      %parallel_loop3A_603 = arith.constant 64 : index
      %parallel_loop3A_604 = tpu.vector_load %arg6[%parallel_loop3A_602, %parallel_loop3A_603] {strides = array<i32>} : memref<1024x96xf32, #tpu.memory_space<vmem>>, vector<16xf32>,
      %parallel_loop3A_605 = arith.mulf %parallel_loop3A_581, %parallel_loop3A_604 : vector<16xf32>
      %parallel_loop3A_606 = arith.addf %parallel_loop3A_569, %parallel_loop3A_605 : vector<16xf32>
      %parallel_loop3A_607 = arith.index_cast %parallel_loop3A_578 : i32 to index
      %parallel_loop3A_608 = arith.constant 80 : index
      %parallel_loop3A_609 = tpu.vector_load %arg6[%parallel_loop3A_607, %parallel_loop3A_608] {strides = array<i32>} : memref<1024x96xf32, #tpu.memory_space<vmem>>, vector<16xf32>,
      %parallel_loop3A_610 = arith.mulf %parallel_loop3A_581, %parallel_loop3A_609 : vector<16xf32>
      %parallel_loop3A_611 = arith.addf %parallel_loop3A_574, %parallel_loop3A_610 : vector<16xf32>
      %parallel_loop3A_612 = arith.constant 16 : i32
      %parallel_loop3A_613 = arith.muli %parallel_loop3A_46, %parallel_loop3A_612 : i32
      %parallel_loop3A_614 = arith.constant 15 : i32
      %parallel_loop3A_615 = arith.addi %parallel_loop3A_613, %parallel_loop3A_614 : i32
      %parallel_loop3A_616 = vector.extract_strided_slice %parallel_loop3A_56 {offsets = [15], sizes = [1], strides = [1]} : vector<16xf32> to vector<1xf32>
      %parallel_loop3A_617 = vector.extract %parallel_loop3A_616[0] : f32 from vector<1xf32>
      %parallel_loop3A_618 = vector.broadcast %parallel_loop3A_617 : f32 to vector<16xf32>
      %parallel_loop3A_619 = arith.index_cast %parallel_loop3A_615 : i32 to index
      %parallel_loop3A_620 = arith.constant 0 : index
      %parallel_loop3A_621 = tpu.vector_load %arg6[%parallel_loop3A_619, %parallel_loop3A_620] {strides = array<i32>} : memref<1024x96xf32, #tpu.memory_space<vmem>>, vector<16xf32>,
      %parallel_loop3A_622 = arith.mulf %parallel_loop3A_618, %parallel_loop3A_621 : vector<16xf32>
      %parallel_loop3A_623 = arith.addf %parallel_loop3A_586, %parallel_loop3A_622 : vector<16xf32>
      %parallel_loop3A_624 = arith.index_cast %parallel_loop3A_615 : i32 to index
      %parallel_loop3A_625 = arith.constant 16 : index
      %parallel_loop3A_626 = tpu.vector_load %arg6[%parallel_loop3A_624, %parallel_loop3A_625] {strides = array<i32>} : memref<1024x96xf32, #tpu.memory_space<vmem>>, vector<16xf32>,
      %parallel_loop3A_627 = arith.mulf %parallel_loop3A_618, %parallel_loop3A_626 : vector<16xf32>
      %parallel_loop3A_628 = arith.addf %parallel_loop3A_591, %parallel_loop3A_627 : vector<16xf32>
      %parallel_loop3A_629 = arith.index_cast %parallel_loop3A_615 : i32 to index
      %parallel_loop3A_630 = arith.constant 32 : index
      %parallel_loop3A_631 = tpu.vector_load %arg6[%parallel_loop3A_629, %parallel_loop3A_630] {strides = array<i32>} : memref<1024x96xf32, #tpu.memory_space<vmem>>, vector<16xf32>,
      %parallel_loop3A_632 = arith.mulf %parallel_loop3A_618, %parallel_loop3A_631 : vector<16xf32>
      %parallel_loop3A_633 = arith.addf %parallel_loop3A_596, %parallel_loop3A_632 : vector<16xf32>
      %parallel_loop3A_634 = arith.index_cast %parallel_loop3A_615 : i32 to index
      %parallel_loop3A_635 = arith.constant 48 : index
      %parallel_loop3A_636 = tpu.vector_load %arg6[%parallel_loop3A_634, %parallel_loop3A_635] {strides = array<i32>} : memref<1024x96xf32, #tpu.memory_space<vmem>>, vector<16xf32>,
      %parallel_loop3A_637 = arith.mulf %parallel_loop3A_618, %parallel_loop3A_636 : vector<16xf32>
      %parallel_loop3A_638 = arith.addf %parallel_loop3A_601, %parallel_loop3A_637 : vector<16xf32>
      %parallel_loop3A_639 = arith.index_cast %parallel_loop3A_615 : i32 to index
      %parallel_loop3A_640 = arith.constant 64 : index
      %parallel_loop3A_641 = tpu.vector_load %arg6[%parallel_loop3A_639, %parallel_loop3A_640] {strides = array<i32>} : memref<1024x96xf32, #tpu.memory_space<vmem>>, vector<16xf32>,
      %parallel_loop3A_642 = arith.mulf %parallel_loop3A_618, %parallel_loop3A_641 : vector<16xf32>
      %parallel_loop3A_643 = arith.addf %parallel_loop3A_606, %parallel_loop3A_642 : vector<16xf32>
      %parallel_loop3A_644 = arith.index_cast %parallel_loop3A_615 : i32 to index
      %parallel_loop3A_645 = arith.constant 80 : index
      %parallel_loop3A_646 = tpu.vector_load %arg6[%parallel_loop3A_644, %parallel_loop3A_645] {strides = array<i32>} : memref<1024x96xf32, #tpu.memory_space<vmem>>, vector<16xf32>,
      %parallel_loop3A_647 = arith.mulf %parallel_loop3A_618, %parallel_loop3A_646 : vector<16xf32>
      %parallel_loop3A_648 = arith.addf %parallel_loop3A_611, %parallel_loop3A_647 : vector<16xf32>
      scf.yield %parallel_loop3A_623, %parallel_loop3A_628, %parallel_loop3A_633, %parallel_loop3A_638, %parallel_loop3A_643, %parallel_loop3A_648 : vector<16xf32>, vector<16xf32>, vector<16xf32>, vector<16xf32>, vector<16xf32>, vector<16xf32>
    } {sc.loop_unroll_factor = 1 : i64, sc.parallel_access}
    %mul3A_17 = arith.constant 9.765625E-4 : f32
    %mul3A_18 = vector.broadcast %mul3A_17 : f32 to vector<16xf32>
    %mul3A_19 = arith.mulf %parallel_loop3A_16#0, %mul3A_18 : vector<16xf32>
    %swap3A = arith.constant 0 : index
    %swap3A_20 = tpu.vector_load %arg13[%swap3A] {strides = array<i32>} : memref<96xf32, #tpu.memory_space<vmem>>, vector<16xf32>,
    tpu.vector_store %arg13[%swap3A], %mul3A_19 {strides = array<i32>} : memref<96xf32, #tpu.memory_space<vmem>>, vector<16xf32>,
    %mul3A_21 = arith.constant 9.765625E-4 : f32
    %mul3A_22 = vector.broadcast %mul3A_21 : f32 to vector<16xf32>
    %mul3A_23 = arith.mulf %parallel_loop3A_16#1, %mul3A_22 : vector<16xf32>
    %swap3A_24 = arith.constant 16 : index
    %swap3A_25 = tpu.vector_load %arg13[%swap3A_24] {strides = array<i32>} : memref<96xf32, #tpu.memory_space<vmem>>, vector<16xf32>,
    tpu.vector_store %arg13[%swap3A_24], %mul3A_23 {strides = array<i32>} : memref<96xf32, #tpu.memory_space<vmem>>, vector<16xf32>,
    %mul3A_26 = arith.constant 9.765625E-4 : f32
    %mul3A_27 = vector.broadcast %mul3A_26 : f32 to vector<16xf32>
    %mul3A_28 = arith.mulf %parallel_loop3A_16#2, %mul3A_27 : vector<16xf32>
    %swap3A_29 = arith.constant 32 : index
    %swap3A_30 = tpu.vector_load %arg13[%swap3A_29] {strides = array<i32>} : memref<96xf32, #tpu.memory_space<vmem>>, vector<16xf32>,
    tpu.vector_store %arg13[%swap3A_29], %mul3A_28 {strides = array<i32>} : memref<96xf32, #tpu.memory_space<vmem>>, vector<16xf32>,
    %mul3A_31 = arith.constant 9.765625E-4 : f32
    %mul3A_32 = vector.broadcast %mul3A_31 : f32 to vector<16xf32>
    %mul3A_33 = arith.mulf %parallel_loop3A_16#3, %mul3A_32 : vector<16xf32>
    %swap3A_34 = arith.constant 48 : index
    %swap3A_35 = tpu.vector_load %arg13[%swap3A_34] {strides = array<i32>} : memref<96xf32, #tpu.memory_space<vmem>>, vector<16xf32>,
    tpu.vector_store %arg13[%swap3A_34], %mul3A_33 {strides = array<i32>} : memref<96xf32, #tpu.memory_space<vmem>>, vector<16xf32>,
    %mul3A_36 = arith.constant 9.765625E-4 : f32
    %mul3A_37 = vector.broadcast %mul3A_36 : f32 to vector<16xf32>
    %mul3A_38 = arith.mulf %parallel_loop3A_16#4, %mul3A_37 : vector<16xf32>
    %swap3A_39 = arith.constant 64 : index
    %swap3A_40 = tpu.vector_load %arg13[%swap3A_39] {strides = array<i32>} : memref<96xf32, #tpu.memory_space<vmem>>, vector<16xf32>,
    tpu.vector_store %arg13[%swap3A_39], %mul3A_38 {strides = array<i32>} : memref<96xf32, #tpu.memory_space<vmem>>, vector<16xf32>,
    %mul3A_41 = arith.constant 9.765625E-4 : f32
    %mul3A_42 = vector.broadcast %mul3A_41 : f32 to vector<16xf32>
    %mul3A_43 = arith.mulf %parallel_loop3A_16#5, %mul3A_42 : vector<16xf32>
    %swap3A_44 = arith.constant 80 : index
    %swap3A_45 = tpu.vector_load %arg13[%swap3A_44] {strides = array<i32>} : memref<96xf32, #tpu.memory_space<vmem>>, vector<16xf32>,
    tpu.vector_store %arg13[%swap3A_44], %mul3A_43 {strides = array<i32>} : memref<96xf32, #tpu.memory_space<vmem>>, vector<16xf32>,
    "tpu.region"() ({
      %run_scoped3A = tpu.sem_alloc : memref<!tpu.dma_semaphore, #tpu.memory_space<semaphore_mem>>
      %dma_start3A = arith.constant 0 : i32
      %dma_start3A_46 = tpu.memref_slice %arg5[%add3A, %dma_start3A] : memref<32x96xf32, #tpu.memory_space<hbm>> -> memref<1x96xf32, #tpu.memory_space<hbm>>
      %dma_start3A_47 = tpu.memref_squeeze %dma_start3A_46 : memref<1x96xf32, #tpu.memory_space<hbm>> -> memref<96xf32, #tpu.memory_space<hbm>>
      %dma_start3A_48 = arith.constant 0 : i32
      %dma_start3A_49 = tpu.memref_slice %arg5[%add3A, %dma_start3A_48] : memref<32x96xf32, #tpu.memory_space<hbm>> -> memref<1x96xf32, #tpu.memory_space<hbm>>
      %dma_start3A_50 = tpu.memref_squeeze %dma_start3A_49 : memref<1x96xf32, #tpu.memory_space<hbm>> -> memref<96xf32, #tpu.memory_space<hbm>>
      tpu.enqueue_dma source(%arg13 : memref<96xf32, #tpu.memory_space<vmem>>) target(%dma_start3A_50 : memref<96xf32, #tpu.memory_space<hbm>>) target_semaphore(%run_scoped3A : memref<!tpu.dma_semaphore, #tpu.memory_space<semaphore_mem>>)
      %dma_wait3A = arith.constant 0 : i32
      %dma_wait3A_51 = tpu.memref_slice %arg5[%add3A, %dma_wait3A] : memref<32x96xf32, #tpu.memory_space<hbm>> -> memref<1x96xf32, #tpu.memory_space<hbm>>
      %dma_wait3A_52 = tpu.memref_squeeze %dma_wait3A_51 : memref<1x96xf32, #tpu.memory_space<hbm>> -> memref<96xf32, #tpu.memory_space<hbm>>
      %dma_wait3A_53 = arith.constant 0 : i32
      %dma_wait3A_54 = tpu.memref_slice %arg5[%add3A, %dma_wait3A_53] : memref<32x96xf32, #tpu.memory_space<hbm>> -> memref<1x96xf32, #tpu.memory_space<hbm>>
      %dma_wait3A_55 = tpu.memref_squeeze %dma_wait3A_54 : memref<1x96xf32, #tpu.memory_space<hbm>> -> memref<96xf32, #tpu.memory_space<hbm>>
      tpu.wait_dma2 semaphore(%run_scoped3A : memref<!tpu.dma_semaphore, #tpu.memory_space<semaphore_mem>>) src(%arg13 : memref<96xf32, #tpu.memory_space<vmem>>) dst(%dma_wait3A_55 : memref<96xf32, #tpu.memory_space<hbm>>)
      tpu.yield
    }) : () -> ()
    return
  }
}

</mosaic_0001>

<sc_bundles>
// kernel: kernel.3.cloned.1.call-start
scs
__scs_entry_jumppad:
0x0: {  	(pc) =	sbr.rel $0x88, $3  }
0x1: {  	(tag) =	ssettag $0x0;
	lr =	simm.s32 $0x1  }
0x2: {  	[smem:$0x3F9F] =	sst lr;
	_ =	strace $0xD0000000  }
0x3: {  	_ = 	snop  }
0x4: {  	_ = 	snop  }
0x5: {  	_ = 	snop  }
0x6: {  	_ = 	snop  }
0x7: {  	_ = 	snop  }
__scs_overlays_trampoline_lowered:
0x8: {  	[smem:$0x3FAE] =	sst s0  }
0x9: {  	[smem:$0x3FAF] =	sst s1  }
0xa: {  	[smem:$0x3FB0] =	sst s2  }
0xb: {  	[smem:$0x3FB1] =	sst s3  }
0xc: {  	[smem:$0x3FB2] =	sst s4  }
0xd: {  	[smem:$0x3FB3] =	sst s5  }
0xe: {  	[smem:$0x3FB4] =	sst s6  }
0xf: {  	[smem:$0x3FB5] =	sst s7  }
0x10: {  	[smem:$0x3FB6] =	sst s8  }
0x11: {  	[smem:$0x3FB7] =	sst s9;
	s0 =	simm.s32 @!p0 $0x0  }
0x12: {  	s1 =	sld [smem:$0x3F9D];
	s0 =	simm.s32 @p0 $0x1  }
0x13: {  	[smem:$0x3FB8] =	sst s0;
	s0 =	simm.s32 @!p1 $0x0  }
0x14: {  	s2 =	sld [smem:$0x3F9C];
	s0 =	simm.s32 @p1 $0x1  }
0x15: {  	[smem:$0x3FB9] =	sst s0;
	s0 =	simm.s32 @!p2 $0x0  }
0x16: {  	s3 =	sld [smem:$0x3FDB];
	s0 =	simm.s32 @p2 $0x1  }
0x17: {  	s4 =	simm.s32 $0x1BF5;
	[smem:$0x3FBB] =	sst s0  }
0x18: {  	s0 =	sld [smem:$0x3F9E];
	_ =	swait.ge [sflag:s4], $0x0  }
0x19: {  	s7 =	sld [smem:$0x3F9F]  }
0x1a: {  	s8 =	sadd.s32 $0xFFFFE003, lr  }
0x1b: {  	s9 =	sadd.s32 $0xFFFFFEF7, lr;
	s5 =	simm.s32 $0xFFFFFFFF;
	p2 =	slt.u32 s8, $0xFFFFF086  }
0x1c: {  	p1 =	slt.u32 s9, $0xF7A;
	s5 =	simm.s32 @!p2 $0x0  }
0x1d: {  	s5 =	simm.s32 @p1 $0x1;
	p0 =	seq.s32 s7, s2  }
0x1e: {  	s7 =	smul.u32 @!p0 $0xF7A, s2;
	p2 =	seq.s32 @!p0 s5, $0x0  }
0x1f: {  	s9 =	smul.u32 $0xF7A, s1;
	s8 =	simm.s32 @!p0 $0x1BF5;
	p2 =	por !p2, p0  }
0x20: {  	[sflag:s8] =	ssyncset.s32 @!p0 $0xFFFFF086;
	s6 =	sadd.s32 @!p0 s3, s7;
	s7 =	simm.s32 @!p0 $0x108  }
0x21: {  	s3 =	sadd.s32 s3, s9;
	s6 =	sadd.s32 @!p0 $0x88, s6;
	s7 =	simm.s32 @p2 $0x1082  }
0x22: {  	[simem:s7], [sflag:s8] =	dma.local @!p0 [hbm:s6], $0xF7A  }
0x23: {  	s9 =	sor.u32 $0xD0000000, s2;
	s6 =	simm.s32 $0x108;
	_ =	swait.ge @!p0 [sflag:s8], $0x0  }
0x24: {  	s3 =	sadd.s32 $0x88, s3;
	s6 =	simm.s32 @!p1 $0x1082;
	[sflag:s4] =	ssyncset.s32 $0xFFFFF086  }
0x25: {  	[simem:s6], [sflag:s4] =	dma.local [hbm:s3], $0xF7A  }
0x26: {  	[smem:$0x3F9F] =	sst s1;
	(tag) =	ssettag s2;
	_ =	strace s9  }
0x27: {  	s1 =	sld [smem:$0x3FAF]  }
0x28: {  	s2 =	sld [smem:$0x3FB0]  }
0x29: {  	s4 =	sld [smem:$0x3FB2]  }
0x2a: {  	p0 =	seq.s32 s5, $0x0;
	s5 =	sld [smem:$0x3FB3]  }
0x2b: {  	s6 =	sld [smem:$0x3FB4]  }
0x2c: {  	s7 =	sld [smem:$0x3FB5]  }
0x2d: {  	s3 =	simm.s32 $0x108;
	s8 =	sld [smem:$0x3FB6]  }
0x2e: {  	s3 =	simm.s32 @!p0 $0x1082;
	s9 =	sld [smem:$0x3FB7]  }
0x2f: {  	lr =	sadd.s32 s0, s3;
	s0 =	sld [smem:$0x3FAE]  }
0x30: {  	s3 =	sld [smem:$0x3FB1]  }
0x31: {  	[smem:$0x3FBA] =	sst s10  }
0x32: {  	s10 =	sld [smem:$0x3FB8];
	_ =	sdelay $0x3  }
0x33: {  	p0 =	seq.s32 s10, $0x1;
	s10 =	sld [smem:$0x3FBA];
	_ =	sdelay $0x3  }
0x34: {  	[smem:$0x3FBA] =	sst s10  }
0x35: {  	s10 =	sld [smem:$0x3FB9];
	_ =	sdelay $0x3  }
0x36: {  	p1 =	seq.s32 s10, $0x1;
	s10 =	sld [smem:$0x3FBA];
	_ =	sdelay $0x3  }
0x37: {  	[smem:$0x3FBA] =	sst s10  }
0x38: {  	s10 =	sld [smem:$0x3FBB]  }
0x39: {  	_ = 	snop;
	(pc) =	sbr.ind lr, $3  }
0x3a: {  	_ = 	snop  }
0x3b: {  	_ = 	snop  }
0x3c: {  	p2 =	seq.s32 s10, $0x1;
	s10 =	sld [smem:$0x3FBA]  }
0x3d: {  	_ =	shalt  }
0x3e: {  	_ =	shalt  }
0x3f: {  	_ =	shalt  }
0x40: {  	_ =	shalt  }
0x41: {  	_ =	shalt  }
0x42: {  	_ =	shalt  }
0x43: {  	_ =	shalt  }
0x44: {  	_ =	shalt  }
0x45: {  	_ =	shalt  }
0x46: {  	_ =	shalt  }
0x47: {  	_ =	shalt  }
0x48: {  	_ =	shalt  }
0x49: {  	_ =	shalt  }
0x4a: {  	_ =	shalt  }
0x4b: {  	_ =	shalt  }
0x4c: {  	_ =	shalt  }
0x4d: {  	_ =	shalt  }
0x4e: {  	_ =	shalt  }
0x4f: {  	_ =	shalt  }
0x50: {  	_ =	shalt  }
0x51: {  	_ =	shalt  }
0x52: {  	_ =	shalt  }
0x53: {  	_ =	shalt  }
0x54: {  	_ =	shalt  }
0x55: {  	_ =	shalt  }
0x56: {  	_ =	shalt  }
0x57: {  	_ =	shalt  }
0x58: {  	_ =	shalt  }
0x59: {  	_ =	shalt  }
0x5a: {  	_ =	shalt  }
0x5b: {  	_ =	shalt  }
0x5c: {  	_ =	shalt  }
0x5d: {  	_ =	shalt  }
0x5e: {  	_ =	shalt  }
0x5f: {  	_ =	shalt  }
0x60: {  	_ =	shalt  }
0x61: {  	_ =	shalt  }
0x62: {  	_ =	shalt  }
0x63: {  	_ =	shalt  }
0x64: {  	_ =	shalt  }
0x65: {  	_ =	shalt  }
0x66: {  	_ =	shalt  }
0x67: {  	_ =	shalt  }
0x68: {  	_ =	shalt  }
0x69: {  	_ =	shalt  }
0x6a: {  	_ =	shalt  }
0x6b: {  	_ =	shalt  }
0x6c: {  	_ =	shalt  }
0x6d: {  	_ =	shalt  }
0x6e: {  	_ =	shalt  }
0x6f: {  	_ =	shalt  }
0x70: {  	_ =	shalt  }
0x71: {  	_ =	shalt  }
0x72: {  	_ =	shalt  }
0x73: {  	_ =	shalt  }
0x74: {  	_ =	shalt  }
0x75: {  	_ =	shalt  }
0x76: {  	_ =	shalt  }
0x77: {  	_ =	shalt  }
0x78: {  	_ =	shalt  }
0x79: {  	_ =	shalt  }
0x7a: {  	_ =	shalt  }
0x7b: {  	_ =	shalt  }
0x7c: {  	_ =	shalt  }
0x7d: {  	_ =	shalt  }
0x7e: {  	_ =	shalt  }
0x7f: {  	_ =	shalt  }
0x80: {  	_ =	shalt  }
0x81: {  	_ =	shalt  }
0x82: {  	_ =	shalt  }
0x83: {  	_ =	shalt  }
0x84: {  	_ =	shalt  }
0x85: {  	_ =	shalt  }
0x86: {  	_ =	shalt  }
0x87: {  	_ =	shalt  }
.Lfunc_end0:
.L_simem_size_0:
called_computation_lowered:
.L_overlay_start_0:
0x88: {  	s2 =	sld [smem:$0x3FD9]  }
0x89: {  	s3 =	sld [smem:$0x3FFE];
	_ =	sdelay $0x1  }
0x8a: {  	s1 =	srdreg.scid  }
0x8b: {  	s0 =	sand.u32 $0x1, s1  }
0x8c: {  	s16 =	sshll.u32 s0, $0xA;
	s2 =	sadd.s32 s3, s2  }
0x8d: {  	s2 =	sadd.s32 s2, s16  }
0x8e: {  	[smem:$0x3FC6] =	sst s2  }
0x8f: {  	_ = 	snop  }
0x90: {  	(tm) =	ssettm $0x1  }
0x91: {  	s17 =	sld [smem:$0x3FFB];
	_ =	sdelay $0x3  }
0x92: {  	_ =	strace s17  }
0x93: {  	s2 =	sld [smem:$0x3FFC];
	_ =	sdelay $0x3  }
0x94: {  	_ =	strace s2  }
0x95: {  	s2 =	sld [smem:$0x3FFD];
	_ =	sdelay $0x3  }
0x96: {  	_ =	strace s2  }
0x97: {  	_ =	strace $0x8FFFFFFF  }
0x98: {  	s18 =	sld [smem:$0x3FDB];
	_ =	sdelay $0x1  }
0x99: {  	s19 =	simm.s32 $_scs_section_size  }
0x9a: {  	s4 =	simm.s32 $_size__tile_overlayer_lowered;
	s5 =	simm.s32 $_tile_overlayer_lowered  }
0x9b: {  	s22 =	simm.s32 $0x1BFF;
	s21 =	sshll.u32 s5, $0x1;
	s2 =	sadd.s32 s19, s18  }
0x9c: {  	s6 =	simm.s32 $0x0;
	s20 =	sshll.u32 s4, $0x1;
	s4 =	sadd.s32 s21, s2  }
0x9d: {  	[timem:s6], [sflag:s22] =	dma.local [hbm:s4], s20  }
0x9e: {  	_ =	swait.ge [sflag:s22], s20  }
0x9f: {  	s3 =	ssub.s32 $0x0, s20;
	[sflag:s22] =	ssyncset.done $0x0  }
0xa0: {  	[sflag:s22] =	ssyncadd.s32 s3;
	_ =	sdelay $0x1  }
0xa1: {  	s23 =	simm.s32 $0x1B8B  }
0xa2: {  	_ =	swait.ge [sflag:s23], $0x1  }
0xa3: {  	[sflag:s23] =	ssyncset.done $0x0  }
0xa4: {  	s25 =	simm.s32 $0x1B8E;
	s24 =	sld [smem:$0x3FFE];
	[sflag:s23] =	ssyncadd.s32 $0xFFFFFFFF  }
0xa5: {  	s26 =	simm.s32 $execute0_lowered;
	[smem:$0x3FD2] =	sst s25  }
0xa6: {  	s4 =	sshll.u32 s26, $0x1;
	_ =	strace $0x80000046;
	[dreg:$0x1] =	wrdreg $0xFFFFFFFF  }
0xa7: {  	s28 =	simm.s32 $_size_execute0_lowered;
	s2 =	sadd.s32 s2, s4;
	[dreg:$0x0] =	wrdreg $0x0  }
0xa8: {  	s4 =	sshll.u32 s28, $0x1;
	[dreg:$0x2] =	wrdreg s2  }
0xa9: {  	[dreg:$0x3] =	wrdreg s4  }
0xaa: {  	[dreg:$0x4] =	wrdreg $0xC0  }
0xab: {  	_ =	task [dreg:s6], $0x5FFFF  }
0xac: {  	[dreg:$0x1] =	wrdreg $0xFFFFFFFF  }
0xad: {  	[dreg:$0x0] =	wrdreg $0x60  }
0xae: {  	[dreg:$0x2] =	wrdreg s24  }
0xaf: {  	[dreg:$0x3] =	wrdreg $0x9  }
0xb0: {  	_ =	task.clear_ibuf [dreg:s6], $0x4FFFF;
	_ =	strace $0x90000046  }
0xb1: {  	s29 =	simm.s32 $0x9;
	_ =	strace $0x80000048  }
0xb2: {  	_ =	swait.ge [sflag:s29], $0x1  }
0xb3: {  	[sflag:s29] =	ssyncadd.s32 $0xFFFFFFFF  }
0xb4: {  	_ =	strace $0x90000048  }
0xb5: {  	_ =	sfence  }
0xb6: {  	s30 =	sld [smem:$0x0];
	_ =	sdelay $0x2  }
0xb7: {  	s31 =	sshll.u32 s1, $0xD;
	s1 =	sshrl.u32 s1, $0x2  }
0xb8: {  	s3 =	sand.u32 $0x4000, s31;
	s1 =	sadd.s32 s1, s30  }
0xb9: {  	s0 =	sor.u32 s3, s0;
	s1 =	sshll.u32 s1, $0x11  }
0xba: {  	s0 =	sor.u32 s1, s0  }
0xbb: {  	s0 =	sadd.s32 $0x8F2B, s0  }
0xbc: {  	[sflag:s0] =	ssyncadd.remote.s32 $0x1  }
0xbd: {  	_ =	sfence.sel $0xFFFF  }
0xbe: {  	[dreg:$0x0] =	wrdreg $0xFFFFFFFF;
	(pc) =	sbr.abs _section_cstart, $3  }
0xbf: {  	[dreg:$0x1] =	wrdreg $0xFFFFFFFF  }
0xc0: {  	_ =	task.clear_ibuf [dreg:s6], $0x2FFFF;
	_ =	strace $0x9FFFFFFF  }
0xc1: {  	(tm) =	ssettm $0x7FFFFFFF  }
tec
execute0_lowered:
.L_overlay_start_1:
0x0: {  	(tag) =	ssettag $0x1  }
0x1: {  	s0 =	srdreg.scid;
	s2 =	stileid.u32;
	v1 =	vlaneseq.u32  }
0x2: {  	s1 =	rddreg [dreg:$0x0];
	s3 =	sshll.u32 s2, $0x1;
	s2 =	simm.s32 $0x0;
	v3 =	vmul.u32 $0x18, v1  }
0x3: {  	s9 =	simm.s32 $0x18000;
	s11 =	simm.s32 $0x1EC00;
	[smem:$0x7FF] =	sst s2  }
0x4: {  	s12 =	simm.s32 $0x1E400;
	s0 =	sand.u32 $0x1, s0;
	_ =	strace $0x80000047;
	v5 =	vor.u32 $0x1, v3;
	[tilespmem:$0x1FF80] =	vst v3  }
0x5: {  	s5 =	sadd.s32 $0x60E00, s1;
	s3 =	sor.u32 s0, s3;
	s0 =	ssub.s32 $0x2, s0;
	v6 =	vor.u32 $0x2, v3;
	[tilespmem:$0x1FF90] =	vst v5  }
0x6: {  	s29 =	sadd.s32 $0x60600, s1;
	s4 =	smul.u32 $0x3000, s3;
	s30 =	sshrl.u32 s0, $0x1;
	v7 =	vor.u32 $0x3, v3;
	[tilespmem:$0x1FFA0] =	vst v6  }
0x7: {  	s3 =	smul.u32 $0xC, s3;
	[dreg:$0x2] =	wrdreg s5;
	v8 =	vor.u32 $0x4, v3;
	s0 =	ssub.s32 s0, s30;
	[tilespmem:$0x1FFB0] =	vst v7  }
0x8: {  	v4 =	vimm.f32 $0.0e+00;
	[dreg:$0x3] =	wrdreg s29;
	v9 =	vor.u32 $0x5, v3;
	v57 =	vor.u32 $0x6, v3;
	[tilespmem:$0x1FFC0] =	vst v8;
	s4 =	sadd.s32 s4, s1;
	s0 =	smax.u32 s0, $0x1  }
0x9: {  	v58 =	vor.u32 $0x7, v3;
	v10 =	vadd.s32 $0x8, v3;
	v11 =	vadd.s32 $0x9, v3;
	[tilespmem:$0x1FFD0] =	vst v9;
	s1 =	sadd.s32 s3, s1;
	s31 =	sadd.s32 $0x600, s4;
	[dreg:$0x6] =	wrdreg s0  }
0xa: {  	s13 =	simm.s32 $0x1E800;
	v12 =	vadd.s32 $0xA, v3;
	v13 =	vadd.s32 $0xB, v3;
	v14 =	vadd.s32 $0xC, v3;
	[tilespmem:$0x1FFE0] =	vst v57;
	s1 =	sadd.s32 $0x61400, s1;
	[dreg:$0x4] =	wrdreg s31  }
0xb: {  	s15 =	simm.s32 $0x0;
	v15 =	vadd.s32 $0xD, v3;
	v16 =	vadd.s32 $0xE, v3;
	v17 =	vadd.s32 $0xF, v3;
	[tilespmem:$0x1FFF0] =	vst v58;
	[dreg:$0x5] =	wrdreg s1;
	s1 =	simm.s32 $0x1  }
.LBB2_1:
0xc: {  	s0 =	rddreg [dreg:$0x4]  }
0xd: {  	[tilespmem:s2], [sflag:$0x1] =	stream.linear.gather [hbm4b:s0+s2], $0x18000, $0x38;
	[tilespmem:$0x1FAB8] =	vst v63  }
0xe: {  	_ =	swait.ge [sflag:s1], $0x18000  }
0xf: {  	[sflag:s1] =	ssyncset.done $0x0  }
0x10: {  	s30 =	rddreg [dreg:$0x2];
	[sflag:s1] =	ssyncadd.s32 $0xFFFE8000  }
0x11: {  	[tilespmem:s9], [sflag:$0x1] =	stream.linear.gather [hbm4b:s30+s2], $0x2400, $0x38;
	[tilespmem:$0x1FAB8] =	vst v63  }
0x12: {  	_ =	swait.ge [sflag:s1], $0x2400  }
0x13: {  	[sflag:s1] =	ssyncset.done $0x0  }
0x14: {  	s3 =	simm.s32 $0x1A400;
	s31 =	rddreg [dreg:$0x3];
	[sflag:s1] =	ssyncadd.s32 $0xFFFFDC00  }
0x15: {  	[tilespmem:s3], [sflag:$0x1] =	stream.linear.gather [hbm4b:s31+s2], $0x4000, $0x38;
	[tilespmem:$0x1FAB8] =	vst v63  }
0x16: {  	_ =	swait.ge [sflag:s1], $0x4000  }
0x17: {  	[sflag:s1] =	ssyncset.done $0x0  }
0x18: {  	[sflag:s1] =	ssyncadd.s32 $0xFFFFC000  }
0x19: {  	s0 =	simm.s32 $0x60;
	s1 =	simm.s32 $0x0;
	[bflag:$0x0] =	sbarrier.arrive $0xFFFF  }
.LBB2_2:
0x1a: {  	v0 =	vld [tilespmem:s0+$0x0]  }
0x1b: {  	v2 =	vld [tilespmem:s0+$0x10]  }
0x1c: {  	v18 =	vld [tilespmem:s0+$0xFFFFFFB0]  }
0x1d: {  	v19 =	vld [tilespmem:s0+$0x20]  }
0x1e: {  	v20 =	vld [tilespmem:s0+$0xFFFFFFA0]  }
0x1f: {  	v21 =	vld [tilespmem:s0+$0x30]  }
0x20: {  	v22 =	vld [tilespmem:s0+$0xFFFFFFC0]  }
0x21: {  	v23 =	vld [tilespmem:s0+$0x40]  }
0x22: {  	v24 =	vld [tilespmem:s0+$0xFFFFFFD0]  }
0x23: {  	v25 =	vld [tilespmem:s0+$0x50]  }
0x24: {  	v26 =	vld [tilespmem:s0+$0xFFFFFFE0];
	v0 =	vmul.f32 v0, v0;
	v2 =	vmul.f32 v2, v2  }
0x25: {  	v27 =	vld [tilespmem:s0+$0xFFFFFFF0];
	s6 =	sadd.s32 $0xC0, s0;
	v18 =	vmul.f32 v18, v18;
	v20 =	vmul.f32 v20, v20  }
0x26: {  	v0 =	vadd.f32 v2, v0;
	v2 =	vmul.f32 v19, v19;
	v19 =	vld [tilespmem:s6+$0x0]  }
0x27: {  	v18 =	vadd.f32 v18, v20;
	v20 =	vmul.f32 v22, v22;
	v22 =	vld [tilespmem:s6+$0x10]  }
0x28: {  	v0 =	vadd.f32 v2, v0;
	v2 =	vmul.f32 v21, v21;
	v21 =	vld [tilespmem:s6+$0xFFFFFFB0]  }
0x29: {  	v18 =	vadd.f32 v20, v18;
	v20 =	vmul.f32 v24, v24;
	v24 =	vld [tilespmem:s6+$0x20]  }
0x2a: {  	v0 =	vadd.f32 v2, v0;
	v2 =	vmul.f32 v23, v23;
	v23 =	vld [tilespmem:s6+$0xFFFFFFA0]  }
0x2b: {  	v25 =	vmul.f32 v25, v25;
	v18 =	vadd.f32 v20, v18;
	v20 =	vmul.f32 v26, v26;
	v26 =	vld [tilespmem:s6+$0x30]  }
0x2c: {  	v28 =	vld [tilespmem:s6+$0xFFFFFFC0];
	v19 =	vmul.f32 v19, v19;
	v22 =	vmul.f32 v22, v22;
	v2 =	vadd.f32 v2, v0  }
0x2d: {  	v27 =	vmul.f32 v27, v27;
	v18 =	vadd.f32 v20, v18;
	v0 =	vld [tilespmem:s6+$0x40]  }
0x2e: {  	v19 =	vadd.f32 v22, v19;
	v22 =	vmul.f32 v24, v24;
	v20 =	vadd.f32 v25, v2;
	v2 =	vld [tilespmem:s6+$0xFFFFFFD0]  }
0x2f: {  	s4 =	simm.s32 $0x1EC18;
	v24 =	vmul.f32 v21, v21;
	v25 =	vadd.f32 v27, v18;
	v18 =	vld [tilespmem:s6+$0x50];
	v23 =	vmul.f32 v23, v23  }
0x30: {  	v21 =	vadd.f32 v22, v19;
	v19 =	vld [tilespmem:s6+$0xFFFFFFE0];
	v22 =	vmul.f32 v26, v26;
	[tilespmem:s4+$0x0] =	vst v20  }
0x31: {  	s3 =	sshll.u32 s1, $0x4;
	s5 =	simm.s32 $0x2;
	[tilespmem:s4+$0xFFFFFFE8] =	vst v25;
	v20 =	vld [tilespmem:s6+$0xFFFFFFF0];
	s6 =	sadd.s32 $0xC0, s6;
	v23 =	vadd.f32 v24, v23;
	v24 =	vmul.f32 v28, v28  }
.LBB2_3:
0x32: {  	v25 =	vld [tilespmem:s6+$0x0];
	v21 =	vadd.f32 v22, v21;
	v0 =	vmul.f32 v0, v0  }
0x33: {  	s5 =	sadd.s32 $0x2, s5;
	v22 =	vld [tilespmem:s6+$0x10];
	v23 =	vadd.f32 v24, v23;
	v2 =	vmul.f32 v2, v2  }
0x34: {  	p0 =	slt.u32 s5, $0xE;
	v24 =	vld [tilespmem:s6+$0xFFFFFFB0];
	v0 =	vadd.f32 v0, v21;
	v18 =	vmul.f32 v18, v18  }
0x35: {  	v21 =	vld [tilespmem:s6+$0x20];
	v2 =	vadd.f32 v2, v23;
	v19 =	vmul.f32 v19, v19  }
0x36: {  	v23 =	vld [tilespmem:s6+$0xFFFFFFA0];
	v20 =	vmul.f32 v20, v20;
	v0 =	vadd.f32 v18, v0  }
0x37: {  	s4 =	sadd.s32 $0x30, s4;
	v26 =	vld [tilespmem:s6+$0x30];
	v2 =	vadd.f32 v19, v2  }
0x38: {  	v18 =	vmul.f32 v25, v25;
	v27 =	vld [tilespmem:s6+$0xFFFFFFC0];
	v19 =	vmul.f32 v22, v22;
	[tilespmem:s4+$0x0] =	vst v0  }
.Ltmp0:
0x39: {  	v24 =	vmul.f32 v24, v24;
	v0 =	vld [tilespmem:s6+$0x40];
	v20 =	vadd.f32 v20, v2;
	(pc) =	sbr.rel @p0 .LBB2_3-.Ltmp0, $4  }
0x3a: {  	v2 =	vld [tilespmem:s6+$0xFFFFFFD0];
	v22 =	vadd.f32 v19, v18;
	v21 =	vmul.f32 v21, v21  }
0x3b: {  	v23 =	vmul.f32 v23, v23;
	v18 =	vld [tilespmem:s6+$0x50];
	[tilespmem:s4+$0xFFFFFFE8] =	vst v20  }
0x3c: {  	v19 =	vld [tilespmem:s6+$0xFFFFFFE0];
	v21 =	vadd.f32 v21, v22;
	v22 =	vmul.f32 v26, v26  }
0x3d: {  	v23 =	vadd.f32 v24, v23;
	v24 =	vmul.f32 v27, v27;
	v20 =	vld [tilespmem:s6+$0xFFFFFFF0];
	s6 =	sadd.s32 $0xC0, s6  }
0x3e: {  	_ = 	snop  }
0x3f: {  	v23 =	vadd.f32 v24, v23;
	v2 =	vmul.f32 v2, v2  }
0x40: {  	v21 =	vadd.f32 v22, v21;
	v0 =	vmul.f32 v0, v0  }
0x41: {  	v2 =	vadd.f32 v2, v23;
	v19 =	vmul.f32 v19, v19  }
0x42: {  	v0 =	vadd.f32 v0, v21;
	v18 =	vmul.f32 v18, v18  }
0x43: {  	v20 =	vmul.f32 v20, v20;
	v2 =	vadd.f32 v19, v2  }
0x44: {  	v0 =	vadd.f32 v18, v0  }
0x45: {  	s4 =	sadd.s32 $0x30, s4;
	v2 =	vadd.f32 v20, v2  }
0x46: {  	[tilespmem:s4+$0x0] =	vst v0  }
0x47: {  	[tilespmem:s4+$0xFFFFFFE8] =	vst v2  }
0x48: {  	v0 =	vld.idx.msk [tilespmem:v3+s11+$0x0], $0xffff;
	_ =	sdelay $0x1  }
0x49: {  	v2 =	vld.idx.msk [tilespmem:v5+s11+$0x0], $0xffff;
	_ =	sdelay $0x1  }
0x4a: {  	v18 =	vld.idx.msk [tilespmem:v6+s11+$0x0], $0xffff  }
0x4b: {  	v0 =	vadd.f32 $0.0e+00, v0  }
0x4c: {  	v19 =	vld.idx.msk [tilespmem:v7+s11+$0x0], $0xffff  }
0x4d: {  	v0 =	vadd.f32 v2, v0  }
0x4e: {  	v2 =	vld.idx.msk [tilespmem:v8+s11+$0x0], $0xffff  }
0x4f: {  	v0 =	vadd.f32 v18, v0  }
0x50: {  	v18 =	vld.idx.msk [tilespmem:v9+s11+$0x0], $0xffff  }
0x51: {  	v0 =	vadd.f32 v19, v0  }
0x52: {  	v19 =	vld.idx.msk [tilespmem:v57+s11+$0x0], $0xffff  }
0x53: {  	v0 =	vadd.f32 v2, v0  }
0x54: {  	v2 =	vld.idx.msk [tilespmem:v58+s11+$0x0], $0xffff  }
0x55: {  	v0 =	vadd.f32 v18, v0  }
0x56: {  	v18 =	vld.idx.msk [tilespmem:v10+s11+$0x0], $0xffff  }
0x57: {  	v0 =	vadd.f32 v19, v0  }
0x58: {  	v19 =	vld.idx.msk [tilespmem:v11+s11+$0x0], $0xffff  }
0x59: {  	v0 =	vadd.f32 v2, v0  }
0x5a: {  	v2 =	vld.idx.msk [tilespmem:v12+s11+$0x0], $0xffff  }
0x5b: {  	v0 =	vadd.f32 v18, v0  }
0x5c: {  	v18 =	vld.idx.msk [tilespmem:v13+s11+$0x0], $0xffff  }
0x5d: {  	v0 =	vadd.f32 v19, v0  }
0x5e: {  	v19 =	vld.idx.msk [tilespmem:v14+s11+$0x0], $0xffff  }
0x5f: {  	v0 =	vadd.f32 v2, v0  }
0x60: {  	v2 =	vld.idx.msk [tilespmem:v15+s11+$0x0], $0xffff  }
0x61: {  	v0 =	vadd.f32 v18, v0  }
0x62: {  	v18 =	vld.idx.msk [tilespmem:v16+s11+$0x0], $0xffff  }
0x63: {  	v0 =	vadd.f32 v19, v0  }
0x64: {  	v19 =	vld.idx.msk [tilespmem:v17+s11+$0x0], $0xffff  }
0x65: {  	s1 =	sadd.s32 $0x1, s1;
	v0 =	vadd.f32 v2, v0  }
0x66: {  	p0 =	sne.s32 s1, $0x40  }
.Ltmp1:
0x67: {  	v0 =	vadd.f32 v18, v0;
	(pc) =	sbr.rel @p0 .LBB2_2-.Ltmp1, $4  }
0x68: {  	_ = 	snop  }
0x69: {  	v0 =	vadd.f32 v19, v0  }
0x6a: {  	[tilespmem:s3+$0x1E800] =	vst v4  }
0x6b: {  	s0 =	sadd.s32 $0x600, s0;
	[tilespmem:s3+$0x1E400] =	vst v0  }
0x6c: {  	[bflag:$0x0] =	sbarrier.arrive $0xFFFF  }
0x6d: {  	s16 =	simm.s32 $0x0;
	s17 =	simm.s32 $0x1A410;
	s18 =	simm.s32 $0x60  }
.LBB2_6:
0x6e: {  	v0 =	vld [tilespmem:s17+$0x0];
	_ =	sdelay $0x4  }
0x6f: {  	v0 =	vmul.u32 $0x180, v0;
	_ =	sdelay $0x1  }
0x70: {  	v34 =	vshra.s32 v0, $0x2  }
0x71: {  	(v2sf) =	vpush v34, $0x0;
	_ =	sdelay $0x1  }
0x72: {  	v0 =	vld [tilespmem:s17+$0xFFFFFFF0];
	_ =	sdelay $0x4  }
0x73: {  	v0 =	vmul.u32 $0x180, v0;
	_ =	sdelay $0x1  }
0x74: {  	v0 =	vshra.s32 v0, $0x2  }
0x75: {  	(v2sf) =	vpush v0, $0x0  }
0x76: {  	(v2sf) =	vpush v0, $0x1  }
0x77: {  	(v2sf) =	vpush v0, $0x2  }
0x78: {  	(v2sf) =	vpush v0, $0x3  }
0x79: {  	v39 =	vld [tilespmem:s18+$0x0];
	(v2sf) =	vpush v0, $0x4  }
0x7a: {  	v41 =	vld [tilespmem:s18+$0x10];
	(v2sf) =	vpush v0, $0x5;
	s0 =	spop (v2sf)  }
0x7b: {  	(v2sf) =	vpush v0, $0x6;
	v2 =	vld [tilespmem:s0+$0x0]  }
0x7c: {  	(v2sf) =	vpush v0, $0x7;
	v18 =	vld [tilespmem:s0+$0x10]  }
0x7d: {  	v40 =	vld [tilespmem:s18+$0x20];
	(v2sf) =	vpush v0, $0x8  }
0x7e: {  	v0 =	vld [tilespmem:s0+$0x20];
	(v2sf) =	vpush v34, $0x1  }
0x7f: {  	v42 =	vld [tilespmem:s18+$0x30]  }
0x80: {  	v19 =	vld [tilespmem:s0+$0x30]  }
0x81: {  	v38 =	vld [tilespmem:s18+$0x40];
	v2 =	vmul.f32 v2, v39;
	v18 =	vmul.f32 v18, v41  }
0x82: {  	v20 =	vld [tilespmem:s0+$0x40]  }
0x83: {  	v37 =	vld [tilespmem:s18+$0x50];
	v0 =	vmul.f32 v0, v40;
	v2 =	vadd.f32 v18, v2  }
0x84: {  	s6 =	spop (v2sf);
	v18 =	vld [tilespmem:s0+$0x50]  }
0x85: {  	v19 =	vmul.f32 v19, v42;
	s5 =	spop (v2sf);
	v0 =	vadd.f32 v0, v2  }
0x86: {  	s4 =	spop (v2sf)  }
0x87: {  	s3 =	spop (v2sf);
	v2 =	vmul.f32 v20, v38;
	v0 =	vadd.f32 v19, v0  }
0x88: {  	s14 =	spop (v2sf)  }
0x89: {  	s1 =	spop (v2sf);
	v0 =	vadd.f32 v2, v0;
	v2 =	vmul.f32 v18, v37  }
0x8a: {  	s0 =	spop (v2sf)  }
0x8b: {  	s21 =	spop (v2sf);
	v0 =	vadd.f32 v2, v0  }
0x8c: {  	s19 =	simm.s32 $0x1F218;
	s20 =	spop (v2sf)  }
0x8d: {  	s7 =	spop (v2sf);
	[tilespmem:s19+$0xFFFFFA00] =	vst v0  }
0x8e: {  	v0 =	vld [tilespmem:s7+$0x0]  }
0x8f: {  	v2 =	vld [tilespmem:s7+$0x10];
	_ =	sdelay $0x1  }
0x90: {  	(v2sf) =	vpush v34, $0x2;
	v18 =	vld [tilespmem:s7+$0x20];
	_ =	sdelay $0x1  }
0x91: {  	v19 =	vld [tilespmem:s7+$0x30]  }
0x92: {  	v21 =	vld [tilespmem:s18+$0xFFFFFFB0];
	v0 =	vmul.f32 v0, v39;
	v2 =	vmul.f32 v2, v41  }
0x93: {  	v22 =	vld [tilespmem:s7+$0x40]  }
0x94: {  	v23 =	vld [tilespmem:s18+$0xFFFFFFA0];
	v18 =	vmul.f32 v18, v40;
	v0 =	vadd.f32 v2, v0  }
0x95: {  	v2 =	vld [tilespmem:s7+$0x50]  }
0x96: {  	v24 =	vld [tilespmem:s6+$0x10];
	v0 =	vadd.f32 v18, v0;
	v18 =	vmul.f32 v19, v42  }
0x97: {  	v25 =	vld [tilespmem:s6+$0x20]  }
0x98: {  	v26 =	vld [tilespmem:s6+$0x30];
	v0 =	vadd.f32 v18, v0;
	v18 =	vmul.f32 v22, v38  }
0x99: {  	v20 =	vld [tilespmem:s6+$0x0]  }
0x9a: {  	v27 =	vld [tilespmem:s6+$0x40];
	v2 =	vmul.f32 v2, v37;
	v0 =	vadd.f32 v18, v0  }
0x9b: {  	v22 =	vld [tilespmem:s18+$0xFFFFFFC0]  }
0x9c: {  	v19 =	vld [tilespmem:s18+$0xFFFFFFD0];
	v0 =	vadd.f32 v2, v0  }
0x9d: {  	v18 =	vld [tilespmem:s18+$0xFFFFFFE0]  }
0x9e: {  	v20 =	vmul.f32 v20, v23;
	s10 =	spop (v2sf);
	v2 =	vmul.f32 v24, v21;
	v24 =	vld [tilespmem:s6+$0x50];
	[tilespmem:s19+$0xFFFFFB80] =	vst v0  }
0x9f: {  	v0 =	vld [tilespmem:s10+$0x0]  }
0xa0: {  	v25 =	vmul.f32 v25, v22;
	v2 =	vadd.f32 v2, v20;
	v28 =	vld [tilespmem:s10+$0x10]  }
0xa1: {  	v20 =	vld [tilespmem:s18+$0xFFFFFFF0]  }
0xa2: {  	(v2sf) =	vpush v34, $0x3;
	v2 =	vadd.f32 v25, v2;
	v25 =	vmul.f32 v26, v19;
	v26 =	vld [tilespmem:s10+$0x20];
	_ =	sdelay $0x1  }
0xa3: {  	v2 =	vadd.f32 v25, v2;
	v25 =	vmul.f32 v27, v18;
	v27 =	vld [tilespmem:s10+$0x30]  }
0xa4: {  	v0 =	vmul.f32 v0, v39;
	v28 =	vmul.f32 v28, v41  }
0xa5: {  	v2 =	vadd.f32 v25, v2;
	v25 =	vld [tilespmem:s10+$0x40]  }
0xa6: {  	v24 =	vmul.f32 v24, v20;
	v26 =	vmul.f32 v26, v40;
	v0 =	vadd.f32 v28, v0  }
0xa7: {  	v28 =	vld [tilespmem:s10+$0x50]  }
0xa8: {  	v2 =	vadd.f32 v24, v2;
	v24 =	vmul.f32 v27, v42;
	v0 =	vadd.f32 v26, v0;
	_ =	sdelay $0x1  }
0xa9: {  	[tilespmem:s19+$0xFFFFF9E8] =	vst v2;
	v2 =	vmul.f32 v25, v38;
	v0 =	vadd.f32 v24, v0  }
0xaa: {  	v25 =	vld [tilespmem:s5+$0x10]  }
0xab: {  	v24 =	vld [tilespmem:s5+$0x0];
	v0 =	vadd.f32 v2, v0;
	v2 =	vmul.f32 v28, v37;
	_ =	sdelay $0x1  }
0xac: {  	v26 =	vld [tilespmem:s5+$0x20];
	v0 =	vadd.f32 v2, v0  }
0xad: {  	v27 =	vld [tilespmem:s5+$0x40]  }
0xae: {  	s22 =	spop (v2sf);
	v2 =	vld [tilespmem:s5+$0x30];
	[tilespmem:s19+$0xFFFFFD00] =	vst v0  }
0xaf: {  	v0 =	vmul.f32 v24, v23;
	v24 =	vmul.f32 v25, v21;
	v25 =	vld [tilespmem:s22+$0x0]  }
0xb0: {  	v28 =	vld [tilespmem:s22+$0x10]  }
0xb1: {  	v0 =	vadd.f32 v24, v0;
	v24 =	vmul.f32 v26, v22;
	v26 =	vld [tilespmem:s5+$0x50]  }
0xb2: {  	(v2sf) =	vpush v34, $0x4;
	v29 =	vld [tilespmem:s22+$0x20]  }
0xb3: {  	v2 =	vmul.f32 v2, v19;
	v0 =	vadd.f32 v24, v0  }
0xb4: {  	v24 =	vmul.f32 v27, v18;
	v27 =	vld [tilespmem:s22+$0x30]  }
0xb5: {  	v0 =	vadd.f32 v2, v0;
	v2 =	vmul.f32 v25, v39;
	v25 =	vmul.f32 v28, v41  }
0xb6: {  	v28 =	vld [tilespmem:s22+$0x40];
	v26 =	vmul.f32 v26, v20  }
0xb7: {  	v0 =	vadd.f32 v24, v0;
	v2 =	vadd.f32 v25, v2;
	v24 =	vmul.f32 v29, v40  }
0xb8: {  	v25 =	vld [tilespmem:s22+$0x50]  }
0xb9: {  	v0 =	vadd.f32 v26, v0;
	v2 =	vadd.f32 v24, v2;
	v24 =	vmul.f32 v27, v42;
	_ =	sdelay $0x1  }
0xba: {  	[tilespmem:s19+$0xFFFFFB68] =	vst v0;
	v0 =	vadd.f32 v24, v2;
	v2 =	vmul.f32 v28, v38  }
0xbb: {  	v24 =	vld [tilespmem:s4+$0x0]  }
0xbc: {  	v26 =	vld [tilespmem:s4+$0x10];
	v0 =	vadd.f32 v2, v0;
	v2 =	vmul.f32 v25, v37;
	_ =	sdelay $0x1  }
0xbd: {  	v25 =	vld [tilespmem:s4+$0x20];
	v0 =	vadd.f32 v2, v0  }
0xbe: {  	v27 =	vld [tilespmem:s4+$0x40]  }
0xbf: {  	s23 =	spop (v2sf);
	v2 =	vld [tilespmem:s4+$0x30];
	[tilespmem:s19+$0xFFFFFE80] =	vst v0  }
0xc0: {  	v0 =	vmul.f32 v24, v23;
	v24 =	vmul.f32 v26, v21;
	v26 =	vld [tilespmem:s23+$0x0]  }
0xc1: {  	v28 =	vld [tilespmem:s23+$0x10]  }
0xc2: {  	v29 =	vld [tilespmem:s4+$0x50];
	v0 =	vadd.f32 v24, v0;
	v24 =	vmul.f32 v25, v22  }
0xc3: {  	(v2sf) =	vpush v34, $0x5;
	v25 =	vld [tilespmem:s23+$0x20]  }
0xc4: {  	v2 =	vmul.f32 v2, v19;
	v0 =	vadd.f32 v24, v0  }
0xc5: {  	v24 =	vmul.f32 v27, v18;
	v27 =	vld [tilespmem:s23+$0x30]  }
0xc6: {  	v0 =	vadd.f32 v2, v0;
	v2 =	vmul.f32 v26, v39;
	v26 =	vmul.f32 v28, v41  }
0xc7: {  	v28 =	vmul.f32 v29, v20;
	v29 =	vld [tilespmem:s23+$0x40]  }
0xc8: {  	v0 =	vadd.f32 v24, v0;
	v2 =	vadd.f32 v26, v2;
	v24 =	vmul.f32 v25, v40  }
0xc9: {  	v25 =	vld [tilespmem:s23+$0x50]  }
0xca: {  	v0 =	vadd.f32 v28, v0;
	v2 =	vadd.f32 v24, v2;
	v24 =	vmul.f32 v27, v42;
	_ =	sdelay $0x1  }
0xcb: {  	[tilespmem:s19+$0xFFFFFCE8] =	vst v0;
	v0 =	vadd.f32 v24, v2;
	v2 =	vmul.f32 v29, v38  }
0xcc: {  	v24 =	vld [tilespmem:s3+$0x0]  }
0xcd: {  	s10 =	sadd.s32 $0x20, s17;
	v26 =	vld [tilespmem:s3+$0x10];
	v0 =	vadd.f32 v2, v0;
	v2 =	vmul.f32 v25, v37  }
0xce: {  	v27 =	vld [tilespmem:s10+$0x0]  }
0xcf: {  	v25 =	vld [tilespmem:s3+$0x20];
	v0 =	vadd.f32 v2, v0  }
0xd0: {  	v28 =	vld [tilespmem:s3+$0x40]  }
0xd1: {  	s24 =	spop (v2sf);
	v2 =	vld [tilespmem:s3+$0x30];
	[tilespmem:s19+$0x0] =	vst v0  }
0xd2: {  	v0 =	vmul.f32 v24, v23;
	v24 =	vmul.f32 v26, v21;
	v26 =	vld [tilespmem:s24+$0x0]  }
0xd3: {  	v29 =	vld [tilespmem:s24+$0x10]  }
0xd4: {  	v31 =	vld [tilespmem:s3+$0x50];
	v0 =	vadd.f32 v24, v0;
	v24 =	vmul.f32 v25, v22  }
0xd5: {  	(v2sf) =	vpush v34, $0x6;
	v25 =	vmul.u32 $0x180, v27;
	v27 =	vld [tilespmem:s24+$0x20]  }
0xd6: {  	v2 =	vmul.f32 v2, v19;
	v0 =	vadd.f32 v24, v0  }
0xd7: {  	v30 =	vshra.s32 v25, $0x2;
	v24 =	vmul.f32 v28, v18;
	v25 =	vld [tilespmem:s24+$0x30]  }
0xd8: {  	v32 =	vld [tilespmem:s10+$0xFFFFFFF0];
	v0 =	vadd.f32 v2, v0;
	v2 =	vmul.f32 v26, v39;
	v26 =	vmul.f32 v29, v41  }
0xd9: {  	v28 =	vmul.f32 v31, v20;
	(v2sf) =	vpush v30, $0x0;
	v29 =	vld [tilespmem:s24+$0x40]  }
0xda: {  	v0 =	vadd.f32 v24, v0;
	v2 =	vadd.f32 v26, v2;
	v24 =	vmul.f32 v27, v40  }
0xdb: {  	v27 =	vld [tilespmem:s24+$0x50]  }
0xdc: {  	v0 =	vadd.f32 v28, v0;
	v2 =	vadd.f32 v24, v2;
	v24 =	vmul.f32 v25, v42;
	_ =	sdelay $0x1  }
0xdd: {  	v26 =	vmul.u32 $0x180, v32;
	v25 =	vmul.f32 v29, v38;
	[tilespmem:s19+$0xFFFFFE68] =	vst v0;
	v24 =	vadd.f32 v24, v2  }
0xde: {  	v0 =	vld [tilespmem:s14+$0x0]  }
0xdf: {  	s28 =	sadd.s32 $0xC0, s18;
	v28 =	vshra.s32 v26, $0x2;
	v2 =	vld [tilespmem:s14+$0x10];
	v27 =	vmul.f32 v27, v37;
	v26 =	vadd.f32 v25, v24  }
0xe0: {  	v24 =	vld [tilespmem:s28+$0x30]  }
0xe1: {  	(v2sf) =	vpush v28, $0x0;
	v25 =	vld [tilespmem:s28+$0x20];
	v29 =	vadd.f32 v27, v26  }
0xe2: {  	(v2sf) =	vpush v28, $0x1;
	v26 =	vld [tilespmem:s28+$0x0]  }
0xe3: {  	s25 =	spop (v2sf);
	(v2sf) =	vpush v28, $0x2;
	v27 =	vld [tilespmem:s28+$0x10];
	[tilespmem:s19+$0x180] =	vst v29  }
0xe4: {  	(v2sf) =	vpush v28, $0x3;
	v29 =	vld [tilespmem:s25+$0x0]  }
0xe5: {  	(v2sf) =	vpush v28, $0x4;
	v31 =	vld [tilespmem:s25+$0x10]  }
0xe6: {  	(v2sf) =	vpush v28, $0x5;
	v49 =	vld [tilespmem:s25+$0x20]  }
0xe7: {  	(v2sf) =	vpush v28, $0x6;
	v35 =	vld [tilespmem:s25+$0x30]  }
0xe8: {  	(v2sf) =	vpush v28, $0x7;
	v43 =	vld [tilespmem:s25+$0x40];
	s26 =	spop (v2sf)  }
0xe9: {  	(v2sf) =	vpush v28, $0x8;
	v28 =	vld [tilespmem:s26+$0x0]  }
0xea: {  	(v2sf) =	vpush v34, $0x7;
	v33 =	vld [tilespmem:s26+$0x10]  }
0xeb: {  	v46 =	vld [tilespmem:s25+$0x50]  }
0xec: {  	v36 =	vld [tilespmem:s26+$0x20]  }
0xed: {  	(v2sf) =	vpush v30, $0x1;
	v44 =	vld [tilespmem:s26+$0x30];
	v29 =	vmul.f32 v29, v39;
	v31 =	vmul.f32 v31, v41  }
0xee: {  	v52 =	vld [tilespmem:s26+$0x40];
	v32 =	vmul.f32 v49, v40  }
0xef: {  	v55 =	vld [tilespmem:s26+$0x50];
	v31 =	vadd.f32 v31, v29;
	v45 =	vmul.f32 v28, v26;
	v33 =	vmul.f32 v33, v27  }
0xf0: {  	v50 =	vmul.f32 v35, v42;
	s2 =	spop (v2sf);
	v29 =	vld [tilespmem:s28+$0x40]  }
0xf1: {  	v51 =	vmul.f32 v36, v25;
	v28 =	vld [tilespmem:s28+$0x50];
	s5 =	spop (v2sf);
	v31 =	vadd.f32 v32, v31;
	v33 =	vadd.f32 v33, v45  }
0xf2: {  	v53 =	vmul.f32 v43, v38;
	v59 =	vld [tilespmem:s2+$0x10];
	s4 =	spop (v2sf)  }
0xf3: {  	v54 =	vmul.f32 v44, v24;
	v43 =	vld [tilespmem:s2+$0x20];
	s3 =	spop (v2sf);
	v31 =	vadd.f32 v50, v31;
	v33 =	vadd.f32 v51, v33  }
0xf4: {  	v56 =	vmul.f32 v46, v37;
	v44 =	vld [tilespmem:s2+$0x30];
	s30 =	spop (v2sf)  }
0xf5: {  	v45 =	vld [tilespmem:s2+$0x0];
	s26 =	spop (v2sf);
	v36 =	vmul.f32 v52, v29;
	v32 =	vadd.f32 v53, v31;
	v33 =	vadd.f32 v54, v33  }
0xf6: {  	s24 =	spop (v2sf);
	v31 =	vld [tilespmem:s28+$0xFFFFFFB0];
	(v2sf) =	vpush v34, $0x8  }
0xf7: {  	v60 =	vmul.f32 v55, v28;
	v34 =	vld [tilespmem:s28+$0xFFFFFFD0];
	s29 =	spop (v2sf);
	v35 =	vadd.f32 v56, v32;
	v33 =	vadd.f32 v36, v33  }
0xf8: {  	s23 =	spop (v2sf);
	v32 =	vld [tilespmem:s28+$0xFFFFFFA0]  }
0xf9: {  	s8 =	spop (v2sf);
	[tilespmem:s19+$0x300] =	vst v35;
	v36 =	vadd.f32 v60, v33;
	v33 =	vld [tilespmem:s28+$0xFFFFFFC0]  }
0xfa: {  	v35 =	vld [tilespmem:s8+$0x0]  }
0xfb: {  	s25 =	simm.s32 $0x1F248;
	v61 =	vld [tilespmem:s8+$0x10]  }
0xfc: {  	s22 =	spop (v2sf);
	v62 =	vld [tilespmem:s8+$0x20];
	[tilespmem:s25+$0xFFFFFA00] =	vst v36  }
0xfd: {  	v47 =	vld [tilespmem:s22+$0x0]  }
0xfe: {  	v49 =	vld [tilespmem:s22+$0x10]  }
0xff: {  	v48 =	vld [tilespmem:s8+$0x30]  }
0x100: {  	(v2sf) =	vpush v30, $0x2;
	v46 =	vmul.f32 v59, v31;
	v51 =	vld [tilespmem:s22+$0x20]  }
0x101: {  	v50 =	vld [tilespmem:s8+$0x40];
	v63 =	vmul.f32 v35, v39;
	v56 =	vmul.f32 v61, v41  }
0x102: {  	v53 =	vld [tilespmem:s22+$0x30];
	v45 =	vmul.f32 v45, v32;
	v36 =	vmul.f32 v62, v40  }
0x103: {  	v52 =	vld [tilespmem:s8+$0x50];
	v35 =	vadd.f32 v56, v63;
	v47 =	vmul.f32 v47, v26;
	v49 =	vmul.f32 v49, v27  }
0x104: {  	v54 =	vld [tilespmem:s22+$0x40];
	v45 =	vadd.f32 v46, v45;
	v59 =	vmul.f32 v48, v42  }
0x105: {  	v46 =	vld [tilespmem:s2+$0x40];
	v60 =	vmul.f32 v51, v25;
	v35 =	vadd.f32 v36, v35;
	v47 =	vadd.f32 v49, v47  }
0x106: {  	v43 =	vmul.f32 v43, v33;
	v50 =	vmul.f32 v50, v38;
	v49 =	vld [tilespmem:s22+$0x50]  }
0x107: {  	v48 =	vld [tilespmem:s2+$0x50];
	v62 =	vmul.f32 v53, v24;
	v36 =	vadd.f32 v59, v35;
	v61 =	vadd.f32 v60, v47  }
0x108: {  	v43 =	vadd.f32 v43, v45;
	v63 =	vmul.f32 v52, v37;
	v35 =	vld [tilespmem:s28+$0xFFFFFFE0]  }
0x109: {  	v56 =	vmul.f32 v54, v29;
	v59 =	vld [tilespmem:s14+$0x20];
	v50 =	vadd.f32 v50, v36;
	v45 =	vadd.f32 v62, v61  }
0x10a: {  	v44 =	vmul.f32 v44, v34;
	v36 =	vld [tilespmem:s28+$0xFFFFFFF0]  }
0x10b: {  	v60 =	vld [tilespmem:s14+$0x30];
	v61 =	vmul.f32 v49, v28;
	v50 =	vadd.f32 v63, v50;
	v45 =	vadd.f32 v56, v45  }
0x10c: {  	v0 =	vmul.f32 v0, v23;
	v2 =	vmul.f32 v2, v21;
	v62 =	vld [tilespmem:s14+$0x40]  }
0x10d: {  	v43 =	vadd.f32 v44, v43;
	s2 =	spop (v2sf);
	v63 =	vld [tilespmem:s14+$0x50];
	v46 =	vmul.f32 v46, v35;
	[tilespmem:s19+$0x480] =	vst v50;
	v45 =	vadd.f32 v61, v45  }
0x10e: {  	v47 =	vld [tilespmem:s2+$0x0]  }
0x10f: {  	v0 =	vadd.f32 v2, v0;
	s8 =	spop (v2sf);
	v43 =	vadd.f32 v46, v43;
	v53 =	vmul.f32 v48, v36;
	v2 =	vld [tilespmem:s2+$0x10];
	[tilespmem:s25+$0xFFFFFB80] =	vst v45  }
0x110: {  	v54 =	vmul.f32 v59, v22;
	v45 =	vld [tilespmem:s8+$0x0]  }
0x111: {  	v43 =	vadd.f32 v53, v43;
	v55 =	vld [tilespmem:s8+$0x10]  }
0x112: {  	v44 =	vmul.f32 v60, v19;
	v0 =	vadd.f32 v54, v0;
	v59 =	vld [tilespmem:s8+$0x20]  }
0x113: {  	(v2sf) =	vpush v30, $0x3;
	v56 =	vmul.f32 v62, v18;
	v62 =	vld [tilespmem:s8+$0x30];
	[tilespmem:s25+$0xFFFFF9E8] =	vst v43  }
0x114: {  	v0 =	vadd.f32 v44, v0;
	v60 =	vld [tilespmem:s5+$0x10]  }
0x115: {  	v61 =	vmul.f32 v63, v20;
	v46 =	vld [tilespmem:s5+$0x0]  }
0x116: {  	v0 =	vadd.f32 v56, v0;
	v63 =	vld [tilespmem:s5+$0x20];
	v45 =	vmul.f32 v45, v26;
	v43 =	vmul.f32 v55, v27  }
0x117: {  	v56 =	vld [tilespmem:s8+$0x40]  }
0x118: {  	v52 =	vld [tilespmem:s5+$0x30];
	v0 =	vadd.f32 v61, v0;
	v44 =	vmul.f32 v59, v25;
	v43 =	vadd.f32 v43, v45  }
0x119: {  	v59 =	vmul.f32 v60, v31;
	v60 =	vld [tilespmem:s8+$0x50]  }
0x11a: {  	v51 =	vld [tilespmem:s2+$0x20];
	v61 =	vmul.f32 v62, v24;
	[tilespmem:s19+$0xFFFFFFE8] =	vst v0;
	v0 =	vmul.f32 v46, v32;
	v43 =	vadd.f32 v44, v43  }
0x11b: {  	v48 =	vld [tilespmem:s5+$0x40];
	v62 =	vmul.f32 v63, v33  }
0x11c: {  	v49 =	vld [tilespmem:s1+$0x0];
	v63 =	vmul.f32 v56, v29;
	v0 =	vadd.f32 v59, v0;
	v43 =	vadd.f32 v61, v43  }
0x11d: {  	v56 =	vld [tilespmem:s5+$0x50];
	v52 =	vmul.f32 v52, v34  }
0x11e: {  	v46 =	vld [tilespmem:s2+$0x30];
	v0 =	vadd.f32 v62, v0;
	v43 =	vadd.f32 v63, v43;
	v60 =	vmul.f32 v60, v28  }
0x11f: {  	v59 =	vld [tilespmem:s1+$0x10]  }
0x120: {  	v48 =	vmul.f32 v48, v35;
	v61 =	vld [tilespmem:s1+$0x20];
	v0 =	vadd.f32 v52, v0;
	v43 =	vadd.f32 v60, v43  }
0x121: {  	v62 =	vld [tilespmem:s1+$0x30]  }
0x122: {  	s14 =	spop (v2sf);
	v63 =	vld [tilespmem:s1+$0x40];
	v50 =	vmul.f32 v56, v36;
	v0 =	vadd.f32 v48, v0;
	[tilespmem:s25+$0xFFFFFD00] =	vst v43  }
0x123: {  	v43 =	vld [tilespmem:s14+$0x0]  }
0x124: {  	v56 =	vmul.f32 v49, v23;
	v45 =	vmul.f32 v59, v21;
	v0 =	vadd.f32 v50, v0;
	v59 =	vld [tilespmem:s14+$0x10]  }
0x125: {  	v50 =	vld [tilespmem:s1+$0x50]  }
0x126: {  	(v2sf) =	vpush v30, $0x4;
	v60 =	vmul.f32 v61, v22;
	v45 =	vadd.f32 v45, v56;
	[tilespmem:s25+$0xFFFFFB68] =	vst v0;
	v0 =	vld [tilespmem:s14+$0x20]  }
0x127: {  	v44 =	vmul.f32 v62, v19;
	v62 =	vld [tilespmem:s14+$0x30]  }
0x128: {  	v52 =	vmul.f32 v63, v18;
	v63 =	vld [tilespmem:s14+$0x40];
	v45 =	vadd.f32 v60, v45  }
0x129: {  	v61 =	vld [tilespmem:s4+$0x0];
	v43 =	vmul.f32 v43, v26;
	v49 =	vmul.f32 v59, v27  }
0x12a: {  	v54 =	vld [tilespmem:s4+$0x10];
	v44 =	vadd.f32 v44, v45  }
0x12b: {  	v60 =	vld [tilespmem:s14+$0x50];
	v43 =	vadd.f32 v49, v43;
	v0 =	vmul.f32 v0, v25  }
0x12c: {  	v59 =	vld [tilespmem:s4+$0x20];
	v50 =	vmul.f32 v50, v20;
	v44 =	vadd.f32 v52, v44  }
0x12d: {  	v48 =	vmul.f32 v62, v24;
	v62 =	vld [tilespmem:s4+$0x30];
	v0 =	vadd.f32 v0, v43  }
0x12e: {  	v45 =	vmul.f32 v63, v29;
	v63 =	vld [tilespmem:s4+$0x50];
	v44 =	vadd.f32 v50, v44  }
0x12f: {  	v61 =	vmul.f32 v61, v32;
	v54 =	vmul.f32 v54, v31;
	v43 =	vld [tilespmem:s2+$0x40];
	v0 =	vadd.f32 v48, v0  }
0x130: {  	v60 =	vmul.f32 v60, v28;
	[tilespmem:s19+$0x168] =	vst v44;
	v48 =	vld [tilespmem:s4+$0x40]  }
0x131: {  	v50 =	vadd.f32 v54, v61;
	v49 =	vmul.f32 v59, v33;
	v59 =	vld [tilespmem:s0+$0x0];
	v0 =	vadd.f32 v45, v0  }
0x132: {  	v61 =	vld [tilespmem:s0+$0x10]  }
0x133: {  	v53 =	vmul.f32 v62, v34;
	v62 =	vld [tilespmem:s0+$0x20];
	v49 =	vadd.f32 v49, v50;
	v0 =	vadd.f32 v60, v0  }
0x134: {  	v50 =	vld [tilespmem:s2+$0x50]  }
0x135: {  	s22 =	spop (v2sf);
	v49 =	vadd.f32 v53, v49;
	v53 =	vld [tilespmem:s0+$0x30];
	v48 =	vmul.f32 v48, v35;
	[tilespmem:s25+$0xFFFFFE80] =	vst v0  }
0x136: {  	v54 =	vmul.f32 v59, v23;
	v44 =	vld [tilespmem:s22+$0x0]  }
0x137: {  	v0 =	vmul.f32 v63, v36;
	v63 =	vmul.f32 v61, v21;
	v48 =	vadd.f32 v48, v49;
	v56 =	vld [tilespmem:s22+$0x10]  }
0x138: {  	v39 =	vmul.f32 v47, v39;
	v2 =	vmul.f32 v2, v41;
	(v2sf) =	vpush v30, $0x5;
	v59 =	vld [tilespmem:s0+$0x40]  }
0x139: {  	v45 =	vmul.f32 v62, v22;
	v61 =	vld [tilespmem:s22+$0x20];
	v60 =	vadd.f32 v63, v54;
	v0 =	vadd.f32 v0, v48  }
0x13a: {  	v2 =	vadd.f32 v2, v39;
	v42 =	vmul.f32 v46, v42;
	v63 =	vld [tilespmem:s0+$0x50]  }
0x13b: {  	v62 =	vmul.f32 v51, v40;
	v49 =	vld [tilespmem:s22+$0x30];
	v45 =	vadd.f32 v45, v60;
	[tilespmem:s25+$0xFFFFFCE8] =	vst v0;
	v0 =	vmul.f32 v53, v19  }
0x13c: {  	v53 =	vld [tilespmem:s22+$0x40];
	v44 =	vmul.f32 v44, v26;
	v52 =	vmul.f32 v56, v27  }
0x13d: {  	v2 =	vadd.f32 v62, v2;
	v41 =	vmul.f32 v59, v18;
	v51 =	vld [tilespmem:s3+$0x0];
	v0 =	vadd.f32 v0, v45  }
0x13e: {  	v38 =	vmul.f32 v43, v38;
	v54 =	vld [tilespmem:s3+$0x10];
	v55 =	vmul.f32 v61, v25;
	v44 =	vadd.f32 v52, v44  }
0x13f: {  	v2 =	vadd.f32 v42, v2;
	v56 =	vld [tilespmem:s22+$0x50];
	v40 =	vmul.f32 v63, v20;
	v0 =	vadd.f32 v41, v0  }
0x140: {  	v59 =	vld [tilespmem:s3+$0x20];
	v46 =	vmul.f32 v49, v24;
	v44 =	vadd.f32 v55, v44  }
0x141: {  	v2 =	vadd.f32 v38, v2;
	v60 =	vmul.f32 v50, v37;
	v38 =	vld [tilespmem:s3+$0x30];
	v0 =	vadd.f32 v40, v0  }
0x142: {  	v37 =	vld [tilespmem:s3+$0x40];
	v62 =	vmul.f32 v53, v29;
	v61 =	vadd.f32 v46, v44  }
0x143: {  	v2 =	vadd.f32 v60, v2;
	v39 =	vld [tilespmem:s3+$0x50];
	v63 =	vmul.f32 v51, v32;
	v42 =	vmul.f32 v54, v31;
	[tilespmem:s19+$0x2E8] =	vst v0  }
0x144: {  	s31 =	simm.s32 $0x1F248;
	v41 =	vmul.f32 v56, v28;
	v40 =	vadd.f32 v62, v61;
	v0 =	vld [tilespmem:s21+$0x0]  }
0x145: {  	s1 =	simm.s32 $0x2;
	s0 =	sadd.s32 $0x20, s10;
	s22 =	sshll.u32 s16, $0x4;
	[tilespmem:s19+$0x600] =	vst v2;
	v43 =	vmul.f32 v59, v33;
	v42 =	vadd.f32 v42, v63;
	v2 =	vld [tilespmem:s21+$0x10]  }
.LBB2_7:
0x146: {  	v44 =	vld [tilespmem:s0+$0x0];
	v38 =	vmul.f32 v38, v34;
	v40 =	vadd.f32 v41, v40  }
0x147: {  	v41 =	vld [tilespmem:s0+$0xFFFFFFF0];
	v42 =	vadd.f32 v43, v42;
	v37 =	vmul.f32 v37, v35  }
0x148: {  	v39 =	vmul.f32 v39, v36;
	[tilespmem:s25+$0x0] =	vst v40;
	s3 =	spop (v2sf);
	v40 =	vld [tilespmem:s21+$0x20]  }
0x149: {  	v38 =	vadd.f32 v38, v42;
	v42 =	vld [tilespmem:s3+$0x0];
	v0 =	vmul.f32 v0, v23  }
0x14a: {  	v43 =	vld [tilespmem:s3+$0x10];
	v2 =	vmul.f32 v2, v21  }
0x14b: {  	v44 =	vmul.u32 $0x180, v44;
	v38 =	vadd.f32 v37, v38;
	v45 =	vld [tilespmem:s21+$0x30]  }
0x14c: {  	v41 =	vmul.u32 $0x180, v41;
	v46 =	vld [tilespmem:s3+$0x20];
	(v2sf) =	vpush v30, $0x6;
	v0 =	vadd.f32 v2, v0  }
0x14d: {  	v37 =	vshra.s32 v44, $0x2;
	v2 =	vadd.f32 v39, v38;
	v38 =	vmul.f32 v40, v22;
	v39 =	vld [tilespmem:s21+$0x40]  }
0x14e: {  	v40 =	vshra.s32 v41, $0x2;
	(v2sf) =	vpush v37, $0x0;
	v41 =	vld [tilespmem:s3+$0x30]  }
0x14f: {  	(v2sf) =	vpush v40, $0x0;
	[tilespmem:s25+$0xFFFFFE68] =	vst v2;
	v2 =	vmul.f32 v42, v26;
	v42 =	vmul.f32 v43, v27;
	v43 =	vld [tilespmem:s21+$0x50];
	s21 =	smov.u32 s29  }
0x150: {  	v0 =	vadd.f32 v38, v0;
	(v2sf) =	vpush v40, $0x1;
	v44 =	vld [tilespmem:s3+$0x40];
	v38 =	vmul.f32 v45, v19  }
0x151: {  	(v2sf) =	vpush v40, $0x2;
	v45 =	vld [tilespmem:s30+$0x0];
	v2 =	vadd.f32 v42, v2;
	v42 =	vmul.f32 v46, v25  }
0x152: {  	(v2sf) =	vpush v40, $0x3;
	v46 =	vld [tilespmem:s3+$0x50];
	v0 =	vadd.f32 v38, v0;
	v38 =	vmul.f32 v39, v18  }
0x153: {  	(v2sf) =	vpush v40, $0x4;
	v39 =	vld [tilespmem:s30+$0x10];
	v2 =	vadd.f32 v42, v2;
	v41 =	vmul.f32 v41, v24  }
0x154: {  	(v2sf) =	vpush v40, $0x5;
	v42 =	vld [tilespmem:s30+$0x20];
	v0 =	vadd.f32 v38, v0;
	v38 =	vmul.f32 v43, v20  }
0x155: {  	s1 =	sadd.s32 $0x2, s1;
	(v2sf) =	vpush v40, $0x6;
	v43 =	vld [tilespmem:s30+$0x30];
	v2 =	vadd.f32 v41, v2;
	v41 =	vmul.f32 v44, v29  }
0x156: {  	p0 =	slt.u32 s1, $0xE;
	(v2sf) =	vpush v40, $0x7;
	v44 =	vmul.f32 v45, v32;
	v45 =	vld [tilespmem:s30+$0x40];
	v0 =	vadd.f32 v38, v0  }
0x157: {  	s28 =	sadd.s32 $0xC0, s28;
	(v2sf) =	vpush v40, $0x8;
	v38 =	vld [tilespmem:s30+$0x50];
	v40 =	vadd.f32 v41, v2;
	v46 =	vmul.f32 v46, v28  }
0x158: {  	v2 =	vld [tilespmem:s28+$0x30];
	v39 =	vmul.f32 v39, v31;
	[tilespmem:s19+$0x468] =	vst v0  }
0x159: {  	v41 =	vld [tilespmem:s28+$0x20];
	v0 =	vmul.f32 v42, v33;
	v40 =	vadd.f32 v46, v40  }
0x15a: {  	v42 =	vld [tilespmem:s28+$0x0];
	v39 =	vadd.f32 v39, v44;
	v44 =	vmul.f32 v43, v34  }
0x15b: {  	v43 =	vld [tilespmem:s28+$0x10];
	v45 =	vmul.f32 v45, v35;
	[tilespmem:s25+$0x180] =	vst v40;
	s14 =	spop (v2sf)  }
0x15c: {  	v0 =	vadd.f32 v0, v39;
	v38 =	vmul.f32 v38, v36;
	v39 =	vld [tilespmem:s14+$0x0]  }
0x15d: {  	s2 =	spop (v2sf);
	v40 =	vld [tilespmem:s14+$0x10]  }
0x15e: {  	v46 =	vld [tilespmem:s2+$0x0];
	s7 =	spop (v2sf);
	v0 =	vadd.f32 v44, v0  }
0x15f: {  	s5 =	spop (v2sf);
	v44 =	vld [tilespmem:s14+$0x20];
	(v2sf) =	vpush v30, $0x7  }
0x160: {  	v47 =	vld [tilespmem:s2+$0x10];
	s4 =	spop (v2sf);
	v0 =	vadd.f32 v45, v0  }
0x161: {  	s10 =	spop (v2sf);
	v48 =	vld [tilespmem:s14+$0x30]  }
0x162: {  	v49 =	vld [tilespmem:s2+$0x20];
	s30 =	spop (v2sf);
	v0 =	vadd.f32 v38, v0;
	v38 =	vmul.f32 v39, v26;
	v39 =	vmul.f32 v40, v27  }
0x163: {  	s6 =	spop (v2sf);
	(v2sf) =	vpush v37, $0x1;
	v40 =	vld [tilespmem:s14+$0x40]  }
0x164: {  	v50 =	vld [tilespmem:s2+$0x30];
	s3 =	spop (v2sf);
	[tilespmem:s25+$0xFFFFFFE8] =	vst v0;
	v0 =	vadd.f32 v39, v38;
	v38 =	vmul.f32 v44, v25  }
0x165: {  	v39 =	vmul.f32 v46, v42;
	s29 =	spop (v2sf);
	v44 =	vld [tilespmem:s14+$0x50]  }
0x166: {  	v47 =	vmul.f32 v47, v43;
	v45 =	vld [tilespmem:s28+$0x40];
	s14 =	spop (v2sf);
	v0 =	vadd.f32 v38, v0;
	v38 =	vmul.f32 v48, v24  }
0x167: {  	v48 =	vmul.f32 v49, v41;
	v49 =	vld [tilespmem:s2+$0x40]  }
0x168: {  	v39 =	vadd.f32 v47, v39;
	v46 =	vld [tilespmem:s28+$0x50];
	v0 =	vadd.f32 v38, v0;
	v38 =	vmul.f32 v40, v29  }
0x169: {  	v40 =	vmul.f32 v50, v2;
	v47 =	vld [tilespmem:s2+$0x50]  }
0x16a: {  	v39 =	vadd.f32 v48, v39;
	v50 =	vld [tilespmem:s7+$0x0];
	v38 =	vadd.f32 v38, v0;
	v44 =	vmul.f32 v44, v28  }
0x16b: {  	v48 =	vld [tilespmem:s7+$0x10]  }
0x16c: {  	v40 =	vadd.f32 v40, v39;
	v0 =	vld [tilespmem:s28+$0xFFFFFFB0];
	v49 =	vmul.f32 v49, v45;
	v38 =	vadd.f32 v44, v38  }
0x16d: {  	v39 =	vld [tilespmem:s28+$0xFFFFFFA0]  }
0x16e: {  	v44 =	vld [tilespmem:s7+$0x20];
	v40 =	vadd.f32 v49, v40;
	v47 =	vmul.f32 v47, v46;
	[tilespmem:s25+$0x300] =	vst v38;
	s2 =	spop (v2sf)  }
0x16f: {  	v38 =	vld [tilespmem:s2+$0x0]  }
0x170: {  	v47 =	vadd.f32 v47, v40;
	v49 =	vld [tilespmem:s2+$0x10]  }
0x171: {  	s25 =	sadd.s32 $0x30, s25;
	v40 =	vld [tilespmem:s28+$0xFFFFFFC0];
	v48 =	vmul.f32 v48, v0  }
0x172: {  	v50 =	vmul.f32 v50, v39;
	[tilespmem:s25+$0xFFFFFA00] =	vst v47;
	s8 =	spop (v2sf);
	v47 =	vld [tilespmem:s2+$0x20];
	(v2sf) =	vpush v30, $0x8;
	v30 =	vmov v37  }
0x173: {  	v37 =	vld [tilespmem:s8+$0x0]  }
0x174: {  	v48 =	vadd.f32 v48, v50;
	v50 =	vld [tilespmem:s2+$0x30]  }
0x175: {  	v38 =	vmul.f32 v38, v26;
	v51 =	vld [tilespmem:s8+$0x10];
	v49 =	vmul.f32 v49, v27  }
0x176: {  	v44 =	vmul.f32 v44, v40;
	v52 =	vld [tilespmem:s2+$0x40]  }
0x177: {  	v53 =	vld [tilespmem:s8+$0x20];
	v38 =	vadd.f32 v49, v38;
	v47 =	vmul.f32 v47, v25  }
0x178: {  	v48 =	vadd.f32 v44, v48;
	(v2sf) =	vpush v30, $0x2;
	v49 =	vld [tilespmem:s2+$0x50]  }
0x179: {  	v54 =	vld [tilespmem:s7+$0x30];
	v38 =	vadd.f32 v47, v38;
	v47 =	vmul.f32 v50, v24  }
0x17a: {  	v37 =	vmul.f32 v37, v42;
	v50 =	vld [tilespmem:s8+$0x30]  }
0x17b: {  	v51 =	vmul.f32 v51, v43;
	v44 =	vld [tilespmem:s28+$0xFFFFFFD0];
	v38 =	vadd.f32 v47, v38;
	v47 =	vmul.f32 v52, v29  }
0x17c: {  	v52 =	vmul.f32 v53, v41;
	v53 =	vld [tilespmem:s8+$0x40]  }
0x17d: {  	v37 =	vadd.f32 v51, v37;
	v55 =	vld [tilespmem:s7+$0x40];
	v47 =	vadd.f32 v47, v38;
	v49 =	vmul.f32 v49, v28  }
0x17e: {  	v51 =	vld [tilespmem:s8+$0x50]  }
0x17f: {  	v52 =	vadd.f32 v52, v37;
	v38 =	vld [tilespmem:s28+$0xFFFFFFE0];
	v50 =	vmul.f32 v50, v2;
	v47 =	vadd.f32 v49, v47  }
0x180: {  	v49 =	vmul.f32 v54, v44;
	v54 =	vld [tilespmem:s7+$0x50]  }
0x181: {  	v37 =	vld [tilespmem:s28+$0xFFFFFFF0];
	v50 =	vadd.f32 v50, v52;
	v52 =	vmul.f32 v53, v45;
	[tilespmem:s31+$0x480] =	vst v47;
	s2 =	spop (v2sf)  }
0x182: {  	v47 =	vadd.f32 v49, v48;
	v48 =	vld [tilespmem:s2+$0x0]  }
0x183: {  	v49 =	vadd.f32 v52, v50;
	v50 =	vmul.f32 v51, v46;
	v51 =	vld [tilespmem:s2+$0x10]  }
0x184: {  	v52 =	vmul.f32 v55, v38;
	v53 =	vld [tilespmem:s26+$0x0]  }
0x185: {  	v49 =	vadd.f32 v50, v49;
	v50 =	vld [tilespmem:s2+$0x20]  }
0x186: {  	v47 =	vadd.f32 v52, v47;
	v52 =	vmul.f32 v54, v37;
	v54 =	vld [tilespmem:s26+$0x10]  }
0x187: {  	[tilespmem:s25+$0xFFFFFB80] =	vst v49;
	s7 =	spop (v2sf);
	v49 =	vld [tilespmem:s2+$0x30]  }
0x188: {  	v48 =	vmul.f32 v48, v26;
	v26 =	vmovc v42;
	v47 =	vadd.f32 v52, v47;
	v52 =	vld [tilespmem:s7+$0x0];
	v51 =	vmul.f32 v51, v27  }
0x189: {  	v27 =	vmov v43;
	v42 =	vmul.f32 v53, v32;
	v53 =	vld [tilespmem:s2+$0x40]  }
0x18a: {  	[tilespmem:s25+$0xFFFFF9E8] =	vst v47;
	v43 =	vld [tilespmem:s7+$0x10];
	v47 =	vadd.f32 v51, v48;
	v48 =	vmul.f32 v50, v25;
	v25 =	vmov v41  }
0x18b: {  	v41 =	vmul.f32 v54, v31;
	v50 =	vld [tilespmem:s2+$0x50]  }
0x18c: {  	v51 =	vld [tilespmem:s5+$0x0];
	v47 =	vadd.f32 v48, v47;
	v48 =	vmul.f32 v49, v24;
	v24 =	vmov v2  }
0x18d: {  	v2 =	vld [tilespmem:s7+$0x20];
	(v2sf) =	vpush v30, $0x3;
	v41 =	vadd.f32 v41, v42  }
0x18e: {  	v42 =	vld [tilespmem:s5+$0x10];
	v47 =	vadd.f32 v48, v47;
	v48 =	vmul.f32 v53, v29;
	v29 =	vmov v45  }
0x18f: {  	v45 =	vmul.f32 v52, v26;
	v49 =	vld [tilespmem:s7+$0x30]  }
0x190: {  	v43 =	vmul.f32 v43, v27;
	v52 =	vld [tilespmem:s5+$0x20];
	v47 =	vadd.f32 v48, v47;
	v48 =	vmul.f32 v50, v28;
	v28 =	vmovc v46  }
0x191: {  	v46 =	vmul.f32 v51, v39;
	v50 =	vld [tilespmem:s7+$0x40]  }
0x192: {  	v43 =	vadd.f32 v43, v45;
	v51 =	vld [tilespmem:s5+$0x30];
	v2 =	vmul.f32 v2, v25;
	v45 =	vadd.f32 v48, v47  }
0x193: {  	v42 =	vmul.f32 v42, v0;
	v47 =	vld [tilespmem:s7+$0x50]  }
0x194: {  	v48 =	vld [tilespmem:s5+$0x40];
	v2 =	vadd.f32 v2, v43;
	v43 =	vmul.f32 v49, v24;
	[tilespmem:s31+$0x600] =	vst v45  }
0x195: {  	v42 =	vadd.f32 v42, v46;
	v45 =	vmul.f32 v52, v40;
	v46 =	vld [tilespmem:s5+$0x50]  }
0x196: {  	v2 =	vadd.f32 v43, v2;
	v43 =	vmul.f32 v50, v29;
	v49 =	vld [tilespmem:s26+$0x20]  }
0x197: {  	v42 =	vadd.f32 v45, v42;
	v45 =	vmul.f32 v51, v44;
	v50 =	vld [tilespmem:s26+$0x30]  }
0x198: {  	v2 =	vadd.f32 v43, v2;
	v43 =	vmul.f32 v47, v28;
	v47 =	vld [tilespmem:s26+$0x40]  }
0x199: {  	v42 =	vadd.f32 v45, v42;
	v45 =	vmul.f32 v48, v38;
	v48 =	vld [tilespmem:s26+$0x50];
	s26 =	smov.u32 s6  }
0x19a: {  	v46 =	vmul.f32 v46, v37;
	v2 =	vadd.f32 v43, v2;
	v43 =	vld [tilespmem:s20+$0x0]  }
0x19b: {  	v42 =	vadd.f32 v45, v42;
	v45 =	vmul.f32 v49, v33;
	v49 =	vld [tilespmem:s20+$0x10]  }
0x19c: {  	[tilespmem:s25+$0xFFFFFD00] =	vst v2;
	s2 =	spop (v2sf);
	v2 =	vmul.f32 v50, v34;
	v50 =	vld [tilespmem:s20+$0x20]  }
0x19d: {  	v42 =	vadd.f32 v46, v42;
	v46 =	vld [tilespmem:s2+$0x0];
	v41 =	vadd.f32 v45, v41;
	v45 =	vmul.f32 v47, v35  }
0x19e: {  	v47 =	vld [tilespmem:s2+$0x10];
	v48 =	vmul.f32 v48, v36  }
0x19f: {  	[tilespmem:s25+$0xFFFFFB68] =	vst v42;
	v2 =	vadd.f32 v2, v41;
	v41 =	vmul.f32 v43, v23;
	v42 =	vld [tilespmem:s20+$0x30];
	v23 =	vmovc v32;
	v32 =	vmov v39  }
0x1a0: {  	v39 =	vld [tilespmem:s2+$0x20];
	(v2sf) =	vpush v30, $0x4;
	v43 =	vmul.f32 v49, v21;
	v21 =	vmovc v31;
	v31 =	vmov v0  }
0x1a1: {  	v0 =	vld [tilespmem:s4+$0x0];
	v2 =	vadd.f32 v45, v2;
	v45 =	vmul.f32 v50, v22;
	v22 =	vmovc v33;
	v33 =	vmov v40  }
0x1a2: {  	v40 =	vld [tilespmem:s2+$0x30];
	v41 =	vadd.f32 v43, v41  }
0x1a3: {  	v46 =	vmul.f32 v46, v26;
	v43 =	vld [tilespmem:s4+$0x10];
	v47 =	vmul.f32 v47, v27;
	v2 =	vadd.f32 v48, v2  }
0x1a4: {  	v48 =	vld [tilespmem:s2+$0x40];
	v41 =	vadd.f32 v45, v41;
	v42 =	vmul.f32 v42, v19;
	v19 =	vmovc v34;
	v34 =	vmov v44  }
0x1a5: {  	v44 =	vld [tilespmem:s4+$0x20];
	v45 =	vadd.f32 v47, v46;
	v39 =	vmul.f32 v39, v25;
	[tilespmem:s31+$0x168] =	vst v2  }
0x1a6: {  	v0 =	vmul.f32 v0, v32;
	v2 =	vld [tilespmem:s2+$0x50];
	v41 =	vadd.f32 v42, v41  }
0x1a7: {  	v42 =	vld [tilespmem:s4+$0x30];
	v39 =	vadd.f32 v39, v45;
	v40 =	vmul.f32 v40, v24  }
0x1a8: {  	v43 =	vmul.f32 v43, v31;
	v45 =	vld [tilespmem:s4+$0x40]  }
0x1a9: {  	v46 =	vld [tilespmem:s4+$0x50];
	v39 =	vadd.f32 v40, v39;
	v40 =	vmul.f32 v48, v29  }
0x1aa: {  	v0 =	vadd.f32 v43, v0;
	v43 =	vmul.f32 v44, v33;
	v44 =	vld [tilespmem:s24+$0x0]  }
0x1ab: {  	v39 =	vadd.f32 v40, v39;
	v2 =	vmul.f32 v2, v28;
	v40 =	vld [tilespmem:s24+$0x10]  }
0x1ac: {  	v0 =	vadd.f32 v43, v0;
	v42 =	vmul.f32 v42, v34;
	v43 =	vld [tilespmem:s24+$0x20]  }
0x1ad: {  	v45 =	vmul.f32 v45, v38;
	v2 =	vadd.f32 v2, v39;
	v39 =	vld [tilespmem:s24+$0x30]  }
0x1ae: {  	v0 =	vadd.f32 v42, v0;
	v42 =	vmul.f32 v46, v37;
	v46 =	vld [tilespmem:s24+$0x40]  }
0x1af: {  	[tilespmem:s25+$0xFFFFFE80] =	vst v2;
	s2 =	spop (v2sf);
	v2 =	vmul.f32 v44, v23;
	v44 =	vld [tilespmem:s24+$0x50];
	s24 =	smov.u32 s3  }
0x1b0: {  	v0 =	vadd.f32 v45, v0;
	v45 =	vld [tilespmem:s2+$0x0];
	v40 =	vmul.f32 v40, v21  }
0x1b1: {  	v47 =	vld [tilespmem:s2+$0x10];
	v43 =	vmul.f32 v43, v22  }
0x1b2: {  	v0 =	vadd.f32 v42, v0;
	v2 =	vadd.f32 v40, v2;
	v39 =	vmul.f32 v39, v19;
	v40 =	vld [tilespmem:s20+$0x40]  }
0x1b3: {  	v42 =	vld [tilespmem:s2+$0x20];
	(v2sf) =	vpush v30, $0x5;
	v46 =	vmul.f32 v46, v35  }
0x1b4: {  	[tilespmem:s25+$0xFFFFFCE8] =	vst v0;
	v0 =	vadd.f32 v43, v2;
	v2 =	vmul.f32 v44, v36;
	v43 =	vld [tilespmem:s20+$0x50];
	s20 =	smov.u32 s23;
	s23 =	smov.u32 s14  }
0x1b5: {  	v44 =	vld [tilespmem:s2+$0x30]  }
0x1b6: {  	v45 =	vmul.f32 v45, v26;
	v48 =	vld [tilespmem:s10+$0x0];
	v47 =	vmul.f32 v47, v27;
	v0 =	vadd.f32 v39, v0  }
0x1b7: {  	v39 =	vld [tilespmem:s2+$0x40];
	v40 =	vmul.f32 v40, v18;
	v18 =	vmov v35;
	v35 =	vmov v38  }
0x1b8: {  	v49 =	vld [tilespmem:s10+$0x10];
	v38 =	vadd.f32 v47, v45;
	v42 =	vmul.f32 v42, v25;
	v0 =	vadd.f32 v46, v0  }
0x1b9: {  	v45 =	vld [tilespmem:s2+$0x50];
	v40 =	vadd.f32 v40, v41;
	v41 =	vmul.f32 v43, v20;
	v20 =	vmovc v36;
	v36 =	vmov v37  }
0x1ba: {  	v43 =	vld [tilespmem:s10+$0x20];
	v42 =	vadd.f32 v42, v38;
	v44 =	vmul.f32 v44, v24;
	v0 =	vadd.f32 v2, v0  }
.Ltmp2:
0x1bb: {  	v2 =	vmul.f32 v48, v32;
	v38 =	vld [tilespmem:s10+$0x30];
	v40 =	vadd.f32 v41, v40;
	(pc) =	sbr.rel @p0 .LBB2_7-.Ltmp2, $4  }
0x1bc: {  	v37 =	vld [tilespmem:s10+$0x40];
	v41 =	vadd.f32 v44, v42;
	v42 =	vmul.f32 v39, v29;
	[tilespmem:s31+$0x2E8] =	vst v0  }
0x1bd: {  	v44 =	vmul.f32 v49, v31;
	v39 =	vld [tilespmem:s10+$0x50];
	[tilespmem:s19+$0x5E8] =	vst v40;
	s19 =	smov.u32 s31;
	s31 =	smov.u32 s25  }
0x1be: {  	v40 =	vadd.f32 v42, v41;
	v41 =	vmul.f32 v45, v28;
	v0 =	vld [tilespmem:s21+$0x0]  }
0x1bf: {  	s0 =	sadd.s32 $0x20, s0;
	v42 =	vadd.f32 v44, v2;
	v43 =	vmul.f32 v43, v33;
	v2 =	vld [tilespmem:s21+$0x10]  }
0x1c0: {  	_ = 	snop  }
0x1c1: {  	v38 =	vmul.f32 v38, v34;
	v42 =	vadd.f32 v43, v42;
	_ =	sdelay $0x1  }
0x1c2: {  	v37 =	vmul.f32 v37, v35;
	v38 =	vadd.f32 v38, v42;
	_ =	sdelay $0x1  }
0x1c3: {  	v39 =	vmul.f32 v39, v36;
	v37 =	vadd.f32 v37, v38;
	_ =	sdelay $0x1  }
0x1c4: {  	v37 =	vadd.f32 v39, v37;
	_ =	sdelay $0x1  }
0x1c5: {  	[tilespmem:s25+$0xFFFFFE68] =	vst v37  }
0x1c6: {  	v37 =	vld [tilespmem:s30+$0x0]  }
0x1c7: {  	v61 =	vld [tilespmem:s30+$0x10];
	_ =	sdelay $0x1  }
0x1c8: {  	v62 =	vld [tilespmem:s30+$0x20];
	_ =	sdelay $0x1  }
0x1c9: {  	v63 =	vld [tilespmem:s30+$0x30]  }
0x1ca: {  	v37 =	vmul.f32 v37, v32;
	v38 =	vmul.f32 v61, v31  }
0x1cb: {  	v45 =	vld [tilespmem:s30+$0x40]  }
0x1cc: {  	v40 =	vadd.f32 v41, v40;
	v39 =	vmul.f32 v62, v33;
	v37 =	vadd.f32 v38, v37  }
0x1cd: {  	v46 =	vld [tilespmem:s30+$0x50]  }
0x1ce: {  	[tilespmem:s25+$0x0] =	vst v40;
	s0 =	spop (v2sf);
	v47 =	vmul.f32 v63, v34;
	v37 =	vadd.f32 v39, v37  }
0x1cf: {  	v48 =	vld [tilespmem:s0+$0x0]  }
0x1d0: {  	v49 =	vld [tilespmem:s0+$0x10];
	v50 =	vmul.f32 v45, v35;
	v37 =	vadd.f32 v47, v37;
	_ =	sdelay $0x1  }
0x1d1: {  	(v2sf) =	vpush v30, $0x6;
	v51 =	vld [tilespmem:s0+$0x20];
	v38 =	vmul.f32 v46, v36;
	v37 =	vadd.f32 v50, v37;
	_ =	sdelay $0x1  }
0x1d2: {  	v52 =	vld [tilespmem:s0+$0x30];
	v37 =	vadd.f32 v38, v37  }
0x1d3: {  	v55 =	vld [tilespmem:s0+$0x40];
	v53 =	vmul.f32 v48, v26;
	v54 =	vmul.f32 v49, v27  }
0x1d4: {  	v56 =	vld [tilespmem:s0+$0x50];
	[tilespmem:s25+$0xFFFFFFE8] =	vst v37  }
0x1d5: {  	v60 =	vmul.f32 v51, v25;
	v59 =	vadd.f32 v54, v53;
	v61 =	vld [tilespmem:s26+$0x0]  }
0x1d6: {  	v62 =	vld [tilespmem:s26+$0x10]  }
0x1d7: {  	v63 =	vmul.f32 v52, v24;
	v37 =	vadd.f32 v60, v59  }
0x1d8: {  	v45 =	vld [tilespmem:s26+$0x20]  }
0x1d9: {  	v46 =	vmul.f32 v55, v29;
	v37 =	vadd.f32 v63, v37  }
0x1da: {  	v47 =	vmul.f32 v56, v28;
	v48 =	vld [tilespmem:s26+$0x30]  }
0x1db: {  	v37 =	vadd.f32 v46, v37;
	v49 =	vmul.f32 v61, v32;
	v50 =	vmul.f32 v62, v31  }
0x1dc: {  	v51 =	vld [tilespmem:s26+$0x40]  }
0x1dd: {  	v37 =	vadd.f32 v47, v37;
	v52 =	vmul.f32 v45, v33;
	v38 =	vadd.f32 v50, v49  }
0x1de: {  	v53 =	vld [tilespmem:s26+$0x50]  }
0x1df: {  	s14 =	spop (v2sf);
	v54 =	vmul.f32 v48, v34;
	[tilespmem:s25+$0x180] =	vst v37;
	v38 =	vadd.f32 v52, v38  }
0x1e0: {  	v55 =	vld [tilespmem:s14+$0x0]  }
0x1e1: {  	v40 =	vmul.f32 v51, v35;
	v56 =	vld [tilespmem:s14+$0x10];
	v37 =	vadd.f32 v54, v38;
	_ =	sdelay $0x1  }
0x1e2: {  	(v2sf) =	vpush v30, $0x7;
	v41 =	vmul.f32 v53, v36;
	v59 =	vld [tilespmem:s14+$0x20];
	v37 =	vadd.f32 v40, v37;
	_ =	sdelay $0x1  }
0x1e3: {  	v60 =	vld [tilespmem:s14+$0x30];
	v37 =	vadd.f32 v41, v37  }
0x1e4: {  	v62 =	vld [tilespmem:s14+$0x40];
	v39 =	vmul.f32 v55, v26;
	v61 =	vmul.f32 v56, v27  }
0x1e5: {  	v63 =	vld [tilespmem:s14+$0x50];
	[tilespmem:s31+$0x168] =	vst v37  }
0x1e6: {  	v38 =	vmul.f32 v59, v25;
	v45 =	vadd.f32 v61, v39;
	v46 =	vld [tilespmem:s24+$0x0]  }
0x1e7: {  	v47 =	vld [tilespmem:s24+$0x10]  }
0x1e8: {  	v48 =	vmul.f32 v60, v24;
	v37 =	vadd.f32 v38, v45  }
0x1e9: {  	v49 =	vld [tilespmem:s24+$0x20]  }
0x1ea: {  	v50 =	vmul.f32 v62, v29;
	v37 =	vadd.f32 v48, v37  }
0x1eb: {  	v51 =	vmul.f32 v63, v28;
	v52 =	vld [tilespmem:s24+$0x30]  }
0x1ec: {  	v37 =	vadd.f32 v50, v37;
	v53 =	vmul.f32 v46, v32;
	v54 =	vmul.f32 v47, v31  }
0x1ed: {  	v55 =	vld [tilespmem:s24+$0x40]  }
0x1ee: {  	v44 =	vld [tilespmem:s21+$0x30];
	v37 =	vadd.f32 v51, v37;
	v40 =	vmul.f32 v49, v33;
	v38 =	vadd.f32 v54, v53  }
0x1ef: {  	v56 =	vld [tilespmem:s24+$0x50]  }
0x1f0: {  	v63 =	vld [tilespmem:s21+$0x20];
	s24 =	spop (v2sf);
	v59 =	vmul.f32 v52, v34;
	[tilespmem:s25+$0x300] =	vst v37;
	v38 =	vadd.f32 v40, v38  }
0x1f1: {  	v60 =	vld [tilespmem:s24+$0x0]  }
0x1f2: {  	v41 =	vmul.f32 v55, v35;
	v61 =	vld [tilespmem:s24+$0x10];
	v37 =	vadd.f32 v59, v38  }
0x1f3: {  	v0 =	vmul.f32 v0, v23;
	v2 =	vmul.f32 v2, v21;
	v45 =	vld [tilespmem:s21+$0x40]  }
0x1f4: {  	(v2sf) =	vpush v30, $0x8;
	v30 =	vmul.f32 v56, v36;
	v62 =	vld [tilespmem:s24+$0x20];
	v37 =	vadd.f32 v41, v37  }
0x1f5: {  	v0 =	vadd.f32 v2, v0;
	v2 =	vmul.f32 v63, v22;
	v63 =	vld [tilespmem:s21+$0x50]  }
0x1f6: {  	v48 =	vld [tilespmem:s24+$0x30];
	v30 =	vadd.f32 v30, v37  }
0x1f7: {  	v51 =	vld [tilespmem:s24+$0x40];
	v49 =	vmul.f32 v60, v26;
	v50 =	vmul.f32 v61, v27  }
0x1f8: {  	v52 =	vld [tilespmem:s24+$0x50];
	[tilespmem:s31+$0x2E8] =	vst v30  }
0x1f9: {  	v53 =	vmul.f32 v62, v25;
	v30 =	vadd.f32 v50, v49;
	v54 =	vld [tilespmem:s29+$0x0]  }
0x1fa: {  	v0 =	vadd.f32 v2, v0;
	v2 =	vmul.f32 v44, v19;
	v55 =	vld [tilespmem:s29+$0x10]  }
0x1fb: {  	v56 =	vmul.f32 v48, v24;
	v30 =	vadd.f32 v53, v30  }
0x1fc: {  	v0 =	vadd.f32 v2, v0;
	v2 =	vmul.f32 v45, v18;
	v59 =	vld [tilespmem:s29+$0x20]  }
0x1fd: {  	v60 =	vmul.f32 v51, v29;
	v30 =	vadd.f32 v56, v30  }
0x1fe: {  	v0 =	vadd.f32 v2, v0;
	v61 =	vmul.f32 v52, v28;
	v52 =	vmul.f32 v63, v20;
	v62 =	vld [tilespmem:s29+$0x30]  }
0x1ff: {  	v30 =	vadd.f32 v60, v30;
	v46 =	vmul.f32 v54, v32;
	v47 =	vmul.f32 v55, v31  }
0x200: {  	v0 =	vadd.f32 v52, v0;
	v48 =	vld [tilespmem:s29+$0x40]  }
0x201: {  	v49 =	vmul.f32 v59, v33;
	v30 =	vadd.f32 v61, v30;
	v37 =	vadd.f32 v47, v46  }
0x202: {  	[tilespmem:s19+$0x468] =	vst v0;
	v50 =	vld [tilespmem:s29+$0x50]  }
0x203: {  	v51 =	vmul.f32 v62, v34;
	[tilespmem:s31+$0x480] =	vst v30;
	v30 =	vadd.f32 v49, v37  }
0x204: {  	v62 =	vld [tilespmem:s20+$0x10]  }
0x205: {  	s25 =	spop (v2sf);
	v54 =	vmul.f32 v48, v35;
	v61 =	vld [tilespmem:s20+$0x0];
	v30 =	vadd.f32 v51, v30  }
0x206: {  	v2 =	vld [tilespmem:s25+$0x0]  }
0x207: {  	v59 =	vmul.f32 v50, v36;
	v53 =	vld [tilespmem:s25+$0x10];
	v30 =	vadd.f32 v54, v30  }
0x208: {  	v55 =	vld [tilespmem:s25+$0x20]  }
0x209: {  	v56 =	vld [tilespmem:s25+$0x30];
	v30 =	vadd.f32 v59, v30  }
0x20a: {  	v60 =	vld [tilespmem:s25+$0x40]  }
0x20b: {  	v0 =	vld [tilespmem:s25+$0x50];
	[tilespmem:s31+$0x468] =	vst v30  }
0x20c: {  	v30 =	vld [tilespmem:s23+$0x0]  }
0x20d: {  	v63 =	vld [tilespmem:s23+$0x10]  }
0x20e: {  	v2 =	vmul.f32 v2, v26;
	v26 =	vmul.f32 v53, v27;
	v27 =	vld [tilespmem:s20+$0x20]  }
0x20f: {  	v44 =	vld [tilespmem:s23+$0x20]  }
0x210: {  	v21 =	vmul.f32 v62, v21;
	v25 =	vmul.f32 v55, v25;
	v2 =	vadd.f32 v26, v2;
	v26 =	vld [tilespmem:s20+$0x30]  }
0x211: {  	v23 =	vmul.f32 v61, v23;
	v24 =	vmul.f32 v56, v24;
	v45 =	vld [tilespmem:s23+$0x30]  }
0x212: {  	v2 =	vadd.f32 v25, v2;
	v25 =	vld [tilespmem:s20+$0x40];
	v30 =	vmul.f32 v30, v32;
	v31 =	vmul.f32 v63, v31  }
0x213: {  	v21 =	vadd.f32 v21, v23;
	v23 =	vld [tilespmem:s23+$0x40];
	v22 =	vmul.f32 v27, v22  }
0x214: {  	v2 =	vadd.f32 v24, v2;
	v24 =	vld [tilespmem:s20+$0x50];
	v27 =	vmul.f32 v44, v33;
	v30 =	vadd.f32 v31, v30  }
0x215: {  	v21 =	vadd.f32 v22, v21;
	v19 =	vmul.f32 v26, v19;
	v22 =	vld [tilespmem:s23+$0x50]  }
0x216: {  	v29 =	vmul.f32 v60, v29;
	v26 =	vadd.f32 v27, v30;
	v27 =	vmul.f32 v45, v34  }
0x217: {  	v0 =	vmul.f32 v0, v28;
	v19 =	vadd.f32 v19, v21;
	v18 =	vmul.f32 v25, v18  }
0x218: {  	v2 =	vadd.f32 v29, v2;
	v23 =	vmul.f32 v23, v35;
	v21 =	vadd.f32 v27, v26  }
0x219: {  	v18 =	vadd.f32 v18, v19;
	v19 =	vmul.f32 v24, v20  }
0x21a: {  	v0 =	vadd.f32 v0, v2;
	v20 =	vmul.f32 v22, v36;
	v2 =	vadd.f32 v23, v21  }
0x21b: {  	v18 =	vadd.f32 v19, v18  }
0x21c: {  	[tilespmem:s31+$0x600] =	vst v0;
	v0 =	vadd.f32 v20, v2  }
0x21d: {  	[tilespmem:s19+$0x5E8] =	vst v18  }
0x21e: {  	s26 =	simm.s32 $0x0;
	[tilespmem:s31+$0x5E8] =	vst v0  }
0x21f: {  	v0 =	vmov s26;
	v19 =	vld [tilespmem:s22+$0x18000]  }
0x220: {  	s28 =	simm.s32 $0x0;
	v20 =	vld [tilespmem:s22+$0x18400];
	v0 =	vmul.u32 $0x18, v0  }
0x221: {  	s0 =	sor.u32 s22, s28;
	s30 =	simm.s32 $0x400;
	v21 =	vld [tilespmem:s22+$0x18800]  }
0x222: {  	v2 =	vor.u32 s0, v1;
	s0 =	sor.u32 s22, s30;
	v22 =	vld [tilespmem:s22+$0x18C00];
	v0 =	vbroadcast v0, $0x0  }
0x223: {  	v55 =	vor.u32 s0, v1;
	v24 =	vld [tilespmem:s22+$0x19000]  }
0x224: {  	v25 =	vld [tilespmem:s22+$0x19400];
	v27 =	vadd.s32 v3, v0  }
0x225: {  	v26 =	vld [tilespmem:s22+$0x19800];
	v28 =	vadd.s32 v5, v0  }
0x226: {  	v23 =	vld [tilespmem:s22+$0x19C00]  }
0x227: {  	v2 =	vld.idx.msk [tilespmem:v2+s9+$0x0], $0xffff;
	v29 =	vadd.s32 v6, v0  }
0x228: {  	v39 =	vld.idx.msk [tilespmem:v55+s9+$0x0], $0xffff;
	v30 =	vadd.s32 v7, v0  }
0x229: {  	v31 =	vadd.s32 v8, v0;
	v46 =	vld.idx.msk [tilespmem:v27+s11+$0x0], $0xffff  }
0x22a: {  	v47 =	vadd.s32 v9, v0;
	v28 =	vld.idx.msk [tilespmem:v28+s11+$0x0], $0xffff  }
0x22b: {  	v48 =	vadd.s32 v11, v0;
	v27 =	vld [tilespmem:s22+$0x1E400]  }
0x22c: {  	v29 =	vld.idx.msk [tilespmem:v29+s11+$0x0], $0xffff  }
0x22d: {  	s29 =	simm.s32 $0x10;
	v51 =	vadd.s32 v57, v0;
	v30 =	vld.idx.msk [tilespmem:v30+s11+$0x0], $0xffff  }
0x22e: {  	v50 =	vmov s29;
	v52 =	vadd.s32 v10, v0;
	v31 =	vld.idx.msk [tilespmem:v31+s11+$0x0], $0xffff  }
0x22f: {  	v36 =	vmul.u32 $0x18, v50;
	v62 =	vadd.s32 v14, v0;
	v53 =	vld.idx.msk [tilespmem:v47+s11+$0x0], $0xffff  }
0x230: {  	v61 =	vadd.s32 v13, v0;
	v34 =	vld.idx.msk [tilespmem:v48+s11+$0x0], $0xffff;
	v28 =	vadd.f32 v28, v46  }
0x231: {  	v36 =	vbroadcast v36, $0x0;
	v2 =	vld.idx.msk [tilespmem:v2+s12+$0x0], $0xffff  }
0x232: {  	v54 =	vadd.s32 v58, v0;
	v37 =	vld.idx.msk [tilespmem:v51+s11+$0x0], $0xffff;
	v28 =	vadd.f32 v29, v28  }
0x233: {  	v38 =	vld.idx.msk [tilespmem:v52+s11+$0x0], $0xffff;
	v29 =	vadd.s32 v3, v36  }
0x234: {  	v56 =	vadd.s32 v6, v36;
	v43 =	vld.idx.msk [tilespmem:v62+s11+$0x0], $0xffff;
	v28 =	vadd.f32 v30, v28  }
0x235: {  	v42 =	vld.idx.msk [tilespmem:v61+s11+$0x0], $0xffff;
	v30 =	vadd.s32 v5, v36  }
0x236: {  	v59 =	vadd.s32 v12, v0;
	v39 =	vld.idx.msk [tilespmem:v39+s12+$0x0], $0xffff;
	v2 =	vmul.f32 v2, v27;
	v28 =	vadd.f32 v31, v28  }
0x237: {  	v60 =	vadd.s32 v7, v36;
	v50 =	vadd.s32 v10, v36;
	v49 =	vadd.s32 v15, v0;
	v31 =	vld.idx.msk [tilespmem:v54+s11+$0x0], $0xffff  }
0x238: {  	v55 =	vadd.s32 v9, v36;
	v2 =	vmax.f32 v2, $1.000000020e-16;
	v63 =	vld.idx.msk [tilespmem:v29+s11+$0x0], $0xffff;
	v28 =	vadd.f32 v53, v28  }
0x239: {  	s3 =	simm.s32 $0x20;
	v44 =	vadd.s32 v16, v0;
	v46 =	vmul.f32 $5.000000000e-01, v2;
	v29 =	vshra.s32 v2, $0x1;
	v2 =	vld.idx.msk [tilespmem:v56+s11+$0x0], $0xffff  }
0x23a: {  	v0 =	vadd.s32 v17, v0;
	v61 =	vmov s3;
	v30 =	vld.idx.msk [tilespmem:v30+s11+$0x0], $0xffff;
	v28 =	vadd.f32 v37, v28  }
0x23b: {  	v62 =	vmul.u32 $0x18, v61;
	v54 =	vadd.s32 v8, v36;
	v56 =	vld.idx.msk [tilespmem:v59+s11+$0x0], $0xffff;
	v59 =	vsub.s32 $0x5F3759DF, v29  }
0x23c: {  	v35 =	vld.idx.msk [tilespmem:v49+s11+$0x0], $0xffff;
	v47 =	vadd.s32 v57, v36;
	v29 =	vadd.f32 v31, v28;
	v31 =	vmul.f32 v59, v46  }
0x23d: {  	v48 =	vld.idx.msk [tilespmem:v60+s11+$0x0], $0xffff;
	v49 =	vadd.s32 v58, v36;
	v60 =	vadd.s32 v11, v36;
	v33 =	vbroadcast v62, $0x0  }
0x23e: {  	v18 =	vld [tilespmem:s22+$0x1A000];
	v51 =	vadd.s32 v15, v36;
	v38 =	vadd.f32 v38, v29;
	v31 =	vmul.f32 v59, v31  }
0x23f: {  	v52 =	vld.idx.msk [tilespmem:v55+s11+$0x0], $0xffff;
	v61 =	vadd.s32 v3, v33;
	v39 =	vmul.f32 v39, v27;
	v30 =	vadd.f32 v30, v63  }
0x240: {  	s31 =	simm.s32 $0x800;
	v55 =	vadd.s32 v5, v33;
	v45 =	vld.idx.msk [tilespmem:v54+s11+$0x0], $0xffff;
	v34 =	vadd.f32 v34, v38;
	v31 =	vsub.f32 $1.500000000e+00, v31  }
0x241: {  	s0 =	sor.u32 s22, s31;
	v41 =	vld.idx.msk [tilespmem:v44+s11+$0x0], $0xffff;
	v39 =	vmax.f32 v39, $1.000000020e-16;
	v37 =	vadd.s32 v57, v33;
	v53 =	vadd.f32 v2, v30  }
0x242: {  	v32 =	vld.idx.msk [tilespmem:v60+s11+$0x0], $0xffff;
	v38 =	vor.u32 s0, v1;
	v40 =	vadd.f32 v56, v34;
	v54 =	vmul.f32 v59, v31  }
0x243: {  	v47 =	vld.idx.msk [tilespmem:v47+s11+$0x0], $0xffff;
	v28 =	vadd.s32 v12, v36;
	v29 =	vadd.s32 v13, v36;
	v31 =	vadd.f32 v48, v53  }
0x244: {  	v30 =	vadd.s32 v14, v36;
	v34 =	vld.idx.msk [tilespmem:v0+s11+$0x0], $0xffff;
	v63 =	vadd.f32 v42, v40;
	v60 =	vmul.f32 v54, v46  }
0x245: {  	v2 =	vadd.s32 v16, v36;
	v0 =	vadd.s32 v17, v36;
	v56 =	vadd.f32 v45, v31;
	v31 =	vld.idx.msk [tilespmem:v51+s11+$0x0], $0xffff  }
0x246: {  	v48 =	vadd.s32 v6, v33;
	v40 =	vld.idx.msk [tilespmem:v50+s11+$0x0], $0xffff;
	v36 =	vadd.f32 v43, v63;
	v62 =	vmul.f32 v60, v54  }
0x247: {  	v46 =	vadd.s32 v7, v33;
	v42 =	vadd.s32 v9, v33;
	v44 =	vld.idx.msk [tilespmem:v38+s9+$0x0], $0xffff;
	v38 =	vadd.s32 v10, v33  }
0x248: {  	v45 =	vld.idx.msk [tilespmem:v49+s11+$0x0], $0xffff;
	v43 =	vadd.s32 v8, v33;
	v35 =	vadd.f32 v35, v36;
	v63 =	vsub.f32 $1.500000000e+00, v62  }
0x249: {  	v49 =	vld.idx.msk [tilespmem:v61+s11+$0x0], $0xffff;
	v50 =	vadd.f32 v52, v56;
	v52 =	vshra.s32 v39, $0x1;
	v36 =	vadd.s32 v58, v33  }
0x24a: {  	s5 =	simm.s32 $0x3;
	s1 =	simm.s32 $0x1F980;
	s0 =	simm.s32 $0x1F980;
	v51 =	vld.idx.msk [tilespmem:v55+s11+$0x0], $0xffff;
	v41 =	vadd.f32 v41, v35;
	v35 =	vmul.f32 $5.000000000e-01, v39;
	v39 =	vmul.f32 v63, v54  }
.LBB2_9:
0x24b: {  	s4 =	smov.u32 s5  }
0x24c: {  	s2 =	sshll.u32 s5, $0xA;
	v48 =	vld.idx.msk [tilespmem:v48+s11+$0x0], $0xffff;
	v53 =	vadd.s32 v11, v33;
	v54 =	vadd.s32 v12, v33;
	v47 =	vadd.f32 v47, v50;
	s0 =	sadd.s32 $0x18, s0;
	s4 =	sadd.s32 $0x1, s5  }
0x24d: {  	p0 =	sne.s32 s5, $0x8;
	v50 =	vadd.s32 v13, v33;
	v52 =	vsub.s32 $0x5F3759DF, v52;
	v34 =	vadd.f32 v34, v41;
	s2 =	sor.u32 s22, s2;
	v55 =	vld.idx.msk [tilespmem:v28+s11+$0x0], $0xffff;
	v28 =	vmovc v54  }
0x24e: {  	v41 =	vor.u32 s2, v1;
	v45 =	vadd.f32 v45, v47;
	v47 =	vmul.f32 v52, v35;
	v46 =	vld.idx.msk [tilespmem:v46+s11+$0x0], $0xffff  }
0x24f: {  	v54 =	vadd.s32 v15, v33;
	v34 =	vmul.f32 v39, v34;
	v56 =	vld.idx.msk [tilespmem:v30+s11+$0x0], $0xffff;
	v30 =	vadd.s32 v14, v33  }
0x250: {  	v39 =	vadd.s32 v16, v33;
	v40 =	vadd.f32 v40, v45;
	v47 =	vmul.f32 v52, v47;
	v45 =	vld.idx.msk [tilespmem:v29+s11+$0x0], $0xffff  }
0x251: {  	s3 =	sadd.s32 $0x10, s3;
	v49 =	vadd.f32 v51, v49;
	v51 =	vadd.s32 v17, v33;
	v29 =	vmov v50;
	v43 =	vld.idx.msk [tilespmem:v43+s11+$0x0], $0xffff;
	[tilespmem:s1+$0x0] =	vst v34;
	s1 =	smov.u32 s0  }
0x252: {  	v33 =	vmov s3;
	v34 =	vadd.f32 v32, v40;
	v40 =	vsub.f32 $1.500000000e+00, v47;
	v50 =	vld.idx.msk [tilespmem:v42+s11+$0x0], $0xffff  }
0x253: {  	v33 =	vmul.u32 $0x18, v33;
	v42 =	vadd.f32 v48, v49;
	v44 =	vld.idx.msk [tilespmem:v44+s12+$0x0], $0xffff  }
0x254: {  	v47 =	vadd.f32 v55, v34;
	v32 =	vld.idx.msk [tilespmem:v53+s11+$0x0], $0xffff;
	v53 =	vmul.f32 v52, v40  }
0x255: {  	v33 =	vbroadcast v33, $0x0;
	v40 =	vadd.f32 v46, v42;
	v34 =	vld.idx.msk [tilespmem:v0+s11+$0x0], $0xffff;
	v0 =	vmov v51  }
0x256: {  	v42 =	vadd.f32 v45, v47;
	v51 =	vld.idx.msk [tilespmem:v2+s11+$0x0], $0xffff;
	v35 =	vmul.f32 v53, v35;
	v2 =	vmov v39  }
0x257: {  	v52 =	vadd.s32 v5, v33;
	v39 =	vadd.s32 v3, v33;
	v49 =	vadd.f32 v43, v40;
	v54 =	vld.idx.msk [tilespmem:v54+s11+$0x0], $0xffff  }
0x258: {  	v48 =	vadd.s32 v6, v33;
	v46 =	vadd.s32 v7, v33;
	v55 =	vadd.f32 v56, v42;
	v47 =	vld.idx.msk [tilespmem:v37+s11+$0x0], $0xffff  }
.Ltmp3:
0x259: {  	v43 =	vadd.s32 v8, v33;
	v42 =	vadd.s32 v9, v33;
	v35 =	vmul.f32 v35, v53;
	v40 =	vld.idx.msk [tilespmem:v38+s11+$0x0], $0xffff;
	(pc) =	sbr.rel @p0 .LBB2_9-.Ltmp3, $4  }
0x25a: {  	v37 =	vadd.s32 v57, v33;
	v56 =	vmul.f32 v44, v27;
	v4 =	vadd.f32 v31, v55;
	v45 =	vld.idx.msk [tilespmem:v36+s11+$0x0], $0xffff  }
0x25b: {  	v50 =	vadd.f32 v50, v49;
	v36 =	vadd.s32 v58, v33;
	v55 =	vsub.f32 $1.500000000e+00, v35;
	v44 =	vld.idx.msk [tilespmem:v41+s9+$0x0], $0xffff  }
0x25c: {  	v38 =	vadd.s32 v10, v33;
	v35 =	vmax.f32 v56, $1.000000020e-16;
	v41 =	vadd.f32 v51, v4;
	v49 =	vld.idx.msk [tilespmem:v39+s11+$0x0], $0xffff  }
0x25d: {  	s5 =	smov.u32 s4;
	v39 =	vmul.f32 v55, v53;
	v31 =	vmovc v54;
	v51 =	vld.idx.msk [tilespmem:v52+s11+$0x0], $0xffff;
	v52 =	vshra.s32 v35, $0x1;
	v35 =	vmul.f32 $5.000000000e-01, v35  }
0x25e: {  	_ =	sdelay $0x3  }
0x25f: {  	v48 =	vld.idx.msk [tilespmem:v48+s11+$0x0], $0xffff;
	_ =	sdelay $0x1  }
0x260: {  	v46 =	vld.idx.msk [tilespmem:v46+s11+$0x0], $0xffff  }
0x261: {  	v49 =	vadd.f32 v51, v49  }
0x262: {  	v43 =	vld.idx.msk [tilespmem:v43+s11+$0x0], $0xffff  }
0x263: {  	v48 =	vadd.f32 v48, v49  }
0x264: {  	v42 =	vld.idx.msk [tilespmem:v42+s11+$0x0], $0xffff  }
0x265: {  	v44 =	vld.idx.msk [tilespmem:v44+s12+$0x0], $0xffff;
	v46 =	vadd.f32 v46, v48  }
0x266: {  	v37 =	vld.idx.msk [tilespmem:v37+s11+$0x0], $0xffff  }
0x267: {  	v62 =	vadd.s32 v11, v33;
	v43 =	vadd.f32 v43, v46  }
0x268: {  	v36 =	vld.idx.msk [tilespmem:v36+s11+$0x0], $0xffff;
	v51 =	vadd.f32 v47, v50  }
0x269: {  	v63 =	vadd.s32 v12, v33;
	v42 =	vadd.f32 v42, v43  }
0x26a: {  	v38 =	vld.idx.msk [tilespmem:v38+s11+$0x0], $0xffff;
	v53 =	vadd.f32 v45, v51;
	v27 =	vmul.f32 v44, v27  }
0x26b: {  	v54 =	vadd.s32 v14, v33;
	v28 =	vld.idx.msk [tilespmem:v28+s11+$0x0], $0xffff;
	v44 =	vadd.s32 v13, v33;
	v37 =	vadd.f32 v37, v42  }
0x26c: {  	v47 =	vsub.s32 $0x5F3759DF, v52;
	v55 =	vld.idx.msk [tilespmem:v62+s11+$0x0], $0xffff;
	v40 =	vadd.f32 v40, v53;
	v27 =	vmax.f32 v27, $1.000000020e-16  }
0x26d: {  	v29 =	vld.idx.msk [tilespmem:v29+s11+$0x0], $0xffff;
	v56 =	vshra.s32 v27, $0x1;
	v27 =	vmul.f32 $5.000000000e-01, v27;
	v36 =	vadd.f32 v36, v37  }
0x26e: {  	v59 =	vmul.f32 v47, v35;
	v60 =	vld.idx.msk [tilespmem:v63+s11+$0x0], $0xffff;
	v32 =	vadd.f32 v32, v40;
	v61 =	vsub.s32 $0x5F3759DF, v56  }
0x26f: {  	v30 =	vld.idx.msk [tilespmem:v30+s11+$0x0], $0xffff;
	v62 =	vadd.s32 v15, v33;
	v63 =	vmul.f32 v61, v27;
	v36 =	vadd.f32 v38, v36  }
0x270: {  	v51 =	vld.idx.msk [tilespmem:v44+s11+$0x0], $0xffff;
	v28 =	vadd.f32 v28, v32;
	v37 =	vmul.f32 v47, v59  }
0x271: {  	v52 =	vadd.s32 v16, v33;
	v53 =	vmul.f32 v61, v63;
	v36 =	vadd.f32 v55, v36  }
0x272: {  	v54 =	vld.idx.msk [tilespmem:v54+s11+$0x0], $0xffff;
	v28 =	vadd.f32 v29, v28;
	v37 =	vsub.f32 $1.500000000e+00, v37  }
0x273: {  	v2 =	vld.idx.msk [tilespmem:v2+s11+$0x0], $0xffff;
	v56 =	vsub.f32 $1.500000000e+00, v53;
	v55 =	vadd.s32 v17, v33;
	v36 =	vadd.f32 v60, v36  }
0x274: {  	v59 =	vld.idx.msk [tilespmem:v62+s11+$0x0], $0xffff;
	v37 =	vmul.f32 v47, v37  }
0x275: {  	v28 =	vadd.f32 v30, v28;
	v60 =	vmul.f32 v61, v56;
	v36 =	vadd.f32 v51, v36  }
0x276: {  	v62 =	vld.idx.msk [tilespmem:v52+s11+$0x0], $0xffff;
	v61 =	vmul.f32 v37, v35  }
0x277: {  	v0 =	vld.idx.msk [tilespmem:v0+s11+$0x0], $0xffff;
	v28 =	vadd.f32 v31, v28;
	v27 =	vmul.f32 v60, v27;
	v32 =	vadd.f32 v54, v36  }
0x278: {  	v35 =	vmul.f32 v61, v37;
	v63 =	vld.idx.msk [tilespmem:v55+s11+$0x0], $0xffff  }
0x279: {  	v2 =	vadd.f32 v2, v28;
	v27 =	vmul.f32 v27, v60;
	v29 =	vadd.f32 v59, v32  }
0x27a: {  	v36 =	vadd.f32 v34, v41;
	v38 =	vsub.f32 $1.500000000e+00, v35  }
0x27b: {  	v27 =	vsub.f32 $1.500000000e+00, v27;
	v40 =	vadd.f32 v62, v29  }
0x27c: {  	v0 =	vadd.f32 v0, v2;
	v41 =	vmul.f32 v38, v37  }
0x27d: {  	v2 =	vmul.f32 v39, v36;
	v27 =	vmul.f32 v27, v60;
	v28 =	vadd.f32 v63, v40  }
0x27e: {  	v0 =	vmul.f32 v41, v0  }
0x27f: {  	s0 =	sadd.s32 $0x18, s0;
	[tilespmem:s1+$0x0] =	vst v2;
	v2 =	vmul.f32 v27, v28  }
0x280: {  	s31 =	sadd.s32 $0x18, s0;
	[tilespmem:s0+$0x0] =	vst v0  }
0x281: {  	[tilespmem:s31+$0x0] =	vst v2  }
0x282: {  	v0 =	vld [tilespmem:$0x1F980]  }
0x283: {  	v2 =	vld [tilespmem:$0x1F998]  }
0x284: {  	v43 =	vld [tilespmem:$0x1F9B0]  }
0x285: {  	v44 =	vld [tilespmem:$0x1F9C8]  }
0x286: {  	v45 =	vld [tilespmem:$0x1F9E0]  }
0x287: {  	v46 =	vld [tilespmem:$0x1F9F8]  }
0x288: {  	v47 =	vld [tilespmem:$0x1FA10];
	v48 =	vmax.f32 v0, v2  }
0x289: {  	v49 =	vld [tilespmem:$0x1FA28];
	v32 =	vmax.f32 v48, v43  }
0x28a: {  	v50 =	vld [tilespmem:$0x1FA40];
	v32 =	vmax.f32 v32, v44  }
0x28b: {  	v32 =	vmax.f32 v32, v45  }
0x28c: {  	v32 =	vmax.f32 v32, v46  }
0x28d: {  	v32 =	vmax.f32 v32, v47  }
0x28e: {  	v32 =	vmax.f32 v32, v49  }
0x28f: {  	v32 =	vmax.f32 v32, v50  }
0x290: {  	v0 =	vsub.f32 v0, v32  }
0x291: {  	v2 =	vsub.f32 v2, v32  }
0x292: {  	v0 =	vmul.f32 $1.442695020e+00, v0  }
0x293: {  	v27 =	vsub.f32 v43, v32;
	v2 =	vmul.f32 $1.442695020e+00, v2  }
0x294: {  	(erf) = vpow2.f32 v0  }
0x295: {  	v0 =	vmul.f32 $1.442695020e+00, v27;
	(erf) = vpow2.f32 v2;
	v2 =	vsub.f32 v44, v32;
	_ =	sdelay $0x1  }
0x296: {  	(erf) = vpow2.f32 v0;
	v0 =	vmul.f32 $1.442695020e+00, v2;
	v2 =	vsub.f32 v45, v32;
	_ =	sdelay $0x1  }
0x297: {  	(erf) = vpow2.f32 v0;
	v0 =	vmul.f32 $1.442695020e+00, v2;
	v2 =	vsub.f32 v46, v32  }
0x298: {  	v51 =	vsub.f32 v47, v32  }
0x299: {  	(erf) = vpow2.f32 v0;
	v0 =	vmul.f32 $1.442695020e+00, v2  }
0x29a: {  	v2 =	vmul.f32 $1.442695020e+00, v51  }
0x29b: {  	v52 =	vpop (erf);
	(erf) = vpow2.f32 v0;
	v0 =	vsub.f32 v49, v32  }
0x29c: {  	v53 =	vpop (erf);
	(erf) = vpow2.f32 v2  }
0x29d: {  	v2 =	vsub.f32 v50, v32;
	v0 =	vmul.f32 $1.442695020e+00, v0;
	v54 =	vadd.f32 v53, v52  }
0x29e: {  	v55 =	vpop (erf)  }
0x29f: {  	(erf) = vpow2.f32 v0;
	v0 =	vmul.f32 $1.442695020e+00, v2;
	v2 =	vadd.f32 v54, v55;
	_ =	sdelay $0x1  }
0x2a0: {  	v56 =	vpop (erf)  }
0x2a1: {  	(erf) = vpow2.f32 v0;
	v0 =	vadd.f32 v2, v56  }
0x2a2: {  	v2 =	vpop (erf)  }
0x2a3: {  	v0 =	vadd.f32 v0, v2  }
0x2a4: {  	v59 =	vpop (erf)  }
0x2a5: {  	v0 =	vadd.f32 v0, v59  }
0x2a6: {  	v60 =	vpop (erf)  }
0x2a7: {  	v0 =	vadd.f32 v0, v60  }
0x2a8: {  	v61 =	vpop (erf)  }
0x2a9: {  	v0 =	vadd.f32 v0, v61  }
0x2aa: {  	v62 =	vpop (erf)  }
0x2ab: {  	v0 =	vadd.f32 v0, v62;
	_ =	sdelay $0x1  }
0x2ac: {  	(erf) = vrcp.f32 v0;
	_ =	sdelay $0x8  }
0x2ad: {  	v0 =	vpop (erf)  }
0x2ae: {  	v27 =	vmul.f32 v0, v52  }
0x2af: {  	v28 =	vmul.f32 v0, v53  }
0x2b0: {  	[tilespmem:v19+s13+$0x0] =	vst.idx.add.f32.msk $0xffff, v27;
	v19 =	vmul.f32 v0, v55  }
0x2b1: {  	v63 =	vmul.f32 v0, v56;
	[tilespmem:v20+s13+$0x0] =	vst.idx.add.f32.msk $0xffff, v28  }
0x2b2: {  	s16 =	sadd.s32 $0x1, s16;
	v2 =	vmul.f32 v0, v2;
	[tilespmem:v21+s13+$0x0] =	vst.idx.add.f32.msk $0xffff, v19  }
0x2b3: {  	p0 =	sne.s32 s16, $0x40;
	v19 =	vmul.f32 v0, v59;
	[tilespmem:v22+s13+$0x0] =	vst.idx.add.f32.msk $0xffff, v63  }
.Ltmp4:
0x2b4: {  	[tilespmem:v24+s13+$0x0] =	vst.idx.add.f32.msk $0xffff, v2;
	v2 =	vmul.f32 v0, v60;
	(pc) =	sbr.rel @p0 .LBB2_6-.Ltmp4, $4  }
0x2b5: {  	[tilespmem:v25+s13+$0x0] =	vst.idx.add.f32.msk $0xffff, v19;
	v19 =	vmul.f32 v0, v61  }
0x2b6: {  	v0 =	vmul.f32 v0, v62;
	[tilespmem:v26+s13+$0x0] =	vst.idx.add.f32.msk $0xffff, v2  }
0x2b7: {  	[tilespmem:v23+s13+$0x0] =	vst.idx.add.f32.msk $0xffff, v19  }
0x2b8: {  	s17 =	sadd.s32 $0x100, s17;
	s18 =	sadd.s32 $0x600, s18;
	[tilespmem:v18+s13+$0x0] =	vst.idx.add.f32.msk $0xffff, v0  }
0x2b9: {  	s16 =	simm.s32 $0x300  }
0x2ba: {  	v0 =	vld [tilespmem:s16+$0x2A0]  }
0x2bb: {  	v2 =	vld [tilespmem:s16+$0x2B0]  }
0x2bc: {  	v21 =	vld [tilespmem:s16+$0x2C0]  }
0x2bd: {  	v23 =	vld [tilespmem:s16+$0x2D0]  }
0x2be: {  	v25 =	vld [tilespmem:s16+$0x240]  }
0x2bf: {  	v26 =	vld [tilespmem:s16+$0x250]  }
0x2c0: {  	v28 =	vld [tilespmem:s16+$0x260]  }
0x2c1: {  	v29 =	vld [tilespmem:s16+$0x270]  }
0x2c2: {  	v32 =	vld [tilespmem:s16+$0x1E0]  }
0x2c3: {  	v33 =	vld [tilespmem:s16+$0x1F0]  }
0x2c4: {  	v37 =	vld [tilespmem:s16+$0x200]  }
0x2c5: {  	v39 =	vld [tilespmem:s16+$0x210]  }
0x2c6: {  	v41 =	vld [tilespmem:s16+$0x180]  }
0x2c7: {  	v44 =	vld [tilespmem:s16+$0x190]  }
0x2c8: {  	v45 =	vld [tilespmem:s16+$0x1A0]  }
0x2c9: {  	v50 =	vld [tilespmem:s16+$0x1B0]  }
0x2ca: {  	s0 =	simm.s32 $0x0;
	v51 =	vld [tilespmem:s16+$0x120]  }
0x2cb: {  	v43 =	vld [tilespmem:s0+$0x1E800]  }
0x2cc: {  	v53 =	vld [tilespmem:s16+$0x130]  }
0x2cd: {  	v54 =	vld [tilespmem:s16+$0x140]  }
0x2ce: {  	v55 =	vld [tilespmem:s16+$0x150]  }
0x2cf: {  	v57 =	vld [tilespmem:s16+$0xC0]  }
0x2d0: {  	v61 =	vld [tilespmem:s16+$0xD0]  }
0x2d1: {  	v63 =	vld [tilespmem:s16+$0xE0]  }
0x2d2: {  	v8 =	vld [tilespmem:s16+$0xF0]  }
0x2d3: {  	v4 =	vld [tilespmem:s16+$0x60]  }
0x2d4: {  	v7 =	vld [tilespmem:s16+$0x70];
	v18 =	vbroadcast v43, $0xF  }
0x2d5: {  	v5 =	vld [tilespmem:s16+$0x80]  }
0x2d6: {  	v6 =	vld [tilespmem:s16+$0x90];
	v0 =	vmul.f32 v0, v18  }
0x2d7: {  	v56 =	vld [tilespmem:s16+$0x0]  }
0x2d8: {  	v58 =	vld [tilespmem:s16+$0x10];
	[tilespmem:$0x1FE90] =	vst v0;
	v0 =	vmul.f32 v2, v18;
	_ =	sdelay $0x1  }
0x2d9: {  	[tilespmem:$0x1FEA0] =	vst v0;
	v0 =	vmul.f32 v21, v18;
	_ =	sdelay $0x1  }
0x2da: {  	v19 =	vbroadcast v43, $0xE;
	v2 =	vld [tilespmem:s16+$0x20];
	[tilespmem:$0x1FEB0] =	vst v0;
	v0 =	vmul.f32 v23, v18;
	_ =	sdelay $0x1  }
0x2db: {  	[tilespmem:$0x1FEC0] =	vst v0;
	v0 =	vmul.f32 v28, v19  }
0x2dc: {  	v21 =	vld [tilespmem:s16+$0xFFFFFD00]  }
0x2dd: {  	v20 =	vbroadcast v43, $0xD;
	v23 =	vld [tilespmem:s16+$0xFFFFFD10];
	[tilespmem:$0x1FED0] =	vst v0;
	v0 =	vmul.f32 v29, v19  }
0x2de: {  	v22 =	vbroadcast v43, $0xC;
	v27 =	vbroadcast v43, $0xA  }
0x2df: {  	v24 =	vbroadcast v43, $0xB;
	[tilespmem:$0x1FEE0] =	vst v0;
	v0 =	vmul.f32 v37, v20  }
0x2e0: {  	v31 =	vbroadcast v43, $0x8;
	v52 =	vmul.f32 v25, v19;
	v25 =	vld [tilespmem:s16+$0xFFFFFD60]  }
0x2e1: {  	v49 =	vmul.f32 v26, v19;
	v26 =	vld [tilespmem:s16+$0xFFFFFD70];
	[tilespmem:$0x1FEF0] =	vst v0;
	v0 =	vmul.f32 v39, v20  }
0x2e2: {  	v30 =	vbroadcast v43, $0x9;
	v35 =	vbroadcast v43, $0x6  }
0x2e3: {  	v34 =	vbroadcast v43, $0x7;
	v1 =	vmul.f32 v45, v22;
	[tilespmem:$0x1FF00] =	vst v0  }
0x2e4: {  	v38 =	vbroadcast v43, $0x4;
	v36 =	vbroadcast v43, $0x5;
	v28 =	vld [tilespmem:s16+$0xFFFFFDC0]  }
0x2e5: {  	v46 =	vbroadcast v43, $0x0;
	v29 =	vld [tilespmem:s16+$0xFFFFFDD0];
	[tilespmem:$0x1FF10] =	vst v1;
	v1 =	vmul.f32 v50, v22  }
0x2e6: {  	v42 =	vbroadcast v43, $0x2;
	v40 =	vbroadcast v43, $0x3  }
0x2e7: {  	v3 =	vimm.f32 $0.0e+00;
	v43 =	vbroadcast v43, $0x1;
	v21 =	vmul.f32 v21, v46;
	[tilespmem:$0x1FF20] =	vst v1  }
0x2e8: {  	v60 =	vmul.f32 v32, v20;
	v23 =	vmul.f32 v23, v46;
	v1 =	vimm.f32 $0.0e+00;
	v32 =	vld [tilespmem:s16+$0xFFFFFE20]  }
0x2e9: {  	v62 =	vmul.f32 v44, v22;
	v9 =	vmul.f32 v51, v24;
	v21 =	vadd.f32 v21, v3;
	v48 =	vld [tilespmem:s16+$0xFFFFFE30];
	[tilespmem:$0x1FF30] =	vst v1  }
0x2ea: {  	v23 =	vadd.f32 v23, v3;
	v25 =	vmul.f32 v25, v43;
	v26 =	vmul.f32 v26, v43;
	v50 =	vld [tilespmem:s16+$0xFFFFFE80]  }
0x2eb: {  	v44 =	vmul.f32 v53, v24;
	v1 =	vmul.f32 v54, v24;
	v51 =	vld [tilespmem:s16+$0xFFFFFE90]  }
0x2ec: {  	v21 =	vadd.f32 v25, v21;
	v23 =	vadd.f32 v26, v23;
	v26 =	vld [tilespmem:s16+$0xFFFFFEE0];
	v28 =	vmul.f32 v28, v42  }
0x2ed: {  	v53 =	vld [tilespmem:s16+$0xFFFFFEF0];
	v25 =	vmul.f32 v29, v42;
	[tilespmem:$0x1FF40] =	vst v1;
	v1 =	vmul.f32 v55, v24  }
0x2ee: {  	v37 =	vld [tilespmem:s16+$0xFFFFFF50];
	v21 =	vadd.f32 v28, v21;
	v29 =	vmul.f32 v32, v40  }
0x2ef: {  	v23 =	vadd.f32 v25, v23;
	v28 =	vld [tilespmem:s16+$0xFFFFFF40];
	[tilespmem:$0x1FF50] =	vst v1;
	v25 =	vmul.f32 v48, v40  }
0x2f0: {  	v39 =	vld [tilespmem:s16+$0xFFFFFFB0];
	v54 =	vmul.f32 v50, v38;
	v21 =	vadd.f32 v29, v21  }
0x2f1: {  	v59 =	vmul.f32 v33, v20;
	v23 =	vadd.f32 v25, v23;
	v25 =	vmul.f32 v51, v38;
	v29 =	vld [tilespmem:s16+$0xFFFFFFA0]  }
0x2f2: {  	v45 =	vmul.f32 v57, v27;
	v47 =	vld [tilespmem:s16+$0x30];
	v26 =	vmul.f32 v26, v36;
	v21 =	vadd.f32 v54, v21  }
0x2f3: {  	v1 =	vmul.f32 v63, v27;
	v33 =	vld [tilespmem:s16+$0xFFFFFFC0];
	v23 =	vadd.f32 v25, v23;
	v25 =	vmul.f32 v53, v36  }
0x2f4: {  	v4 =	vmul.f32 v4, v30;
	v28 =	vmul.f32 v28, v35;
	v53 =	vld [tilespmem:s16+$0xFFFFFFD0];
	v21 =	vadd.f32 v26, v21  }
0x2f5: {  	v23 =	vadd.f32 v25, v23;
	v25 =	vmul.f32 v37, v35;
	v37 =	vld [tilespmem:s16+$0xFFFFFF60];
	[tilespmem:$0x1FF60] =	vst v1;
	v1 =	vmul.f32 v8, v27  }
0x2f6: {  	v7 =	vmul.f32 v7, v30;
	v26 =	vmul.f32 v29, v34;
	v57 =	vld [tilespmem:s16+$0xFFFFFF70]  }
0x2f7: {  	v21 =	vadd.f32 v28, v21;
	v23 =	vadd.f32 v25, v23;
	v25 =	vmul.f32 v39, v34;
	v39 =	vld [tilespmem:s16+$0xFFFFFF00];
	[tilespmem:$0x1FF70] =	vst v1  }
0x2f8: {  	v0 =	vmul.f32 v41, v22;
	v29 =	vmul.f32 v58, v31;
	v41 =	vld [tilespmem:s16+$0xFFFFFF10]  }
0x2f9: {  	v28 =	vmul.f32 v56, v31;
	v32 =	vld [tilespmem:s16+$0xFFFFFDE0];
	v21 =	vadd.f32 v26, v21;
	v23 =	vadd.f32 v25, v23  }
0x2fa: {  	v55 =	vmul.f32 v6, v30;
	v63 =	vmul.f32 v33, v34;
	v33 =	vld [tilespmem:s16+$0xFFFFFDF0]  }
0x2fb: {  	v51 =	vmul.f32 v61, v27;
	v25 =	vld [tilespmem:s16+$0xFFFFFEA0];
	v21 =	vadd.f32 v28, v21;
	v23 =	vadd.f32 v29, v23  }
0x2fc: {  	v54 =	vmul.f32 v5, v30;
	v61 =	vmul.f32 v47, v31;
	v26 =	vld [tilespmem:s16+$0xFFFFFEB0]  }
0x2fd: {  	v58 =	vmul.f32 v2, v31;
	v29 =	vld [tilespmem:s16+$0xFFFFFE40];
	v47 =	vadd.f32 v4, v21;
	v23 =	vadd.f32 v7, v23  }
0x2fe: {  	v50 =	vimm.f32 $0.0e+00;
	v2 =	vmul.f32 v53, v34;
	v28 =	vld [tilespmem:s16+$0xFFFFFE50];
	v56 =	vmul.f32 v39, v36  }
0x2ff: {  	v39 =	vld [tilespmem:s16+$0xFFFFFD90];
	v21 =	vmul.f32 v37, v35;
	v45 =	vadd.f32 v45, v47;
	v53 =	vadd.f32 v51, v23  }
0x300: {  	v37 =	vld [tilespmem:s16+$0xFFFFFD80];
	v23 =	vmul.f32 v57, v35;
	v57 =	vmul.f32 v41, v36;
	v51 =	vimm.f32 $0.0e+00  }
0x301: {  	s0 =	simm.s32 $0x40;
	v41 =	vld [tilespmem:s16+$0xFFFFFD20];
	v45 =	vadd.f32 v9, v45;
	v44 =	vadd.f32 v44, v53;
	v53 =	vimm.f32 $0.0e+00  }
.LBB2_12:
0x302: {  	_ = 	snop  }
0x303: {  	v0 =	vadd.f32 v0, v45  }
0x304: {  	v1 =	vld [tilespmem:$0x1FE90]  }
0x305: {  	v0 =	vadd.f32 v60, v0;
	_ =	sdelay $0x1  }
0x306: {  	v0 =	vadd.f32 v52, v0;
	_ =	sdelay $0x1  }
0x307: {  	v0 =	vadd.f32 v1, v0  }
0x308: {  	v44 =	vadd.f32 v62, v44  }
0x309: {  	[tilespmem:$0x1FE70] =	vst v0;
	v0 =	vld [tilespmem:$0x1FEA0]  }
0x30a: {  	v44 =	vadd.f32 v59, v44;
	_ =	sdelay $0x1  }
0x30b: {  	v44 =	vadd.f32 v49, v44;
	_ =	sdelay $0x1  }
0x30c: {  	v0 =	vadd.f32 v0, v44;
	_ =	sdelay $0x1  }
0x30d: {  	[tilespmem:$0x1FE80] =	vst v0;
	v0 =	vld [tilespmem:$0x1FF30];
	_ =	sdelay $0x2  }
0x30e: {  	v47 =	vld [tilespmem:s16+$0xFFFFFD30];
	v41 =	vmul.f32 v41, v46;
	_ =	sdelay $0x1  }
0x30f: {  	v5 =	vld [tilespmem:s16+$0xFFFFFD50];
	v37 =	vmul.f32 v37, v43;
	v0 =	vadd.f32 v41, v0  }
0x310: {  	v6 =	vld [tilespmem:s16+$0xFFFFFDA0]  }
0x311: {  	v7 =	vld [tilespmem:s16+$0xFFFFFDB0];
	v32 =	vmul.f32 v32, v42;
	v0 =	vadd.f32 v37, v0  }
0x312: {  	v47 =	vmul.f32 v47, v46  }
0x313: {  	v60 =	vld [tilespmem:s16+$0xFFFFFE00];
	v29 =	vmul.f32 v29, v40;
	v0 =	vadd.f32 v32, v0  }
0x314: {  	v25 =	vmul.f32 v25, v38;
	v39 =	vmul.f32 v39, v43;
	v53 =	vadd.f32 v47, v53  }
0x315: {  	v33 =	vmul.f32 v33, v42;
	v45 =	vmul.f32 v5, v46;
	v0 =	vadd.f32 v29, v0  }
0x316: {  	v4 =	vmul.f32 v6, v43;
	v6 =	vmul.f32 v7, v43;
	v7 =	vadd.f32 v39, v53  }
0x317: {  	v28 =	vmul.f32 v28, v40;
	v0 =	vadd.f32 v25, v0  }
0x318: {  	v45 =	vadd.f32 v45, v51;
	v51 =	vmul.f32 v60, v42;
	v60 =	vadd.f32 v33, v7  }
0x319: {  	v0 =	vadd.f32 v56, v0  }
0x31a: {  	v48 =	vld [tilespmem:s16+$0xFFFFFD40];
	v26 =	vmul.f32 v26, v38;
	v28 =	vadd.f32 v28, v60  }
0x31b: {  	v0 =	vadd.f32 v21, v0  }
0x31c: {  	v59 =	vld [tilespmem:s16+$0xFFFFFF20];
	v25 =	vadd.f32 v26, v28  }
0x31d: {  	v49 =	vld [tilespmem:s16+$0xFFFFFE10];
	v0 =	vadd.f32 v63, v0  }
0x31e: {  	v1 =	vld [tilespmem:$0x1FF60];
	v25 =	vadd.f32 v57, v25  }
0x31f: {  	v48 =	vmul.f32 v48, v46;
	v46 =	vld [tilespmem:s16+$0xFFFFFE60];
	v0 =	vadd.f32 v58, v0  }
0x320: {  	v5 =	vld [tilespmem:s16+$0xFFFFFE70];
	v21 =	vadd.f32 v23, v25  }
0x321: {  	v52 =	vld [tilespmem:s16+$0xFFFFFED0];
	v0 =	vadd.f32 v54, v0  }
0x322: {  	v48 =	vadd.f32 v48, v50;
	v50 =	vld [tilespmem:s16+$0xFFFFFEC0];
	v2 =	vadd.f32 v2, v21  }
0x323: {  	v0 =	vadd.f32 v1, v0;
	v1 =	vld [tilespmem:$0x1FF70]  }
0x324: {  	v47 =	vld [tilespmem:s16+$0xFFFFFFE0];
	v2 =	vadd.f32 v61, v2  }
0x325: {  	v43 =	vadd.f32 v6, v45;
	v6 =	vld [tilespmem:s16+$0xFFFFFF80];
	v53 =	vmul.f32 v49, v42  }
0x326: {  	v62 =	vmul.f32 v46, v40;
	v46 =	vmul.f32 v52, v38;
	v52 =	vld [tilespmem:s16+$0x50];
	v2 =	vadd.f32 v55, v2  }
0x327: {  	v44 =	vadd.f32 v4, v48;
	v4 =	vld [tilespmem:s16+$0xFFFFFF30]  }
0x328: {  	v5 =	vmul.f32 v5, v40;
	v42 =	vadd.f32 v53, v43;
	v2 =	vadd.f32 v1, v2;
	v1 =	vld [tilespmem:$0x1FF40]  }
0x329: {  	v7 =	vld [tilespmem:s16+$0xFFFFFF90];
	v39 =	vadd.f32 v51, v44  }
0x32a: {  	v53 =	vld [tilespmem:s16+$0xA0];
	v44 =	vadd.f32 v5, v42  }
0x32b: {  	v33 =	vadd.f32 v62, v39;
	v29 =	vmul.f32 v50, v38;
	v50 =	vld [tilespmem:s16+$0x40]  }
0x32c: {  	v48 =	vadd.f32 v46, v44;
	v49 =	vmul.f32 v4, v36;
	v28 =	vld [tilespmem:s16+$0xFFFFFFF0]  }
0x32d: {  	s1 =	sshra.s32 s0, $0x2;
	v26 =	vmul.f32 v59, v36;
	v29 =	vadd.f32 v29, v33;
	v0 =	vadd.f32 v1, v0;
	v1 =	vld [tilespmem:$0x1FF50]  }
0x32e: {  	v51 =	vmul.f32 v6, v35;
	v59 =	vld [tilespmem:s1+$0x1E800]  }
0x32f: {  	v32 =	vmul.f32 v7, v35;
	v26 =	vadd.f32 v26, v29;
	v29 =	vadd.f32 v49, v48;
	v56 =	vld [tilespmem:s16+$0x100]  }
0x330: {  	v57 =	vld [tilespmem:s16+$0x110];
	v23 =	vmul.f32 v47, v34  }
0x331: {  	v25 =	vld [tilespmem:s16+$0xB0];
	v26 =	vadd.f32 v51, v26;
	v29 =	vadd.f32 v32, v29;
	v28 =	vmul.f32 v28, v34  }
0x332: {  	v21 =	vmul.f32 v50, v31;
	v2 =	vadd.f32 v1, v2;
	v1 =	vld [tilespmem:$0x1FF10]  }
0x333: {  	v23 =	vadd.f32 v23, v26;
	v26 =	vadd.f32 v28, v29;
	v28 =	vmul.f32 v52, v31;
	v29 =	vld [tilespmem:s16+$0x160]  }
0x334: {  	v58 =	vld [tilespmem:s16+$0x170]  }
0x335: {  	v21 =	vadd.f32 v21, v23;
	v23 =	vadd.f32 v28, v26;
	v26 =	vld [tilespmem:s16+$0x1C0]  }
0x336: {  	v31 =	vmul.f32 v53, v30;
	v25 =	vmul.f32 v25, v30;
	v30 =	vld [tilespmem:s16+$0x1D0]  }
0x337: {  	v0 =	vadd.f32 v1, v0;
	v1 =	vld [tilespmem:$0x1FF20]  }
0x338: {  	v28 =	vmul.f32 v56, v27;
	v21 =	vadd.f32 v31, v21;
	v31 =	vld [tilespmem:s16+$0x230]  }
0x339: {  	v23 =	vadd.f32 v25, v23;
	v25 =	vmul.f32 v57, v27;
	v27 =	vld [tilespmem:s16+$0x220]  }
0x33a: {  	v21 =	vadd.f32 v28, v21;
	v28 =	vld [tilespmem:s16+$0x290]  }
0x33b: {  	v29 =	vmul.f32 v29, v24;
	v23 =	vadd.f32 v25, v23;
	v25 =	vld [tilespmem:s16+$0x280]  }
0x33c: {  	v24 =	vmul.f32 v58, v24;
	v2 =	vadd.f32 v1, v2;
	v1 =	vld [tilespmem:$0x1FEF0]  }
0x33d: {  	v21 =	vadd.f32 v29, v21;
	v29 =	vld [tilespmem:s16+$0x2F0]  }
0x33e: {  	v26 =	vmul.f32 v26, v22;
	v23 =	vadd.f32 v24, v23;
	v24 =	vld [tilespmem:s16+$0x2E0];
	s16 =	sadd.s32 $0x600, s16  }
0x33f: {  	v32 =	vld [tilespmem:s16+$0x2A0]  }
0x340: {  	v21 =	vadd.f32 v26, v21;
	v26 =	vld [tilespmem:s16+$0x2B0]  }
0x341: {  	v0 =	vadd.f32 v1, v0;
	v1 =	vld [tilespmem:$0x1FF00]  }
0x342: {  	v33 =	vld [tilespmem:s16+$0x240]  }
0x343: {  	v37 =	vld [tilespmem:s16+$0x270]  }
0x344: {  	v39 =	vld [tilespmem:s16+$0x1E0]  }
0x345: {  	v41 =	vld [tilespmem:s16+$0x1F0]  }
0x346: {  	v2 =	vadd.f32 v1, v2;
	v1 =	vld [tilespmem:$0x1FED0]  }
0x347: {  	v44 =	vld [tilespmem:s16+$0x200]  }
0x348: {  	v47 =	vld [tilespmem:s16+$0x210]  }
0x349: {  	v48 =	vld [tilespmem:s16+$0x180]  }
0x34a: {  	v54 =	vld [tilespmem:s16+$0x190]  }
0x34b: {  	v0 =	vadd.f32 v1, v0;
	v1 =	vld [tilespmem:$0x1FEE0]  }
0x34c: {  	v55 =	vld [tilespmem:s16+$0x1A0]  }
0x34d: {  	v56 =	vld [tilespmem:s16+$0x1B0]  }
0x34e: {  	v57 =	vld [tilespmem:s16+$0x120]  }
0x34f: {  	v58 =	vld [tilespmem:s16+$0x130]  }
0x350: {  	v2 =	vadd.f32 v1, v2;
	v1 =	vld [tilespmem:$0x1FEB0]  }
0x351: {  	v61 =	vld [tilespmem:s16+$0x140]  }
0x352: {  	v63 =	vld [tilespmem:s16+$0x150]  }
0x353: {  	v3 =	vld [tilespmem:s16+$0xD0]  }
0x354: {  	v35 =	vbroadcast v59, $0x6;
	v34 =	vbroadcast v59, $0x7;
	v4 =	vld [tilespmem:s16+$0xE0]  }
0x355: {  	v38 =	vbroadcast v59, $0x4;
	v36 =	vbroadcast v59, $0x5;
	v45 =	vld [tilespmem:s16+$0xF0];
	v0 =	vadd.f32 v1, v0  }
0x356: {  	v42 =	vbroadcast v59, $0x2;
	v22 =	vmul.f32 v30, v22;
	v5 =	vld [tilespmem:s16+$0x70]  }
0x357: {  	v40 =	vbroadcast v59, $0x3;
	v46 =	vbroadcast v59, $0x0;
	[tilespmem:$0x1FF30] =	vst v0;
	v0 =	vld [tilespmem:$0x1FEC0]  }
0x358: {  	v27 =	vmul.f32 v27, v20;
	v20 =	vmul.f32 v31, v20;
	v6 =	vld [tilespmem:s16+$0x0];
	v22 =	vadd.f32 v22, v23  }
0x359: {  	v43 =	vbroadcast v59, $0x1;
	v30 =	vbroadcast v59, $0x9;
	v7 =	vld [tilespmem:s16+$0x10]  }
0x35a: {  	v8 =	vld [tilespmem:s16+$0x20];
	v23 =	vmul.f32 v25, v19;
	v19 =	vmul.f32 v28, v19;
	v20 =	vadd.f32 v20, v22  }
0x35b: {  	v31 =	vbroadcast v59, $0x8;
	v25 =	vld [tilespmem:s16+$0x2C0];
	v21 =	vadd.f32 v27, v21;
	v22 =	vmul.f32 v24, v18  }
0x35c: {  	v18 =	vmul.f32 v29, v18;
	v19 =	vadd.f32 v19, v20;
	v53 =	vadd.f32 v0, v2;
	v0 =	vld [tilespmem:s16+$0x260]  }
0x35d: {  	v28 =	vld [tilespmem:s16+$0x2D0];
	v27 =	vbroadcast v59, $0xA;
	v21 =	vadd.f32 v23, v21;
	v24 =	vbroadcast v59, $0xB  }
0x35e: {  	v29 =	vld [tilespmem:s16+$0x250];
	v20 =	vbroadcast v59, $0xD;
	v51 =	vadd.f32 v18, v19;
	v18 =	vbroadcast v59, $0xF  }
0x35f: {  	v23 =	vld [tilespmem:s16+$0x90];
	v4 =	vmul.f32 v4, v27;
	v19 =	vbroadcast v59, $0xE  }
0x360: {  	v50 =	vadd.f32 v22, v21;
	v22 =	vbroadcast v59, $0xC;
	v21 =	vld [tilespmem:s16+$0x80];
	v9 =	vmul.f32 v32, v18  }
0x361: {  	v60 =	vmul.f32 v39, v20;
	v39 =	vld [tilespmem:s16+$0xFFFFFE30];
	[tilespmem:$0x1FF60] =	vst v4;
	v0 =	vmul.f32 v0, v19  }
0x362: {  	v59 =	vmul.f32 v41, v20;
	v41 =	vld [tilespmem:s16+$0xFFFFFF60];
	v25 =	vmul.f32 v25, v18;
	[tilespmem:$0x1FE90] =	vst v9  }
0x363: {  	v4 =	vld [tilespmem:s16+$0xFFFFFF00];
	[tilespmem:$0x1FED0] =	vst v0;
	v0 =	vmul.f32 v37, v19  }
0x364: {  	v49 =	vmul.f32 v29, v19;
	v29 =	vld [tilespmem:s16+$0xFFFFFD70];
	[tilespmem:$0x1FEB0] =	vst v25;
	v25 =	vmul.f32 v28, v18  }
0x365: {  	v9 =	vmul.f32 v26, v18;
	v26 =	vld [tilespmem:s16+$0xFFFFFD10];
	[tilespmem:$0x1FEE0] =	vst v0;
	v0 =	vmul.f32 v44, v20  }
0x366: {  	[tilespmem:$0x1FEC0] =	vst v25;
	v25 =	vld [tilespmem:s16+$0xFFFFFD00]  }
0x367: {  	v28 =	vld [tilespmem:s16+$0xFFFFFD60];
	[tilespmem:$0x1FEF0] =	vst v0;
	v0 =	vmul.f32 v47, v20  }
0x368: {  	v47 =	vmul.f32 v55, v22;
	v55 =	vld [tilespmem:$0x1FE70]  }
0x369: {  	[tilespmem:$0x1FF00] =	vst v0;
	v0 =	vmul.f32 v48, v22;
	v48 =	vmul.f32 v56, v22;
	v56 =	vld [tilespmem:$0x1FE80]  }
0x36a: {  	v61 =	vmul.f32 v61, v24;
	v32 =	vld [tilespmem:s16+$0xFFFFFDC0]  }
0x36b: {  	v52 =	vmul.f32 v33, v19;
	v33 =	vld [tilespmem:s16+$0xFFFFFDD0];
	v25 =	vmul.f32 v25, v46  }
0x36c: {  	v62 =	vmul.f32 v54, v22;
	v54 =	vld [tilespmem:s16+$0xFFFFFE20];
	v26 =	vmul.f32 v26, v46  }
0x36d: {  	[tilespmem:$0x1FF40] =	vst v61;
	v61 =	vld [tilespmem:s16+$0xFFFFFFA0];
	v28 =	vmul.f32 v28, v43;
	v25 =	vadd.f32 v25, v55  }
0x36e: {  	v29 =	vmul.f32 v29, v43;
	v44 =	vmul.f32 v57, v24;
	v57 =	vld [tilespmem:s16+$0xFFFFFE80];
	v26 =	vadd.f32 v26, v56  }
0x36f: {  	v32 =	vmul.f32 v32, v42;
	[tilespmem:$0x1FF10] =	vst v47;
	v47 =	vld [tilespmem:s16+$0xFFFFFE90];
	v25 =	vadd.f32 v28, v25  }
0x370: {  	v37 =	vld [tilespmem:s16+$0xFFFFFEF0];
	v28 =	vmul.f32 v33, v42;
	v26 =	vadd.f32 v29, v26  }
0x371: {  	v33 =	vmul.f32 v54, v40;
	v29 =	vld [tilespmem:s16+$0xFFFFFEE0];
	v25 =	vadd.f32 v32, v25  }
0x372: {  	v32 =	vld [tilespmem:s16+$0xFFFFFF40];
	v26 =	vadd.f32 v28, v26;
	v28 =	vmul.f32 v39, v40  }
0x373: {  	[tilespmem:$0x1FEA0] =	vst v9;
	v39 =	vmul.f32 v57, v38;
	v57 =	vld [tilespmem:s16+$0xFFFFFF50];
	v25 =	vadd.f32 v33, v25  }
0x374: {  	v9 =	vld [tilespmem:s16+$0x30];
	[tilespmem:$0x1FF20] =	vst v48;
	v48 =	vmul.f32 v58, v24;
	v26 =	vadd.f32 v28, v26;
	v28 =	vmul.f32 v47, v38  }
0x375: {  	v58 =	vmul.f32 v63, v24;
	v63 =	vld [tilespmem:s16+$0xFFFFFFB0];
	v54 =	vmul.f32 v21, v30;
	v25 =	vadd.f32 v39, v25  }
0x376: {  	v1 =	vld [tilespmem:s16+$0xC0];
	v29 =	vmul.f32 v29, v36;
	v26 =	vadd.f32 v28, v26;
	v28 =	vmul.f32 v37, v36  }
0x377: {  	v2 =	vld [tilespmem:s16+$0x60];
	v21 =	vmul.f32 v41, v35;
	v32 =	vmul.f32 v32, v35  }
0x378: {  	v41 =	vld [tilespmem:s16+$0xFFFFFD20];
	v25 =	vadd.f32 v29, v25;
	v26 =	vadd.f32 v28, v26;
	v28 =	vmul.f32 v57, v35  }
0x379: {  	v33 =	vld [tilespmem:s16+$0xFFFFFDF0];
	v29 =	vmul.f32 v61, v34  }
0x37a: {  	v39 =	vld [tilespmem:s16+$0xFFFFFFD0];
	v32 =	vadd.f32 v32, v25;
	v26 =	vadd.f32 v28, v26;
	v28 =	vmul.f32 v63, v34  }
0x37b: {  	v6 =	vmul.f32 v6, v31;
	v7 =	vmul.f32 v7, v31;
	v37 =	vld [tilespmem:s16+$0xFFFFFFC0]  }
0x37c: {  	v47 =	vld [tilespmem:s16+$0xFFFFFF10];
	v25 =	vmul.f32 v45, v27;
	v32 =	vadd.f32 v29, v32;
	v28 =	vadd.f32 v28, v26  }
0x37d: {  	v3 =	vmul.f32 v3, v27;
	v5 =	vmul.f32 v5, v30;
	v57 =	vld [tilespmem:s16+$0xFFFFFF70]  }
0x37e: {  	v2 =	vmul.f32 v2, v30;
	[tilespmem:$0x1FF70] =	vst v25;
	v25 =	vld [tilespmem:s16+$0xFFFFFEA0];
	v6 =	vadd.f32 v6, v32;
	v7 =	vadd.f32 v7, v28  }
0x37f: {  	p0 =	sne.s32 s0, $0xFC0;
	v1 =	vmul.f32 v1, v27;
	v55 =	vmul.f32 v23, v30;
	v29 =	vld [tilespmem:s16+$0xFFFFFE40]  }
.Ltmp5:
0x380: {  	v63 =	vmul.f32 v37, v34;
	v37 =	vld [tilespmem:s16+$0xFFFFFD80];
	v6 =	vadd.f32 v2, v6;
	v5 =	vadd.f32 v5, v7;
	(pc) =	sbr.rel @p0 .LBB2_12-.Ltmp5, $4  }
0x381: {  	[tilespmem:$0x1FF50] =	vst v58;
	v58 =	vmul.f32 v8, v31;
	v56 =	vmul.f32 v4, v36;
	v26 =	vld [tilespmem:s16+$0xFFFFFEB0]  }
0x382: {  	v61 =	vmul.f32 v9, v31;
	v32 =	vld [tilespmem:s16+$0xFFFFFDE0];
	v1 =	vadd.f32 v1, v6;
	v3 =	vadd.f32 v3, v5  }
0x383: {  	v23 =	vmul.f32 v57, v35;
	v57 =	vmul.f32 v47, v36;
	v28 =	vld [tilespmem:s16+$0xFFFFFE50]  }
0x384: {  	s0 =	sadd.s32 $0x40, s0;
	v2 =	vmul.f32 v39, v34;
	v39 =	vld [tilespmem:s16+$0xFFFFFD90];
	v45 =	vadd.f32 v44, v1;
	v44 =	vadd.f32 v48, v3  }
0x385: {  	v1 =	vld [tilespmem:s16+$0xFFFFFD30]  }
0x386: {  	v4 =	vld [tilespmem:s16+$0xFFFFFD40]  }
0x387: {  	v7 =	vmul.f32 v29, v40;
	v8 =	vld [tilespmem:s16+$0xFFFFFD50]  }
0x388: {  	v29 =	vmul.f32 v37, v43;
	v37 =	vmul.f32 v41, v46;
	v41 =	vld [tilespmem:s16+$0xFFFFFE10]  }
0x389: {  	v48 =	vld [tilespmem:$0x1FF30]  }
0x38a: {  	v6 =	vmul.f32 v26, v38;
	v26 =	vld [tilespmem:s16+$0xFFFFFDA0]  }
0x38b: {  	v0 =	vadd.f32 v0, v45;
	v5 =	vadd.f32 v62, v44;
	v62 =	vld [tilespmem:$0x1FEA0]  }
0x38c: {  	v3 =	vmul.f32 v25, v38;
	v44 =	vld [tilespmem:s16+$0x40]  }
0x38d: {  	v9 =	vmul.f32 v32, v42;
	v32 =	vld [tilespmem:s16+$0xFFFFFDB0];
	v0 =	vadd.f32 v60, v0;
	v5 =	vadd.f32 v59, v5  }
0x38e: {  	v25 =	vmul.f32 v28, v40;
	v28 =	vmul.f32 v33, v42;
	v59 =	vld [tilespmem:$0x1FE90]  }
0x38f: {  	v33 =	vmul.f32 v39, v43;
	v0 =	vadd.f32 v52, v0;
	v52 =	vld [tilespmem:s16+$0xFFFFFE00];
	v5 =	vadd.f32 v49, v5  }
0x390: {  	v60 =	vld [tilespmem:s16+$0xFFFFFE60];
	v1 =	vmul.f32 v1, v46;
	v4 =	vmul.f32 v4, v46  }
0x391: {  	v8 =	vmul.f32 v8, v46;
	v37 =	vadd.f32 v37, v48;
	v49 =	vld [tilespmem:s16+$0xFFFFFE70];
	v5 =	vadd.f32 v62, v5  }
0x392: {  	v46 =	vld [tilespmem:s16+$0x50];
	v26 =	vmul.f32 v26, v43;
	v1 =	vadd.f32 v1, v53;
	v4 =	vadd.f32 v4, v50  }
0x393: {  	v8 =	vadd.f32 v8, v51;
	v32 =	vmul.f32 v32, v43;
	v50 =	vld [tilespmem:s16+$0xFFFFFEC0];
	v29 =	vadd.f32 v29, v37  }
0x394: {  	v0 =	vadd.f32 v59, v0;
	v1 =	vadd.f32 v33, v1;
	v51 =	vmul.f32 v52, v42;
	v52 =	vld [tilespmem:s16+$0xFFFFFED0]  }
0x395: {  	v53 =	vmul.f32 v41, v42;
	v59 =	vld [tilespmem:s16+$0xFFFFFF20];
	v4 =	vadd.f32 v26, v4;
	v8 =	vadd.f32 v32, v8  }
0x396: {  	v62 =	vld [tilespmem:s16+$0xFFFFFF30];
	v60 =	vmul.f32 v60, v40;
	v9 =	vadd.f32 v9, v29;
	v1 =	vadd.f32 v28, v1  }
0x397: {  	v39 =	vmul.f32 v49, v40;
	v40 =	vld [tilespmem:s16+$0xFFFFFF80];
	v8 =	vadd.f32 v53, v8;
	v4 =	vadd.f32 v51, v4  }
0x398: {  	v41 =	vld [tilespmem:s16+$0xFFFFFF90];
	v7 =	vadd.f32 v7, v9;
	v9 =	vmul.f32 v50, v38;
	v1 =	vadd.f32 v25, v1  }
0x399: {  	v43 =	vld [tilespmem:s16+$0xFFFFFFE0];
	v8 =	vadd.f32 v39, v8;
	v4 =	vadd.f32 v60, v4;
	v42 =	vmul.f32 v52, v38  }
0x39a: {  	v3 =	vadd.f32 v3, v7;
	v7 =	vld [tilespmem:s16+$0xFFFFFFF0];
	v1 =	vadd.f32 v6, v1;
	v6 =	vmul.f32 v59, v36  }
0x39b: {  	v48 =	vld [tilespmem:s16+$0xB0];
	v4 =	vadd.f32 v9, v4;
	v9 =	vmul.f32 v62, v36;
	v8 =	vadd.f32 v42, v8  }
0x39c: {  	v49 =	vld [tilespmem:s16+$0x110];
	v45 =	vmul.f32 v40, v35;
	v1 =	vadd.f32 v57, v1  }
0x39d: {  	v4 =	vadd.f32 v6, v4;
	v6 =	vadd.f32 v9, v8;
	v8 =	vmul.f32 v41, v35;
	v9 =	vld [tilespmem:s16+$0xA0]  }
0x39e: {  	v53 =	vld [tilespmem:$0x1FF60];
	v47 =	vmul.f32 v43, v34;
	v1 =	vadd.f32 v23, v1  }
0x39f: {  	v7 =	vmul.f32 v7, v34;
	v4 =	vadd.f32 v45, v4;
	v6 =	vadd.f32 v8, v6;
	v8 =	vld [tilespmem:s16+$0x100]  }
0x3a0: {  	v50 =	vld [tilespmem:s16+$0x160];
	v3 =	vadd.f32 v56, v3;
	v1 =	vadd.f32 v2, v1;
	v2 =	vmul.f32 v44, v31  }
0x3a1: {  	v51 =	vld [tilespmem:s16+$0x170];
	v4 =	vadd.f32 v47, v4;
	v6 =	vadd.f32 v7, v6;
	v7 =	vmul.f32 v46, v31  }
0x3a2: {  	v60 =	vld [tilespmem:$0x1FF10];
	v3 =	vadd.f32 v21, v3;
	v9 =	vmul.f32 v9, v30  }
0x3a3: {  	v2 =	vadd.f32 v2, v4;
	v4 =	vadd.f32 v7, v6;
	v6 =	vmul.f32 v48, v30;
	v7 =	vld [tilespmem:s16+$0x1C0]  }
0x3a4: {  	v52 =	vld [tilespmem:s16+$0x1D0];
	v3 =	vadd.f32 v63, v3;
	v1 =	vadd.f32 v61, v1;
	v8 =	vmul.f32 v8, v27  }
0x3a5: {  	v2 =	vadd.f32 v9, v2;
	v9 =	vld [tilespmem:s16+$0x220];
	v4 =	vadd.f32 v6, v4;
	v6 =	vmul.f32 v49, v27  }
0x3a6: {  	v21 =	vmul.f32 v50, v24;
	v3 =	vadd.f32 v58, v3;
	v1 =	vadd.f32 v55, v1;
	v55 =	vld [tilespmem:s16+$0x230]  }
0x3a7: {  	v56 =	vld [tilespmem:$0x1FF40];
	v2 =	vadd.f32 v8, v2;
	v4 =	vadd.f32 v6, v4;
	v6 =	vmul.f32 v51, v24  }
0x3a8: {  	v58 =	vld [tilespmem:s16+$0x290];
	v3 =	vadd.f32 v54, v3;
	v7 =	vmul.f32 v7, v22  }
0x3a9: {  	v62 =	vld [tilespmem:$0x1FEF0];
	v2 =	vadd.f32 v21, v2;
	v4 =	vadd.f32 v6, v4;
	v6 =	vmul.f32 v52, v22  }
0x3aa: {  	v54 =	vld [tilespmem:$0x1FF70];
	v3 =	vadd.f32 v53, v3;
	v9 =	vmul.f32 v9, v20  }
0x3ab: {  	v57 =	vld [tilespmem:$0x1FF50];
	v2 =	vadd.f32 v7, v2;
	v4 =	vadd.f32 v6, v4;
	v6 =	vmul.f32 v55, v20  }
0x3ac: {  	v61 =	vld [tilespmem:$0x1FF20];
	v3 =	vadd.f32 v56, v3  }
0x3ad: {  	v2 =	vadd.f32 v9, v2;
	v9 =	vld [tilespmem:$0x1FED0];
	v4 =	vadd.f32 v6, v4;
	v6 =	vmul.f32 v58, v19  }
0x3ae: {  	v3 =	vadd.f32 v60, v3;
	v7 =	vld [tilespmem:s16+$0x2F0]  }
0x3af: {  	v1 =	vadd.f32 v54, v1;
	v4 =	vadd.f32 v6, v4;
	v6 =	vld [tilespmem:$0x1FEB0]  }
0x3b0: {  	v63 =	vld [tilespmem:$0x1FF00];
	v3 =	vadd.f32 v62, v3  }
0x3b1: {  	v8 =	vld [tilespmem:s16+$0x280];
	v1 =	vadd.f32 v57, v1  }
0x3b2: {  	v3 =	vadd.f32 v9, v3;
	v9 =	vld [tilespmem:$0x1FEE0]  }
0x3b3: {  	v59 =	vld [tilespmem:s16+$0x2E0];
	v1 =	vadd.f32 v61, v1  }
0x3b4: {  	v3 =	vadd.f32 v6, v3;
	v6 =	vmul.f32 v7, v18;
	v7 =	vld [tilespmem:$0x1FEC0]  }
0x3b5: {  	v1 =	vadd.f32 v63, v1  }
0x3b6: {  	v8 =	vmul.f32 v8, v19  }
0x3b7: {  	v1 =	vadd.f32 v9, v1  }
0x3b8: {  	v0 =	vmul.f32 $9.765625000e-04, v0;
	v2 =	vadd.f32 v8, v2;
	v9 =	vmul.f32 v59, v18  }
0x3b9: {  	v5 =	vmul.f32 $9.765625000e-04, v5;
	v1 =	vadd.f32 v7, v1  }
0x3ba: {  	[tilespmem:$0x1FA58] =	vst v0;
	v0 =	vmul.f32 $9.765625000e-04, v3;
	v2 =	vadd.f32 v9, v2  }
0x3bb: {  	[tilespmem:$0x1FA68] =	vst v5;
	v3 =	vadd.f32 v6, v4;
	v1 =	vmul.f32 $9.765625000e-04, v1  }
0x3bc: {  	[tilespmem:$0x1FA78] =	vst v0;
	v0 =	vmul.f32 $9.765625000e-04, v2  }
0x3bd: {  	[tilespmem:$0x1FA88] =	vst v1;
	v1 =	vmul.f32 $9.765625000e-04, v3  }
0x3be: {  	[tilespmem:$0x1FA98] =	vst v0  }
0x3bf: {  	s2 =	simm.s32 $0x0;
	s0 =	rddreg [dreg:$0x5];
	s1 =	simm.s32 $0x1FA58;
	[tilespmem:$0x1FAA8] =	vst v1  }
0x3c0: {  	[hbm4b:s0+s2] =	stream.linear.scatter [tilespmem:s1], [sflag:$0x1], $0x60, $0x38;
	[tilespmem:$0x1FAB8] =	vst v63  }
0x3c1: {  	s1 =	simm.s32 $0x1  }
0x3c2: {  	_ =	swait.ge [sflag:s1], $0x60  }
0x3c3: {  	v3 =	vld [tilespmem:$0x1FF80]  }
0x3c4: {  	s15 =	sadd.s32 $0x1, s15;
	s31 =	rddreg [dreg:$0x6];
	v5 =	vld [tilespmem:$0x1FF90]  }
0x3c5: {  	v6 =	vld [tilespmem:$0x1FFA0];
	p0 =	sne.s32 s15, s31  }
.Ltmp6:
0x3c6: {  	v7 =	vld [tilespmem:$0x1FFB0];
	(pc) =	sbr.rel @p0 .LBB2_1-.Ltmp6, $4  }
0x3c7: {  	v8 =	vld [tilespmem:$0x1FFC0]  }
0x3c8: {  	v9 =	vld [tilespmem:$0x1FFD0]  }
0x3c9: {  	[sflag:s1] =	ssyncset.done $0x0;
	v57 =	vld [tilespmem:$0x1FFE0]  }
0x3ca: {  	v4 =	vimm.f32 $0.0e+00;
	v1 =	vlaneseq.u32;
	v58 =	vld [tilespmem:$0x1FFF0];
	[sflag:s1] =	ssyncadd.s32 $0xFFFFFFA0  }
0x3cb: {  	_ =	sfence.sel $0x180000  }
0x3cc: {  	[bflag:$0x0] =	sbarrier.arrive $0xFFFF  }
0x3cd: {  	_ =	strace $0x90000047  }
0x3ce: {  	s0 =	stileid.u32;
	[bflag:$0x2] =	sbarrier.arrive $0xFFFF  }
0x3cf: {  	p0 =	sne.s32 s0, $0x0;
	s0 =	rddreg [dreg:$0x1]  }
0x3d0: {  	s0 =	sadd.s32 @!p0 $0x100000, s0  }
0x3d1: {  	[sflag:s0] =	ssyncadd.tile.s32 @!p0 $0x1;
	_ =	shalt  }
.Lfunc_end2:
_tile_overlayer_lowered:
.L_overlay_start_2:
0x3d2: {  	(tag) =	ssettag $0x2  }
0x3d3: {  	s0 =	rddreg [dreg:$0x0];
	s2 =	stileid.u32  }
0x3d4: {  	s1 =	rddreg [dreg:$0x1];
	p0 =	sne.s32 s2, $0x0  }
0x3d5: {  	s3 =	rddreg [dreg:$0x2];
	[bflag:$0x3] =	sbarrier.arrive $0xFFFF;
	s2 =	simm.s32 @!p0 $0x1C01  }
0x3d6: {  	[timem:s3], [sflag:s2] =	dma.local @!p0 [hbm:s0], s1  }
0x3d7: {  	s0 =	simm.s32 @!p0 $0x1  }
0x3d8: {  	_ =	swait.ge @!p0 [sflag:s0], s1  }
0x3d9: {  	s1 =	ssub.s32 @!p0 $0x0, s1;
	[sflag:s0] =	ssyncset.done @!p0 $0x0  }
0x3da: {  	[sflag:s0] =	ssyncadd.s32 @!p0 s1  }
0x3db: {  	[bflag:$0x3] =	sbarrier.arrive $0xFFFF  }
0x3dc: {  	_ =	shalt  }

</sc_bundles>
